<compile_context>
chip_gen: v7x
topology: tpu7x:2x2x1
jax: 0.10.2.dev20260603
libtpu: 0.0.44.dev20260713+nightly
codegen_flags: <defaults>
</compile_context>

<pallas_src>
import functools

import jax
import jax.numpy as jnp
from jax import lax
from jax.experimental import pallas as pl
from jax.experimental.pallas import tpu as pltpu
from jax.experimental.pallas import tpu_sc as plsc

_EMBED = 64
_HIST = 50
_LANES = 16
_LOG_AGE_MEAN = 3.0


def _sc_user_gather(batch, n_workers, vocab):
    b_per_w = batch // n_workers
    k_inflight = 4
    mesh = plsc.VectorSubcoreMesh(core_axis_name="c", subcore_axis_name="s")

    @functools.partial(
        pl.kernel,
        out_type=jax.ShapeDtypeStruct((batch, _EMBED), jnp.float32),
        mesh=mesh,
        compiler_params=pltpu.CompilerParams(needs_layout_passes=False),
        scratch_types=[
            pltpu.VMEM((b_per_w + _LANES,), jnp.int32),
            pltpu.VMEM((2, k_inflight, _EMBED, 128), jnp.float32),
            pltpu.VMEM((b_per_w, _EMBED), jnp.float32),
            pltpu.SemaphoreType.DMA,
            pltpu.SemaphoreType.DMA,
        ],
    )
    def k(user_table_t, user_id, out, idx_v, tiles_v, rows_v, sem, sem2):
        wid = lax.axis_index("s") * 2 + lax.axis_index("c")
        base = wid * b_per_w
        pltpu.sync_copy(user_id.at[pl.ds(base, b_per_w)],
                        idx_v.at[pl.ds(0, b_per_w)])
        eight = _EMBED // _LANES

        n_rounds = b_per_w // k_inflight
        iota = lax.iota(jnp.int32, _LANES)

        def fire(r, buf):
            vec = idx_v[pl.ds(r * k_inflight, _LANES)]
            for l in range(k_inflight):
                tile = pl.multiple_of((vec[l] >> 7) << 7, 128)
                pltpu.async_copy(
                    user_table_t.at[:, pl.ds(tile, 128)],
                    tiles_v.at[buf, l], sem)

        def extract(r, buf):
            vec = idx_v[pl.ds(r * k_inflight, _LANES)]
            for l in range(k_inflight):
                pltpu.make_async_copy(
                    user_table_t.at[:, pl.ds(0, 128)],
                    tiles_v.at[buf, l], sem).wait()
            for l in range(k_inflight):
                col = jnp.full((_LANES,), vec[l] & 127, jnp.int32)
                for c in range(eight):
                    e_vec = c * _LANES + iota
                    vals = plsc.load_gather(tiles_v.at[buf, l], [e_vec, col])
                    rows_v[r * k_inflight + l, pl.ds(c * _LANES, _LANES)] = vals

        fire(0, 0)

        def body(r, _):
            buf = r & 1
            @pl.when(r + 1 < n_rounds)
            def _():
                fire(r + 1, (r + 1) & 1)
            extract(r, buf)
            return 0

        lax.fori_loop(0, n_rounds, body, 0, unroll=2)
        pltpu.sync_copy(rows_v, out.at[pl.ds(base, b_per_w)])

    return k


def _tc_row_major(vocab):
    bn = 8192

    def body(xt_ref, o_ref):
        xt = xt_ref[...]
        rows = lax.broadcasted_iota(jnp.int32, (_EMBED, 128), 0)
        cols = lax.broadcasted_iota(jnp.int32, (_EMBED, 128), 1)
        eye = (rows == cols).astype(jnp.float32)
        o_ref[...] = lax.dot_general(
            xt, eye, (((0,), (0,)), ((), ())),
            preferred_element_type=jnp.float32)

    def apply(tab_t):
        return pl.pallas_call(
            body,
            grid=(pl.cdiv(vocab, bn),),
            in_specs=[pl.BlockSpec((_EMBED, bn), lambda i: (0, i))],
            out_specs=pl.BlockSpec((bn, 128), lambda i: (i, 0)),
            out_shape=jax.ShapeDtypeStruct((vocab, 128), jnp.float32),
        )(tab_t)

    return apply


def _sc_gather(batch, n_workers):
    b_per_w = batch // n_workers
    mesh = plsc.VectorSubcoreMesh(core_axis_name="c", subcore_axis_name="s")

    @functools.partial(
        pl.kernel,
        out_type=jax.ShapeDtypeStruct((6, batch, _EMBED), jnp.float32),
        mesh=mesh,
        compiler_params=pltpu.CompilerParams(use_tc_tiling_on_sc=False),
        scratch_types=[
            pltpu.VMEM((3, b_per_w), jnp.int32),
            pltpu.VMEM((3, _HIST, b_per_w), jnp.int32),
            pltpu.VMEM((3, b_per_w, _EMBED), jnp.float32),
            pltpu.VMEM((3, b_per_w, _EMBED), jnp.float32),
            pltpu.SemaphoreType.DMA,
            pltpu.SemaphoreType.DMA,
        ],
    )
    def k(seed_id, seed_artist_id, seed_album_id,
          hist_item_t, hist_artist_t, hist_album_t,
          item_table, artist_table, album_table, order_dep,
          out, idx_v, hidx_v, rows_v, acc_v, sem_u, sem_h):
        del order_dep
        wid = lax.axis_index("s") * 2 + lax.axis_index("c")
        base = wid * b_per_w

        pltpu.sync_copy(seed_id.at[pl.ds(base, b_per_w)], idx_v.at[0])
        pltpu.sync_copy(seed_artist_id.at[pl.ds(base, b_per_w)], idx_v.at[1])
        pltpu.sync_copy(seed_album_id.at[pl.ds(base, b_per_w)], idx_v.at[2])
        pltpu.sync_copy(hist_item_t.at[:, pl.ds(base, b_per_w)], hidx_v.at[0])
        pltpu.sync_copy(hist_artist_t.at[:, pl.ds(base, b_per_w)], hidx_v.at[1])
        pltpu.sync_copy(hist_album_t.at[:, pl.ds(base, b_per_w)], hidx_v.at[2])

        zero = jnp.zeros((_LANES,), jnp.float32)

        def zero_body(i, _):
            for t in range(3):
                for c in range(_EMBED // _LANES):
                    acc_v[t, i, pl.ds(c * _LANES, _LANES)] = zero
            return 0

        lax.fori_loop(0, b_per_w, zero_body, 0)

        tables = (item_table, artist_table, album_table)

        ds = [pltpu.async_copy(tables[t].at[idx_v.at[t]], rows_v.at[t], sem_u)
              for t in range(3)]

        def issue_body(j, _):
            for t in range(3):
                pltpu.async_copy(
                    tables[t].at[hidx_v.at[t, j]], acc_v.at[t], sem_h, add=True)
            return 0

        lax.fori_loop(0, _HIST, issue_body, 0)

        for d in ds:
            d.wait()
        for t in range(3):
            pltpu.sync_copy(rows_v.at[t], out.at[3 + t, pl.ds(base, b_per_w)])

        def drain_body(j, _):
            for t in range(3):
                pltpu.make_async_copy(
                    tables[t].at[hidx_v.at[t, j]], acc_v.at[t], sem_h).wait()
            return 0

        lax.fori_loop(0, _HIST, drain_body, 0)

        scale = jnp.full((_LANES,), 1.0 / _HIST, jnp.float32)

        def scale_body(i, _):
            for t in range(3):
                for c in range(_EMBED // _LANES):
                    sl = pl.ds(c * _LANES, _LANES)
                    acc_v[t, i, sl] = acc_v[t, i, sl] * scale
            return 0

        lax.fori_loop(0, b_per_w, scale_body, 0)
        for t in range(3):
            pltpu.sync_copy(acc_v.at[t], out.at[t, pl.ds(base, b_per_w)])

    return k


def _mlp_body(u_ref, x_ref, htl_ref, sl_ref, age_ref, w1_ref, ws_ref, b1_ref,
              w2_ref, b2_ref, out_ref):
    xcat = jnp.concatenate(
        [u_ref[...]] + [x_ref[t] for t in range(6)], axis=1)
    s = jnp.dot(xcat, w1_ref[...], preferred_element_type=jnp.float32,
                precision=lax.Precision.HIGHEST)
    hl = jnp.sum(htl_ref[...], axis=1, keepdims=True) * (1.0 / _HIST)
    age_n = jnp.log1p(age_ref[...]) - _LOG_AGE_MEAN
    s = s + hl * ws_ref[0:1, :] + sl_ref[...] * ws_ref[1:2, :] \
        + age_n * ws_ref[2:3, :]
    h = jnp.maximum(s + b1_ref[...], 0.0)
    out_ref[...] = jnp.dot(h, w2_ref[...], preferred_element_type=jnp.float32,
                           precision=lax.Precision.HIGHEST) + b2_ref[...]


def kernel(user_id, history_id, history_artist_id, history_album_id,
           history_track_length, seed_id, seed_artist_id, seed_album_id,
           seed_track_length, age,
           user_table, item_table, artist_table, album_table,
           W1, b1, W2, b2):
    batch = user_id.shape[0]
    n_workers = 32
    def _row_major(tab):
        vocab = tab.shape[0]
        rm = _tc_row_major(vocab)(tab.T)
        return jnp.reshape(rm, (2 * vocab, _EMBED))

    user_rows = _sc_user_gather(batch, n_workers, user_table.shape[0])(
        user_table.T, user_id)
    item_rm = _row_major(item_table)
    artist_rm = _row_major(artist_table)
    album_rm = _row_major(album_table)
    emb = _sc_gather(batch, n_workers)(
        seed_id * 2, seed_artist_id * 2, seed_album_id * 2,
        history_id.T * 2, history_artist_id.T * 2, history_album_id.T * 2,
        item_rm, artist_rm, album_rm, user_rows)

    w1_emb = jnp.concatenate([W1[0:256], W1[257:449]], axis=0)
    w_scal = jnp.stack([W1[256], W1[449], W1[450]], axis=0)

    hidden1 = W1.shape[1]
    hidden2 = W2.shape[1]
    bm = 512
    grid = (batch // bm,)
    out = pl.pallas_call(
        _mlp_body,
        grid=grid,
        in_specs=[
            pl.BlockSpec((bm, _EMBED), lambda i: (i, 0)),
            pl.BlockSpec((6, bm, _EMBED), lambda i: (0, i, 0)),
            pl.BlockSpec((bm, _HIST), lambda i: (i, 0)),
            pl.BlockSpec((bm, 1), lambda i: (i, 0)),
            pl.BlockSpec((bm, 1), lambda i: (i, 0)),
            pl.BlockSpec((7 * _EMBED, hidden1), lambda i: (0, 0)),
            pl.BlockSpec((3, hidden1), lambda i: (0, 0)),
            pl.BlockSpec((1, hidden1), lambda i: (0, 0)),
            pl.BlockSpec((hidden1, hidden2), lambda i: (0, 0)),
            pl.BlockSpec((1, hidden2), lambda i: (0, 0)),
        ],
        out_specs=pl.BlockSpec((bm, hidden2), lambda i: (i, 0)),
        out_shape=jax.ShapeDtypeStruct((batch, hidden2), jnp.float32),
    )(user_rows, emb, history_track_length, seed_track_length[:, None],
      age[:, None], w1_emb, w_scal, b1[None, :], W2, b2[None, :])
    return out

# --- scband reference (transcript-rebuilt; emitter-appended) ---
"""Pipeline reference for scband-query-tower-23630910062722 (READ-ONLY COPY).

The authoritative reference and input builder live on the scoring server;
editing this copy changes nothing except your own understanding.
"""

import jax, jax.numpy as jnp
import numpy as np

USER_VOCAB = 1000000
ITEM_VOCAB = 1000000
ARTIST_VOCAB = 100000
ALBUM_VOCAB = 100000
EMBED = 64
BATCH = 4096
HIST = 50
INPUT_SIZE = 7 * EMBED + 3  # 451
HIDDEN = [256, 128]
LOG_AGE_MEAN = 3.0
LOG_AGE_STD = 1.0


def setup_inputs(seed: int = 0) -> dict:
    key = jax.random.key(seed)
    ks = jax.random.split(key, 20)
    inp = {}
    inp['user_id'] = jax.random.randint(ks[0], (BATCH,), 0, USER_VOCAB, dtype=jnp.int32)
    inp['history_id'] = jax.random.randint(ks[1], (BATCH, HIST), 0, ITEM_VOCAB, dtype=jnp.int32)
    inp['history_artist_id'] = jax.random.randint(ks[2], (BATCH, HIST), 0, ARTIST_VOCAB, dtype=jnp.int32)
    inp['history_album_id'] = jax.random.randint(ks[3], (BATCH, HIST), 0, ALBUM_VOCAB, dtype=jnp.int32)
    inp['history_track_length'] = jax.random.uniform(ks[4], (BATCH, HIST), dtype=jnp.float32)
    inp['seed_id'] = jax.random.randint(ks[5], (BATCH,), 0, ITEM_VOCAB, dtype=jnp.int32)
    inp['seed_artist_id'] = jax.random.randint(ks[6], (BATCH,), 0, ARTIST_VOCAB, dtype=jnp.int32)
    inp['seed_album_id'] = jax.random.randint(ks[7], (BATCH,), 0, ALBUM_VOCAB, dtype=jnp.int32)
    inp['seed_track_length'] = jax.random.uniform(ks[8], (BATCH,), dtype=jnp.float32)
    inp['age'] = jax.random.uniform(ks[9], (BATCH,), dtype=jnp.float32) * 100.0
    # learned parameters (xavier-normal style scaling)
    inp['user_table'] = jax.random.normal(ks[10], (USER_VOCAB, EMBED), dtype=jnp.float32) * 0.02
    inp['item_table'] = jax.random.normal(ks[11], (ITEM_VOCAB, EMBED), dtype=jnp.float32) * 0.02
    inp['artist_table'] = jax.random.normal(ks[12], (ARTIST_VOCAB, EMBED), dtype=jnp.float32) * 0.02
    inp['album_table'] = jax.random.normal(ks[13], (ALBUM_VOCAB, EMBED), dtype=jnp.float32) * 0.02
    inp['W1'] = jax.random.normal(ks[14], (INPUT_SIZE, HIDDEN[0]), dtype=jnp.float32) * (2.0 / (INPUT_SIZE + HIDDEN[0])) ** 0.5
    inp['b1'] = jnp.zeros((HIDDEN[0],), dtype=jnp.float32)
    inp['W2'] = jax.random.normal(ks[15], (HIDDEN[0], HIDDEN[1]), dtype=jnp.float32) * (2.0 / (HIDDEN[0] + HIDDEN[1])) ** 0.5
    inp['b2'] = jnp.zeros((HIDDEN[1],), dtype=jnp.float32)
    return inp


def reference(user_id, history_id, history_artist_id, history_album_id,
              history_track_length, seed_id, seed_artist_id, seed_album_id,
              seed_track_length, age,
              user_table, item_table, artist_table, album_table,
              W1, b1, W2, b2):
    user_emb = jnp.take(user_table, user_id, axis=0)                     # [B, E]
    hist_item = jnp.take(item_table, history_id, axis=0).mean(axis=1)    # [B, E]
    hist_artist = jnp.take(artist_table, history_artist_id, axis=0).mean(axis=1)
    hist_album = jnp.take(album_table, history_album_id, axis=0).mean(axis=1)
    hist_len = history_track_length.mean(axis=1)[:, None]                # [B, 1]
    seed_item = jnp.take(item_table, seed_id, axis=0)
    seed_artist = jnp.take(artist_table, seed_artist_id, axis=0)
    seed_album = jnp.take(album_table, seed_album_id, axis=0)
    seed_len = seed_track_length[:, None]
    # training-mode age normalization (module defaults to training=True)
    age_n = ((jnp.log1p(age) - LOG_AGE_MEAN) / LOG_AGE_STD)[:, None]
    x = jnp.concatenate([user_emb, hist_item, hist_artist, hist_album, hist_len,
                         seed_item, seed_artist, seed_album, seed_len, age_n], axis=1)
    h = jax.nn.relu(x @ W1 + b1)
    out = h @ W2 + b2  # final ReLU is stripped by layers[:-1]
    return out


if False:  # reference __main__ guard neutralized (emitter)
    out = reference(**setup_inputs())
    print(out.shape)

if __name__ == "__main__":
    import jax
    _d = setup_inputs()
    print(jax.jit(kernel)(*tuple(_d.values())))

</pallas_src>

<mosaic_0001>
#map = affine_map<(d0, d1) -> (0, 0)>
#map1 = affine_map<(d0, d1) -> (0)>
module attributes {stable_mosaic.version = 14 : i64} {
  func.func @k(%arg0: i32, %arg1: i32, %arg2: memref<64x1000000xf32, #tpu.memory_space<hbm>>, %arg3: memref<4096xi32, #tpu.memory_space<hbm>>, %arg4: memref<4096x64xf32, #tpu.memory_space<hbm>>, %arg5: memref<144xi32, #tpu.memory_space<vmem>>, %arg6: memref<2x4x64x128xf32, #tpu.memory_space<vmem>>, %arg7: memref<128x64xf32, #tpu.memory_space<vmem>>, %arg8: memref<!tpu.dma_semaphore, #tpu.memory_space<semaphore_mem>>, %arg9: memref<!tpu.dma_semaphore, #tpu.memory_space<semaphore_mem>>) attributes {dimension_semantics = [#tpu.dimension_semantics<core_parallel>, #tpu.dimension_semantics<subcore_parallel>], iteration_bounds = array<i64: 2, 16>, scalar_prefetch = 0 : i64, scratch_operands = 5 : i64, tpu.core_type = #tpu.core_type<sc_vector_subcore>, window_params = [{transform_indices = #map}, {transform_indices = #map1}, {transform_indices = #map}]} {
    %mul3A = arith.constant 2 : i32
    %mul3A_0 = arith.muli %arg1, %mul3A : i32
    %add3A = arith.addi %mul3A_0, %arg0 : i32
    %mul3A_1 = arith.constant 128 : i32
    %mul3A_2 = arith.muli %add3A, %mul3A_1 : i32
    "tpu.region"() ({
      %run_scoped3A = tpu.sem_alloc : memref<!tpu.dma_semaphore, #tpu.memory_space<semaphore_mem>>
      %dma_start3A_88 = arith.constant 0 : i32
      %dma_start3A_89 = tpu.memref_slice %arg5[%dma_start3A_88] : memref<144xi32, #tpu.memory_space<vmem>> -> memref<128xi32, #tpu.memory_space<vmem>>
      %dma_start3A_90 = tpu.memref_slice %arg3[%mul3A_2] : memref<4096xi32, #tpu.memory_space<hbm>> -> memref<128xi32, #tpu.memory_space<hbm>>
      %dma_start3A_91 = arith.constant 0 : i32
      %dma_start3A_92 = tpu.memref_slice %arg5[%dma_start3A_91] : memref<144xi32, #tpu.memory_space<vmem>> -> memref<128xi32, #tpu.memory_space<vmem>>
      %dma_start3A_93 = tpu.memref_slice %arg3[%mul3A_2] : memref<4096xi32, #tpu.memory_space<hbm>> -> memref<128xi32, #tpu.memory_space<hbm>>
      tpu.enqueue_dma source(%dma_start3A_93 : memref<128xi32, #tpu.memory_space<hbm>>) target(%dma_start3A_92 : memref<128xi32, #tpu.memory_space<vmem>>) target_semaphore(%run_scoped3A : memref<!tpu.dma_semaphore, #tpu.memory_space<semaphore_mem>>)
      %dma_wait3A = arith.constant 0 : i32
      %dma_wait3A_94 = tpu.memref_slice %arg5[%dma_wait3A] : memref<144xi32, #tpu.memory_space<vmem>> -> memref<128xi32, #tpu.memory_space<vmem>>
      %dma_wait3A_95 = tpu.memref_slice %arg3[%mul3A_2] : memref<4096xi32, #tpu.memory_space<hbm>> -> memref<128xi32, #tpu.memory_space<hbm>>
      %dma_wait3A_96 = arith.constant 0 : i32
      %dma_wait3A_97 = tpu.memref_slice %arg5[%dma_wait3A_96] : memref<144xi32, #tpu.memory_space<vmem>> -> memref<128xi32, #tpu.memory_space<vmem>>
      %dma_wait3A_98 = tpu.memref_slice %arg3[%mul3A_2] : memref<4096xi32, #tpu.memory_space<hbm>> -> memref<128xi32, #tpu.memory_space<hbm>>
      tpu.wait_dma2 semaphore(%run_scoped3A : memref<!tpu.dma_semaphore, #tpu.memory_space<semaphore_mem>>) src(%dma_wait3A_98 : memref<128xi32, #tpu.memory_space<hbm>>) dst(%dma_wait3A_97 : memref<128xi32, #tpu.memory_space<vmem>>)
      tpu.yield
    }) : () -> ()
    %iota3A = tpu.iota {dimensions = array<i32: 0>} : vector<16xi32>
    %get3A = arith.constant 0 : index
    %get3A_3 = tpu.vector_load %arg5[%get3A] {strides = array<i32>} : memref<144xi32, #tpu.memory_space<vmem>>, vector<16xi32>,
    %slice3A = vector.extract_strided_slice %get3A_3 {offsets = [0], sizes = [1], strides = [1]} : vector<16xi32> to vector<1xi32>
    %squeeze3A = vector.extract %slice3A[0] : i32 from vector<1xi32>
    %shift_right_arithmetic3A = arith.constant 7 : i32
    %shift_right_arithmetic3A_4 = arith.shrsi %squeeze3A, %shift_right_arithmetic3A : i32
    %shift_left3A = arith.constant 7 : i32
    %shift_left3A_5 = arith.shli %shift_right_arithmetic3A_4, %shift_left3A : i32
    %multiple_of3A = tpu.assume_multiple %shift_left3A_5, 128 : i32
    %dma_start3A = arith.constant 0 : i32
    %dma_start3A_6 = arith.constant 0 : i32
    %dma_start3A_7 = arith.constant 0 : i32
    %dma_start3A_8 = arith.constant 0 : i32
    %dma_start3A_9 = tpu.memref_slice %arg6[%dma_start3A, %dma_start3A_6, %dma_start3A_7, %dma_start3A_8] : memref<2x4x64x128xf32, #tpu.memory_space<vmem>> -> memref<1x1x64x128xf32, #tpu.memory_space<vmem>>
    %dma_start3A_10 = tpu.memref_squeeze %dma_start3A_9 : memref<1x1x64x128xf32, #tpu.memory_space<vmem>> -> memref<64x128xf32, #tpu.memory_space<vmem>>
    %dma_start3A_11 = arith.constant 0 : i32
    %dma_start3A_12 = tpu.memref_slice %arg2[%dma_start3A_11, %multiple_of3A] : memref<64x1000000xf32, #tpu.memory_space<hbm>> -> memref<64x128xf32, #tpu.memory_space<hbm>>
    %dma_start3A_13 = arith.constant 0 : i32
    %dma_start3A_14 = arith.constant 0 : i32
    %dma_start3A_15 = tpu.memref_slice %arg6[%dma_start3A, %dma_start3A_6, %dma_start3A_13, %dma_start3A_14] : memref<2x4x64x128xf32, #tpu.memory_space<vmem>> -> memref<1x1x64x128xf32, #tpu.memory_space<vmem>>
    %dma_start3A_16 = tpu.memref_squeeze %dma_start3A_15 : memref<1x1x64x128xf32, #tpu.memory_space<vmem>> -> memref<64x128xf32, #tpu.memory_space<vmem>>
    %dma_start3A_17 = arith.constant 0 : i32
    %dma_start3A_18 = tpu.memref_slice %arg2[%dma_start3A_17, %multiple_of3A] : memref<64x1000000xf32, #tpu.memory_space<hbm>> -> memref<64x128xf32, #tpu.memory_space<hbm>>
    tpu.enqueue_dma source(%dma_start3A_18 : memref<64x128xf32, #tpu.memory_space<hbm>>) target(%dma_start3A_16 : memref<64x128xf32, #tpu.memory_space<vmem>>) target_semaphore(%arg8 : memref<!tpu.dma_semaphore, #tpu.memory_space<semaphore_mem>>)
    %slice3A_19 = vector.extract_strided_slice %get3A_3 {offsets = [1], sizes = [1], strides = [1]} : vector<16xi32> to vector<1xi32>
    %squeeze3A_20 = vector.extract %slice3A_19[0] : i32 from vector<1xi32>
    %shift_right_arithmetic3A_21 = arith.constant 7 : i32
    %shift_right_arithmetic3A_22 = arith.shrsi %squeeze3A_20, %shift_right_arithmetic3A_21 : i32
    %shift_left3A_23 = arith.constant 7 : i32
    %shift_left3A_24 = arith.shli %shift_right_arithmetic3A_22, %shift_left3A_23 : i32
    %multiple_of3A_25 = tpu.assume_multiple %shift_left3A_24, 128 : i32
    %dma_start3A_26 = arith.constant 0 : i32
    %dma_start3A_27 = arith.constant 1 : i32
    %dma_start3A_28 = arith.constant 0 : i32
    %dma_start3A_29 = arith.constant 0 : i32
    %dma_start3A_30 = tpu.memref_slice %arg6[%dma_start3A_26, %dma_start3A_27, %dma_start3A_28, %dma_start3A_29] : memref<2x4x64x128xf32, #tpu.memory_space<vmem>> -> memref<1x1x64x128xf32, #tpu.memory_space<vmem>>
    %dma_start3A_31 = tpu.memref_squeeze %dma_start3A_30 : memref<1x1x64x128xf32, #tpu.memory_space<vmem>> -> memref<64x128xf32, #tpu.memory_space<vmem>>
    %dma_start3A_32 = arith.constant 0 : i32
    %dma_start3A_33 = tpu.memref_slice %arg2[%dma_start3A_32, %multiple_of3A_25] : memref<64x1000000xf32, #tpu.memory_space<hbm>> -> memref<64x128xf32, #tpu.memory_space<hbm>>
    %dma_start3A_34 = arith.constant 0 : i32
    %dma_start3A_35 = arith.constant 0 : i32
    %dma_start3A_36 = tpu.memref_slice %arg6[%dma_start3A_26, %dma_start3A_27, %dma_start3A_34, %dma_start3A_35] : memref<2x4x64x128xf32, #tpu.memory_space<vmem>> -> memref<1x1x64x128xf32, #tpu.memory_space<vmem>>
    %dma_start3A_37 = tpu.memref_squeeze %dma_start3A_36 : memref<1x1x64x128xf32, #tpu.memory_space<vmem>> -> memref<64x128xf32, #tpu.memory_space<vmem>>
    %dma_start3A_38 = arith.constant 0 : i32
    %dma_start3A_39 = tpu.memref_slice %arg2[%dma_start3A_38, %multiple_of3A_25] : memref<64x1000000xf32, #tpu.memory_space<hbm>> -> memref<64x128xf32, #tpu.memory_space<hbm>>
    tpu.enqueue_dma source(%dma_start3A_39 : memref<64x128xf32, #tpu.memory_space<hbm>>) target(%dma_start3A_37 : memref<64x128xf32, #tpu.memory_space<vmem>>) target_semaphore(%arg8 : memref<!tpu.dma_semaphore, #tpu.memory_space<semaphore_mem>>)
    %slice3A_40 = vector.extract_strided_slice %get3A_3 {offsets = [2], sizes = [1], strides = [1]} : vector<16xi32> to vector<1xi32>
    %squeeze3A_41 = vector.extract %slice3A_40[0] : i32 from vector<1xi32>
    %shift_right_arithmetic3A_42 = arith.constant 7 : i32
    %shift_right_arithmetic3A_43 = arith.shrsi %squeeze3A_41, %shift_right_arithmetic3A_42 : i32
    %shift_left3A_44 = arith.constant 7 : i32
    %shift_left3A_45 = arith.shli %shift_right_arithmetic3A_43, %shift_left3A_44 : i32
    %multiple_of3A_46 = tpu.assume_multiple %shift_left3A_45, 128 : i32
    %dma_start3A_47 = arith.constant 0 : i32
    %dma_start3A_48 = arith.constant 2 : i32
    %dma_start3A_49 = arith.constant 0 : i32
    %dma_start3A_50 = arith.constant 0 : i32
    %dma_start3A_51 = tpu.memref_slice %arg6[%dma_start3A_47, %dma_start3A_48, %dma_start3A_49, %dma_start3A_50] : memref<2x4x64x128xf32, #tpu.memory_space<vmem>> -> memref<1x1x64x128xf32, #tpu.memory_space<vmem>>
    %dma_start3A_52 = tpu.memref_squeeze %dma_start3A_51 : memref<1x1x64x128xf32, #tpu.memory_space<vmem>> -> memref<64x128xf32, #tpu.memory_space<vmem>>
    %dma_start3A_53 = arith.constant 0 : i32
    %dma_start3A_54 = tpu.memref_slice %arg2[%dma_start3A_53, %multiple_of3A_46] : memref<64x1000000xf32, #tpu.memory_space<hbm>> -> memref<64x128xf32, #tpu.memory_space<hbm>>
    %dma_start3A_55 = arith.constant 0 : i32
    %dma_start3A_56 = arith.constant 0 : i32
    %dma_start3A_57 = tpu.memref_slice %arg6[%dma_start3A_47, %dma_start3A_48, %dma_start3A_55, %dma_start3A_56] : memref<2x4x64x128xf32, #tpu.memory_space<vmem>> -> memref<1x1x64x128xf32, #tpu.memory_space<vmem>>
    %dma_start3A_58 = tpu.memref_squeeze %dma_start3A_57 : memref<1x1x64x128xf32, #tpu.memory_space<vmem>> -> memref<64x128xf32, #tpu.memory_space<vmem>>
    %dma_start3A_59 = arith.constant 0 : i32
    %dma_start3A_60 = tpu.memref_slice %arg2[%dma_start3A_59, %multiple_of3A_46] : memref<64x1000000xf32, #tpu.memory_space<hbm>> -> memref<64x128xf32, #tpu.memory_space<hbm>>
    tpu.enqueue_dma source(%dma_start3A_60 : memref<64x128xf32, #tpu.memory_space<hbm>>) target(%dma_start3A_58 : memref<64x128xf32, #tpu.memory_space<vmem>>) target_semaphore(%arg8 : memref<!tpu.dma_semaphore, #tpu.memory_space<semaphore_mem>>)
    %slice3A_61 = vector.extract_strided_slice %get3A_3 {offsets = [3], sizes = [1], strides = [1]} : vector<16xi32> to vector<1xi32>
    %squeeze3A_62 = vector.extract %slice3A_61[0] : i32 from vector<1xi32>
    %shift_right_arithmetic3A_63 = arith.constant 7 : i32
    %shift_right_arithmetic3A_64 = arith.shrsi %squeeze3A_62, %shift_right_arithmetic3A_63 : i32
    %shift_left3A_65 = arith.constant 7 : i32
    %shift_left3A_66 = arith.shli %shift_right_arithmetic3A_64, %shift_left3A_65 : i32
    %multiple_of3A_67 = tpu.assume_multiple %shift_left3A_66, 128 : i32
    %dma_start3A_68 = arith.constant 0 : i32
    %dma_start3A_69 = arith.constant 3 : i32
    %dma_start3A_70 = arith.constant 0 : i32
    %dma_start3A_71 = arith.constant 0 : i32
    %dma_start3A_72 = tpu.memref_slice %arg6[%dma_start3A_68, %dma_start3A_69, %dma_start3A_70, %dma_start3A_71] : memref<2x4x64x128xf32, #tpu.memory_space<vmem>> -> memref<1x1x64x128xf32, #tpu.memory_space<vmem>>
    %dma_start3A_73 = tpu.memref_squeeze %dma_start3A_72 : memref<1x1x64x128xf32, #tpu.memory_space<vmem>> -> memref<64x128xf32, #tpu.memory_space<vmem>>
    %dma_start3A_74 = arith.constant 0 : i32
    %dma_start3A_75 = tpu.memref_slice %arg2[%dma_start3A_74, %multiple_of3A_67] : memref<64x1000000xf32, #tpu.memory_space<hbm>> -> memref<64x128xf32, #tpu.memory_space<hbm>>
    %dma_start3A_76 = arith.constant 0 : i32
    %dma_start3A_77 = arith.constant 0 : i32
    %dma_start3A_78 = tpu.memref_slice %arg6[%dma_start3A_68, %dma_start3A_69, %dma_start3A_76, %dma_start3A_77] : memref<2x4x64x128xf32, #tpu.memory_space<vmem>> -> memref<1x1x64x128xf32, #tpu.memory_space<vmem>>
    %dma_start3A_79 = tpu.memref_squeeze %dma_start3A_78 : memref<1x1x64x128xf32, #tpu.memory_space<vmem>> -> memref<64x128xf32, #tpu.memory_space<vmem>>
    %dma_start3A_80 = arith.constant 0 : i32
    %dma_start3A_81 = tpu.memref_slice %arg2[%dma_start3A_80, %multiple_of3A_67] : memref<64x1000000xf32, #tpu.memory_space<hbm>> -> memref<64x128xf32, #tpu.memory_space<hbm>>
    tpu.enqueue_dma source(%dma_start3A_81 : memref<64x128xf32, #tpu.memory_space<hbm>>) target(%dma_start3A_79 : memref<64x128xf32, #tpu.memory_space<vmem>>) target_semaphore(%arg8 : memref<!tpu.dma_semaphore, #tpu.memory_space<semaphore_mem>>)
    %scan3A = arith.constant 0 : i32
    %scan3A_82 = arith.constant 0 : i32
    %scan3A_83 = arith.constant 32 : i32
    %scan3A_84 = arith.addi %scan3A_82, %scan3A_83 : i32
    %scan3A_85 = arith.constant 2 : i32
    %scan3A_86 = scf.for %scan3A_88 = %scan3A_82 to %scan3A_84 step %scan3A_85 iter_args(%scan3A_89 = %scan3A) -> (i32)  : i32 {
      %and3A = arith.constant 1 : i32
      %and3A_90 = arith.andi %scan3A_88, %and3A : i32
      %add3A_91 = arith.constant 1 : i32
      %add3A_92 = arith.addi %scan3A_88, %add3A_91 : i32
      %lt3A = arith.constant 32 : i32
      %lt3A_93 = arith.cmpi slt, %add3A_92, %lt3A : i32
      %convert_element_type3A = arith.extui %lt3A_93 : i1 to i32
      %cond3A = arith.constant 0 : i32
      %cond3A_94 = arith.cmpi ne, %convert_element_type3A, %cond3A : i32
      scf.if %cond3A_94 {
        %add3A_784 = arith.constant 1 : i32
        %add3A_785 = arith.addi %scan3A_88, %add3A_784 : i32
        %add3A_786 = arith.constant 1 : i32
        %add3A_787 = arith.addi %scan3A_88, %add3A_786 : i32
        %and3A_788 = arith.constant 1 : i32
        %and3A_789 = arith.andi %add3A_787, %and3A_788 : i32
        %mul3A_790 = arith.constant 4 : i32
        %mul3A_791 = arith.muli %add3A_785, %mul3A_790 : i32
        %get3A_792 = arith.index_cast %mul3A_791 : i32 to index
        %get3A_793 = tpu.vector_load %arg5[%get3A_792] {strides = array<i32>} : memref<144xi32, #tpu.memory_space<vmem>>, vector<16xi32>,
        %slice3A_794 = vector.extract_strided_slice %get3A_793 {offsets = [0], sizes = [1], strides = [1]} : vector<16xi32> to vector<1xi32>
        %squeeze3A_795 = vector.extract %slice3A_794[0] : i32 from vector<1xi32>
        %shift_right_arithmetic3A_796 = arith.constant 7 : i32
        %shift_right_arithmetic3A_797 = arith.shrsi %squeeze3A_795, %shift_right_arithmetic3A_796 : i32
        %shift_left3A_798 = arith.constant 7 : i32
        %shift_left3A_799 = arith.shli %shift_right_arithmetic3A_797, %shift_left3A_798 : i32
        %multiple_of3A_800 = tpu.assume_multiple %shift_left3A_799, 128 : i32
        %dma_start3A_801 = arith.constant 0 : i32
        %dma_start3A_802 = arith.constant 0 : i32
        %dma_start3A_803 = arith.constant 0 : i32
        %dma_start3A_804 = tpu.memref_slice %arg6[%and3A_789, %dma_start3A_801, %dma_start3A_802, %dma_start3A_803] : memref<2x4x64x128xf32, #tpu.memory_space<vmem>> -> memref<1x1x64x128xf32, #tpu.memory_space<vmem>>
        %dma_start3A_805 = tpu.memref_squeeze %dma_start3A_804 : memref<1x1x64x128xf32, #tpu.memory_space<vmem>> -> memref<64x128xf32, #tpu.memory_space<vmem>>
        %dma_start3A_806 = arith.constant 0 : i32
        %dma_start3A_807 = tpu.memref_slice %arg2[%dma_start3A_806, %multiple_of3A_800] : memref<64x1000000xf32, #tpu.memory_space<hbm>> -> memref<64x128xf32, #tpu.memory_space<hbm>>
        %dma_start3A_808 = arith.constant 0 : i32
        %dma_start3A_809 = arith.constant 0 : i32
        %dma_start3A_810 = tpu.memref_slice %arg6[%and3A_789, %dma_start3A_801, %dma_start3A_808, %dma_start3A_809] : memref<2x4x64x128xf32, #tpu.memory_space<vmem>> -> memref<1x1x64x128xf32, #tpu.memory_space<vmem>>
        %dma_start3A_811 = tpu.memref_squeeze %dma_start3A_810 : memref<1x1x64x128xf32, #tpu.memory_space<vmem>> -> memref<64x128xf32, #tpu.memory_space<vmem>>
        %dma_start3A_812 = arith.constant 0 : i32
        %dma_start3A_813 = tpu.memref_slice %arg2[%dma_start3A_812, %multiple_of3A_800] : memref<64x1000000xf32, #tpu.memory_space<hbm>> -> memref<64x128xf32, #tpu.memory_space<hbm>>
        tpu.enqueue_dma source(%dma_start3A_813 : memref<64x128xf32, #tpu.memory_space<hbm>>) target(%dma_start3A_811 : memref<64x128xf32, #tpu.memory_space<vmem>>) target_semaphore(%arg8 : memref<!tpu.dma_semaphore, #tpu.memory_space<semaphore_mem>>)
        %slice3A_814 = vector.extract_strided_slice %get3A_793 {offsets = [1], sizes = [1], strides = [1]} : vector<16xi32> to vector<1xi32>
        %squeeze3A_815 = vector.extract %slice3A_814[0] : i32 from vector<1xi32>
        %shift_right_arithmetic3A_816 = arith.constant 7 : i32
        %shift_right_arithmetic3A_817 = arith.shrsi %squeeze3A_815, %shift_right_arithmetic3A_816 : i32
        %shift_left3A_818 = arith.constant 7 : i32
        %shift_left3A_819 = arith.shli %shift_right_arithmetic3A_817, %shift_left3A_818 : i32
        %multiple_of3A_820 = tpu.assume_multiple %shift_left3A_819, 128 : i32
        %dma_start3A_821 = arith.constant 1 : i32
        %dma_start3A_822 = arith.constant 0 : i32
        %dma_start3A_823 = arith.constant 0 : i32
        %dma_start3A_824 = tpu.memref_slice %arg6[%and3A_789, %dma_start3A_821, %dma_start3A_822, %dma_start3A_823] : memref<2x4x64x128xf32, #tpu.memory_space<vmem>> -> memref<1x1x64x128xf32, #tpu.memory_space<vmem>>
        %dma_start3A_825 = tpu.memref_squeeze %dma_start3A_824 : memref<1x1x64x128xf32, #tpu.memory_space<vmem>> -> memref<64x128xf32, #tpu.memory_space<vmem>>
        %dma_start3A_826 = arith.constant 0 : i32
        %dma_start3A_827 = tpu.memref_slice %arg2[%dma_start3A_826, %multiple_of3A_820] : memref<64x1000000xf32, #tpu.memory_space<hbm>> -> memref<64x128xf32, #tpu.memory_space<hbm>>
        %dma_start3A_828 = arith.constant 0 : i32
        %dma_start3A_829 = arith.constant 0 : i32
        %dma_start3A_830 = tpu.memref_slice %arg6[%and3A_789, %dma_start3A_821, %dma_start3A_828, %dma_start3A_829] : memref<2x4x64x128xf32, #tpu.memory_space<vmem>> -> memref<1x1x64x128xf32, #tpu.memory_space<vmem>>
        %dma_start3A_831 = tpu.memref_squeeze %dma_start3A_830 : memref<1x1x64x128xf32, #tpu.memory_space<vmem>> -> memref<64x128xf32, #tpu.memory_space<vmem>>
        %dma_start3A_832 = arith.constant 0 : i32
        %dma_start3A_833 = tpu.memref_slice %arg2[%dma_start3A_832, %multiple_of3A_820] : memref<64x1000000xf32, #tpu.memory_space<hbm>> -> memref<64x128xf32, #tpu.memory_space<hbm>>
        tpu.enqueue_dma source(%dma_start3A_833 : memref<64x128xf32, #tpu.memory_space<hbm>>) target(%dma_start3A_831 : memref<64x128xf32, #tpu.memory_space<vmem>>) target_semaphore(%arg8 : memref<!tpu.dma_semaphore, #tpu.memory_space<semaphore_mem>>)
        %slice3A_834 = vector.extract_strided_slice %get3A_793 {offsets = [2], sizes = [1], strides = [1]} : vector<16xi32> to vector<1xi32>
        %squeeze3A_835 = vector.extract %slice3A_834[0] : i32 from vector<1xi32>
        %shift_right_arithmetic3A_836 = arith.constant 7 : i32
        %shift_right_arithmetic3A_837 = arith.shrsi %squeeze3A_835, %shift_right_arithmetic3A_836 : i32
        %shift_left3A_838 = arith.constant 7 : i32
        %shift_left3A_839 = arith.shli %shift_right_arithmetic3A_837, %shift_left3A_838 : i32
        %multiple_of3A_840 = tpu.assume_multiple %shift_left3A_839, 128 : i32
        %dma_start3A_841 = arith.constant 2 : i32
        %dma_start3A_842 = arith.constant 0 : i32
        %dma_start3A_843 = arith.constant 0 : i32
        %dma_start3A_844 = tpu.memref_slice %arg6[%and3A_789, %dma_start3A_841, %dma_start3A_842, %dma_start3A_843] : memref<2x4x64x128xf32, #tpu.memory_space<vmem>> -> memref<1x1x64x128xf32, #tpu.memory_space<vmem>>
        %dma_start3A_845 = tpu.memref_squeeze %dma_start3A_844 : memref<1x1x64x128xf32, #tpu.memory_space<vmem>> -> memref<64x128xf32, #tpu.memory_space<vmem>>
        %dma_start3A_846 = arith.constant 0 : i32
        %dma_start3A_847 = tpu.memref_slice %arg2[%dma_start3A_846, %multiple_of3A_840] : memref<64x1000000xf32, #tpu.memory_space<hbm>> -> memref<64x128xf32, #tpu.memory_space<hbm>>
        %dma_start3A_848 = arith.constant 0 : i32
        %dma_start3A_849 = arith.constant 0 : i32
        %dma_start3A_850 = tpu.memref_slice %arg6[%and3A_789, %dma_start3A_841, %dma_start3A_848, %dma_start3A_849] : memref<2x4x64x128xf32, #tpu.memory_space<vmem>> -> memref<1x1x64x128xf32, #tpu.memory_space<vmem>>
        %dma_start3A_851 = tpu.memref_squeeze %dma_start3A_850 : memref<1x1x64x128xf32, #tpu.memory_space<vmem>> -> memref<64x128xf32, #tpu.memory_space<vmem>>
        %dma_start3A_852 = arith.constant 0 : i32
        %dma_start3A_853 = tpu.memref_slice %arg2[%dma_start3A_852, %multiple_of3A_840] : memref<64x1000000xf32, #tpu.memory_space<hbm>> -> memref<64x128xf32, #tpu.memory_space<hbm>>
        tpu.enqueue_dma source(%dma_start3A_853 : memref<64x128xf32, #tpu.memory_space<hbm>>) target(%dma_start3A_851 : memref<64x128xf32, #tpu.memory_space<vmem>>) target_semaphore(%arg8 : memref<!tpu.dma_semaphore, #tpu.memory_space<semaphore_mem>>)
        %slice3A_854 = vector.extract_strided_slice %get3A_793 {offsets = [3], sizes = [1], strides = [1]} : vector<16xi32> to vector<1xi32>
        %squeeze3A_855 = vector.extract %slice3A_854[0] : i32 from vector<1xi32>
        %shift_right_arithmetic3A_856 = arith.constant 7 : i32
        %shift_right_arithmetic3A_857 = arith.shrsi %squeeze3A_855, %shift_right_arithmetic3A_856 : i32
        %shift_left3A_858 = arith.constant 7 : i32
        %shift_left3A_859 = arith.shli %shift_right_arithmetic3A_857, %shift_left3A_858 : i32
        %multiple_of3A_860 = tpu.assume_multiple %shift_left3A_859, 128 : i32
        %dma_start3A_861 = arith.constant 3 : i32
        %dma_start3A_862 = arith.constant 0 : i32
        %dma_start3A_863 = arith.constant 0 : i32
        %dma_start3A_864 = tpu.memref_slice %arg6[%and3A_789, %dma_start3A_861, %dma_start3A_862, %dma_start3A_863] : memref<2x4x64x128xf32, #tpu.memory_space<vmem>> -> memref<1x1x64x128xf32, #tpu.memory_space<vmem>>
        %dma_start3A_865 = tpu.memref_squeeze %dma_start3A_864 : memref<1x1x64x128xf32, #tpu.memory_space<vmem>> -> memref<64x128xf32, #tpu.memory_space<vmem>>
        %dma_start3A_866 = arith.constant 0 : i32
        %dma_start3A_867 = tpu.memref_slice %arg2[%dma_start3A_866, %multiple_of3A_860] : memref<64x1000000xf32, #tpu.memory_space<hbm>> -> memref<64x128xf32, #tpu.memory_space<hbm>>
        %dma_start3A_868 = arith.constant 0 : i32
        %dma_start3A_869 = arith.constant 0 : i32
        %dma_start3A_870 = tpu.memref_slice %arg6[%and3A_789, %dma_start3A_861, %dma_start3A_868, %dma_start3A_869] : memref<2x4x64x128xf32, #tpu.memory_space<vmem>> -> memref<1x1x64x128xf32, #tpu.memory_space<vmem>>
        %dma_start3A_871 = tpu.memref_squeeze %dma_start3A_870 : memref<1x1x64x128xf32, #tpu.memory_space<vmem>> -> memref<64x128xf32, #tpu.memory_space<vmem>>
        %dma_start3A_872 = arith.constant 0 : i32
        %dma_start3A_873 = tpu.memref_slice %arg2[%dma_start3A_872, %multiple_of3A_860] : memref<64x1000000xf32, #tpu.memory_space<hbm>> -> memref<64x128xf32, #tpu.memory_space<hbm>>
        tpu.enqueue_dma source(%dma_start3A_873 : memref<64x128xf32, #tpu.memory_space<hbm>>) target(%dma_start3A_871 : memref<64x128xf32, #tpu.memory_space<vmem>>) target_semaphore(%arg8 : memref<!tpu.dma_semaphore, #tpu.memory_space<semaphore_mem>>)
      } else {
      }
      %mul3A_95 = arith.constant 4 : i32
      %mul3A_96 = arith.muli %scan3A_88, %mul3A_95 : i32
      %get3A_97 = arith.index_cast %mul3A_96 : i32 to index
      %get3A_98 = tpu.vector_load %arg5[%get3A_97] {strides = array<i32>} : memref<144xi32, #tpu.memory_space<vmem>>, vector<16xi32>,
      %dma_wait3A = arith.constant 0 : i32
      %dma_wait3A_99 = arith.constant 0 : i32
      %dma_wait3A_100 = arith.constant 0 : i32
      %dma_wait3A_101 = tpu.memref_slice %arg6[%and3A_90, %dma_wait3A, %dma_wait3A_99, %dma_wait3A_100] : memref<2x4x64x128xf32, #tpu.memory_space<vmem>> -> memref<1x1x64x128xf32, #tpu.memory_space<vmem>>
      %dma_wait3A_102 = tpu.memref_squeeze %dma_wait3A_101 : memref<1x1x64x128xf32, #tpu.memory_space<vmem>> -> memref<64x128xf32, #tpu.memory_space<vmem>>
      %dma_wait3A_103 = arith.constant 0 : i32
      %dma_wait3A_104 = arith.constant 0 : i32
      %dma_wait3A_105 = tpu.memref_slice %arg2[%dma_wait3A_103, %dma_wait3A_104] : memref<64x1000000xf32, #tpu.memory_space<hbm>> -> memref<64x128xf32, #tpu.memory_space<hbm>>
      %dma_wait3A_106 = arith.constant 0 : i32
      %dma_wait3A_107 = arith.constant 0 : i32
      %dma_wait3A_108 = tpu.memref_slice %arg6[%and3A_90, %dma_wait3A, %dma_wait3A_106, %dma_wait3A_107] : memref<2x4x64x128xf32, #tpu.memory_space<vmem>> -> memref<1x1x64x128xf32, #tpu.memory_space<vmem>>
      %dma_wait3A_109 = tpu.memref_squeeze %dma_wait3A_108 : memref<1x1x64x128xf32, #tpu.memory_space<vmem>> -> memref<64x128xf32, #tpu.memory_space<vmem>>
      %dma_wait3A_110 = arith.constant 0 : i32
      %dma_wait3A_111 = arith.constant 0 : i32
      %dma_wait3A_112 = tpu.memref_slice %arg2[%dma_wait3A_110, %dma_wait3A_111] : memref<64x1000000xf32, #tpu.memory_space<hbm>> -> memref<64x128xf32, #tpu.memory_space<hbm>>
      tpu.wait_dma2 semaphore(%arg8 : memref<!tpu.dma_semaphore, #tpu.memory_space<semaphore_mem>>) src(%dma_wait3A_112 : memref<64x128xf32, #tpu.memory_space<hbm>>) dst(%dma_wait3A_109 : memref<64x128xf32, #tpu.memory_space<vmem>>)
      %dma_wait3A_113 = arith.constant 1 : i32
      %dma_wait3A_114 = arith.constant 0 : i32
      %dma_wait3A_115 = arith.constant 0 : i32
      %dma_wait3A_116 = tpu.memref_slice %arg6[%and3A_90, %dma_wait3A_113, %dma_wait3A_114, %dma_wait3A_115] : memref<2x4x64x128xf32, #tpu.memory_space<vmem>> -> memref<1x1x64x128xf32, #tpu.memory_space<vmem>>
      %dma_wait3A_117 = tpu.memref_squeeze %dma_wait3A_116 : memref<1x1x64x128xf32, #tpu.memory_space<vmem>> -> memref<64x128xf32, #tpu.memory_space<vmem>>
      %dma_wait3A_118 = arith.constant 0 : i32
      %dma_wait3A_119 = arith.constant 0 : i32
      %dma_wait3A_120 = tpu.memref_slice %arg2[%dma_wait3A_118, %dma_wait3A_119] : memref<64x1000000xf32, #tpu.memory_space<hbm>> -> memref<64x128xf32, #tpu.memory_space<hbm>>
      %dma_wait3A_121 = arith.constant 0 : i32
      %dma_wait3A_122 = arith.constant 0 : i32
      %dma_wait3A_123 = tpu.memref_slice %arg6[%and3A_90, %dma_wait3A_113, %dma_wait3A_121, %dma_wait3A_122] : memref<2x4x64x128xf32, #tpu.memory_space<vmem>> -> memref<1x1x64x128xf32, #tpu.memory_space<vmem>>
      %dma_wait3A_124 = tpu.memref_squeeze %dma_wait3A_123 : memref<1x1x64x128xf32, #tpu.memory_space<vmem>> -> memref<64x128xf32, #tpu.memory_space<vmem>>
      %dma_wait3A_125 = arith.constant 0 : i32
      %dma_wait3A_126 = arith.constant 0 : i32
      %dma_wait3A_127 = tpu.memref_slice %arg2[%dma_wait3A_125, %dma_wait3A_126] : memref<64x1000000xf32, #tpu.memory_space<hbm>> -> memref<64x128xf32, #tpu.memory_space<hbm>>
      tpu.wait_dma2 semaphore(%arg8 : memref<!tpu.dma_semaphore, #tpu.memory_space<semaphore_mem>>) src(%dma_wait3A_127 : memref<64x128xf32, #tpu.memory_space<hbm>>) dst(%dma_wait3A_124 : memref<64x128xf32, #tpu.memory_space<vmem>>)
      %dma_wait3A_128 = arith.constant 2 : i32
      %dma_wait3A_129 = arith.constant 0 : i32
      %dma_wait3A_130 = arith.constant 0 : i32
      %dma_wait3A_131 = tpu.memref_slice %arg6[%and3A_90, %dma_wait3A_128, %dma_wait3A_129, %dma_wait3A_130] : memref<2x4x64x128xf32, #tpu.memory_space<vmem>> -> memref<1x1x64x128xf32, #tpu.memory_space<vmem>>
      %dma_wait3A_132 = tpu.memref_squeeze %dma_wait3A_131 : memref<1x1x64x128xf32, #tpu.memory_space<vmem>> -> memref<64x128xf32, #tpu.memory_space<vmem>>
      %dma_wait3A_133 = arith.constant 0 : i32
      %dma_wait3A_134 = arith.constant 0 : i32
      %dma_wait3A_135 = tpu.memref_slice %arg2[%dma_wait3A_133, %dma_wait3A_134] : memref<64x1000000xf32, #tpu.memory_space<hbm>> -> memref<64x128xf32, #tpu.memory_space<hbm>>
      %dma_wait3A_136 = arith.constant 0 : i32
      %dma_wait3A_137 = arith.constant 0 : i32
      %dma_wait3A_138 = tpu.memref_slice %arg6[%and3A_90, %dma_wait3A_128, %dma_wait3A_136, %dma_wait3A_137] : memref<2x4x64x128xf32, #tpu.memory_space<vmem>> -> memref<1x1x64x128xf32, #tpu.memory_space<vmem>>
      %dma_wait3A_139 = tpu.memref_squeeze %dma_wait3A_138 : memref<1x1x64x128xf32, #tpu.memory_space<vmem>> -> memref<64x128xf32, #tpu.memory_space<vmem>>
      %dma_wait3A_140 = arith.constant 0 : i32
      %dma_wait3A_141 = arith.constant 0 : i32
      %dma_wait3A_142 = tpu.memref_slice %arg2[%dma_wait3A_140, %dma_wait3A_141] : memref<64x1000000xf32, #tpu.memory_space<hbm>> -> memref<64x128xf32, #tpu.memory_space<hbm>>
      tpu.wait_dma2 semaphore(%arg8 : memref<!tpu.dma_semaphore, #tpu.memory_space<semaphore_mem>>) src(%dma_wait3A_142 : memref<64x128xf32, #tpu.memory_space<hbm>>) dst(%dma_wait3A_139 : memref<64x128xf32, #tpu.memory_space<vmem>>)
      %dma_wait3A_143 = arith.constant 3 : i32
      %dma_wait3A_144 = arith.constant 0 : i32
      %dma_wait3A_145 = arith.constant 0 : i32
      %dma_wait3A_146 = tpu.memref_slice %arg6[%and3A_90, %dma_wait3A_143, %dma_wait3A_144, %dma_wait3A_145] : memref<2x4x64x128xf32, #tpu.memory_space<vmem>> -> memref<1x1x64x128xf32, #tpu.memory_space<vmem>>
      %dma_wait3A_147 = tpu.memref_squeeze %dma_wait3A_146 : memref<1x1x64x128xf32, #tpu.memory_space<vmem>> -> memref<64x128xf32, #tpu.memory_space<vmem>>
      %dma_wait3A_148 = arith.constant 0 : i32
      %dma_wait3A_149 = arith.constant 0 : i32
      %dma_wait3A_150 = tpu.memref_slice %arg2[%dma_wait3A_148, %dma_wait3A_149] : memref<64x1000000xf32, #tpu.memory_space<hbm>> -> memref<64x128xf32, #tpu.memory_space<hbm>>
      %dma_wait3A_151 = arith.constant 0 : i32
      %dma_wait3A_152 = arith.constant 0 : i32
      %dma_wait3A_153 = tpu.memref_slice %arg6[%and3A_90, %dma_wait3A_143, %dma_wait3A_151, %dma_wait3A_152] : memref<2x4x64x128xf32, #tpu.memory_space<vmem>> -> memref<1x1x64x128xf32, #tpu.memory_space<vmem>>
      %dma_wait3A_154 = tpu.memref_squeeze %dma_wait3A_153 : memref<1x1x64x128xf32, #tpu.memory_space<vmem>> -> memref<64x128xf32, #tpu.memory_space<vmem>>
      %dma_wait3A_155 = arith.constant 0 : i32
      %dma_wait3A_156 = arith.constant 0 : i32
      %dma_wait3A_157 = tpu.memref_slice %arg2[%dma_wait3A_155, %dma_wait3A_156] : memref<64x1000000xf32, #tpu.memory_space<hbm>> -> memref<64x128xf32, #tpu.memory_space<hbm>>
      tpu.wait_dma2 semaphore(%arg8 : memref<!tpu.dma_semaphore, #tpu.memory_space<semaphore_mem>>) src(%dma_wait3A_157 : memref<64x128xf32, #tpu.memory_space<hbm>>) dst(%dma_wait3A_154 : memref<64x128xf32, #tpu.memory_space<vmem>>)
      %slice3A_158 = vector.extract_strided_slice %get3A_98 {offsets = [0], sizes = [1], strides = [1]} : vector<16xi32> to vector<1xi32>
      %squeeze3A_159 = vector.extract %slice3A_158[0] : i32 from vector<1xi32>
      %and3A_160 = arith.constant 127 : i32
      %and3A_161 = arith.andi %squeeze3A_159, %and3A_160 : i32
      %broadcast_in_dim3A = vector.broadcast %and3A_161 : i32 to vector<16xi32>
      %add3A_162 = arith.constant 0 : i32
      %add3A_163 = vector.broadcast %add3A_162 : i32 to vector<16xi32>
      %add3A_164 = arith.addi %add3A_163, %iota3A : vector<16xi32>
      %gather3A = arith.constant 0 : i32
      %gather3A_165 = arith.constant 0 : i32
      %gather3A_166 = arith.constant 0 : i32
      %gather3A_167 = tpu.memref_slice %arg6[%and3A_90, %gather3A, %gather3A_165, %gather3A_166] : memref<2x4x64x128xf32, #tpu.memory_space<vmem>> -> memref<1x1x64x128xf32, #tpu.memory_space<vmem>>
      %gather3A_168 = tpu.memref_squeeze %gather3A_167 : memref<1x1x64x128xf32, #tpu.memory_space<vmem>> -> memref<64x128xf32, #tpu.memory_space<vmem>>
      %gather3A_169 = tpu.vector_load_idx %gather3A_168[%add3A_164, %broadcast_in_dim3A] : memref<64x128xf32, #tpu.memory_space<vmem>>[vector<16xi32>, vector<16xi32>], vector<16xf32>,
      %mul3A_170 = arith.constant 4 : i32
      %mul3A_171 = arith.muli %scan3A_88, %mul3A_170 : i32
      %add3A_172 = arith.constant 0 : i32
      %add3A_173 = arith.addi %mul3A_171, %add3A_172 : i32
      %swap3A = arith.index_cast %add3A_173 : i32 to index
      %swap3A_174 = arith.constant 0 : index
      %swap3A_175 = tpu.vector_load %arg7[%swap3A, %swap3A_174] {strides = array<i32>} : memref<128x64xf32, #tpu.memory_space<vmem>>, vector<16xf32>,
      tpu.vector_store %arg7[%swap3A, %swap3A_174], %gather3A_169 {strides = array<i32>} : memref<128x64xf32, #tpu.memory_space<vmem>>, vector<16xf32>,
      %add3A_176 = arith.constant 16 : i32
      %add3A_177 = vector.broadcast %add3A_176 : i32 to vector<16xi32>
      %add3A_178 = arith.addi %add3A_177, %iota3A : vector<16xi32>
      %gather3A_179 = arith.constant 0 : i32
      %gather3A_180 = arith.constant 0 : i32
      %gather3A_181 = arith.constant 0 : i32
      %gather3A_182 = tpu.memref_slice %arg6[%and3A_90, %gather3A_179, %gather3A_180, %gather3A_181] : memref<2x4x64x128xf32, #tpu.memory_space<vmem>> -> memref<1x1x64x128xf32, #tpu.memory_space<vmem>>
      %gather3A_183 = tpu.memref_squeeze %gather3A_182 : memref<1x1x64x128xf32, #tpu.memory_space<vmem>> -> memref<64x128xf32, #tpu.memory_space<vmem>>
      %gather3A_184 = tpu.vector_load_idx %gather3A_183[%add3A_178, %broadcast_in_dim3A] : memref<64x128xf32, #tpu.memory_space<vmem>>[vector<16xi32>, vector<16xi32>], vector<16xf32>,
      %mul3A_185 = arith.constant 4 : i32
      %mul3A_186 = arith.muli %scan3A_88, %mul3A_185 : i32
      %add3A_187 = arith.constant 0 : i32
      %add3A_188 = arith.addi %mul3A_186, %add3A_187 : i32
      %swap3A_189 = arith.index_cast %add3A_188 : i32 to index
      %swap3A_190 = arith.constant 16 : index
      %swap3A_191 = tpu.vector_load %arg7[%swap3A_189, %swap3A_190] {strides = array<i32>} : memref<128x64xf32, #tpu.memory_space<vmem>>, vector<16xf32>,
      tpu.vector_store %arg7[%swap3A_189, %swap3A_190], %gather3A_184 {strides = array<i32>} : memref<128x64xf32, #tpu.memory_space<vmem>>, vector<16xf32>,
      %add3A_192 = arith.constant 32 : i32
      %add3A_193 = vector.broadcast %add3A_192 : i32 to vector<16xi32>
      %add3A_194 = arith.addi %add3A_193, %iota3A : vector<16xi32>
      %gather3A_195 = arith.constant 0 : i32
      %gather3A_196 = arith.constant 0 : i32
      %gather3A_197 = arith.constant 0 : i32
      %gather3A_198 = tpu.memref_slice %arg6[%and3A_90, %gather3A_195, %gather3A_196, %gather3A_197] : memref<2x4x64x128xf32, #tpu.memory_space<vmem>> -> memref<1x1x64x128xf32, #tpu.memory_space<vmem>>
      %gather3A_199 = tpu.memref_squeeze %gather3A_198 : memref<1x1x64x128xf32, #tpu.memory_space<vmem>> -> memref<64x128xf32, #tpu.memory_space<vmem>>
      %gather3A_200 = tpu.vector_load_idx %gather3A_199[%add3A_194, %broadcast_in_dim3A] : memref<64x128xf32, #tpu.memory_space<vmem>>[vector<16xi32>, vector<16xi32>], vector<16xf32>,
      %mul3A_201 = arith.constant 4 : i32
      %mul3A_202 = arith.muli %scan3A_88, %mul3A_201 : i32
      %add3A_203 = arith.constant 0 : i32
      %add3A_204 = arith.addi %mul3A_202, %add3A_203 : i32
      %swap3A_205 = arith.index_cast %add3A_204 : i32 to index
      %swap3A_206 = arith.constant 32 : index
      %swap3A_207 = tpu.vector_load %arg7[%swap3A_205, %swap3A_206] {strides = array<i32>} : memref<128x64xf32, #tpu.memory_space<vmem>>, vector<16xf32>,
      tpu.vector_store %arg7[%swap3A_205, %swap3A_206], %gather3A_200 {strides = array<i32>} : memref<128x64xf32, #tpu.memory_space<vmem>>, vector<16xf32>,
      %add3A_208 = arith.constant 48 : i32
      %add3A_209 = vector.broadcast %add3A_208 : i32 to vector<16xi32>
      %add3A_210 = arith.addi %add3A_209, %iota3A : vector<16xi32>
      %gather3A_211 = arith.constant 0 : i32
      %gather3A_212 = arith.constant 0 : i32
      %gather3A_213 = arith.constant 0 : i32
      %gather3A_214 = tpu.memref_slice %arg6[%and3A_90, %gather3A_211, %gather3A_212, %gather3A_213] : memref<2x4x64x128xf32, #tpu.memory_space<vmem>> -> memref<1x1x64x128xf32, #tpu.memory_space<vmem>>
      %gather3A_215 = tpu.memref_squeeze %gather3A_214 : memref<1x1x64x128xf32, #tpu.memory_space<vmem>> -> memref<64x128xf32, #tpu.memory_space<vmem>>
      %gather3A_216 = tpu.vector_load_idx %gather3A_215[%add3A_210, %broadcast_in_dim3A] : memref<64x128xf32, #tpu.memory_space<vmem>>[vector<16xi32>, vector<16xi32>], vector<16xf32>,
      %mul3A_217 = arith.constant 4 : i32
      %mul3A_218 = arith.muli %scan3A_88, %mul3A_217 : i32
      %add3A_219 = arith.constant 0 : i32
      %add3A_220 = arith.addi %mul3A_218, %add3A_219 : i32
      %swap3A_221 = arith.index_cast %add3A_220 : i32 to index
      %swap3A_222 = arith.constant 48 : index
      %swap3A_223 = tpu.vector_load %arg7[%swap3A_221, %swap3A_222] {strides = array<i32>} : memref<128x64xf32, #tpu.memory_space<vmem>>, vector<16xf32>,
      tpu.vector_store %arg7[%swap3A_221, %swap3A_222], %gather3A_216 {strides = array<i32>} : memref<128x64xf32, #tpu.memory_space<vmem>>, vector<16xf32>,
      %slice3A_224 = vector.extract_strided_slice %get3A_98 {offsets = [1], sizes = [1], strides = [1]} : vector<16xi32> to vector<1xi32>
      %squeeze3A_225 = vector.extract %slice3A_224[0] : i32 from vector<1xi32>
      %and3A_226 = arith.constant 127 : i32
      %and3A_227 = arith.andi %squeeze3A_225, %and3A_226 : i32
      %broadcast_in_dim3A_228 = vector.broadcast %and3A_227 : i32 to vector<16xi32>
      %add3A_229 = arith.constant 0 : i32
      %add3A_230 = vector.broadcast %add3A_229 : i32 to vector<16xi32>
      %add3A_231 = arith.addi %add3A_230, %iota3A : vector<16xi32>
      %gather3A_232 = arith.constant 1 : i32
      %gather3A_233 = arith.constant 0 : i32
      %gather3A_234 = arith.constant 0 : i32
      %gather3A_235 = tpu.memref_slice %arg6[%and3A_90, %gather3A_232, %gather3A_233, %gather3A_234] : memref<2x4x64x128xf32, #tpu.memory_space<vmem>> -> memref<1x1x64x128xf32, #tpu.memory_space<vmem>>
      %gather3A_236 = tpu.memref_squeeze %gather3A_235 : memref<1x1x64x128xf32, #tpu.memory_space<vmem>> -> memref<64x128xf32, #tpu.memory_space<vmem>>
      %gather3A_237 = tpu.vector_load_idx %gather3A_236[%add3A_231, %broadcast_in_dim3A_228] : memref<64x128xf32, #tpu.memory_space<vmem>>[vector<16xi32>, vector<16xi32>], vector<16xf32>,
      %mul3A_238 = arith.constant 4 : i32
      %mul3A_239 = arith.muli %scan3A_88, %mul3A_238 : i32
      %add3A_240 = arith.constant 1 : i32
      %add3A_241 = arith.addi %mul3A_239, %add3A_240 : i32
      %swap3A_242 = arith.index_cast %add3A_241 : i32 to index
      %swap3A_243 = arith.constant 0 : index
      %swap3A_244 = tpu.vector_load %arg7[%swap3A_242, %swap3A_243] {strides = array<i32>} : memref<128x64xf32, #tpu.memory_space<vmem>>, vector<16xf32>,
      tpu.vector_store %arg7[%swap3A_242, %swap3A_243], %gather3A_237 {strides = array<i32>} : memref<128x64xf32, #tpu.memory_space<vmem>>, vector<16xf32>,
      %add3A_245 = arith.constant 16 : i32
      %add3A_246 = vector.broadcast %add3A_245 : i32 to vector<16xi32>
      %add3A_247 = arith.addi %add3A_246, %iota3A : vector<16xi32>
      %gather3A_248 = arith.constant 1 : i32
      %gather3A_249 = arith.constant 0 : i32
      %gather3A_250 = arith.constant 0 : i32
      %gather3A_251 = tpu.memref_slice %arg6[%and3A_90, %gather3A_248, %gather3A_249, %gather3A_250] : memref<2x4x64x128xf32, #tpu.memory_space<vmem>> -> memref<1x1x64x128xf32, #tpu.memory_space<vmem>>
      %gather3A_252 = tpu.memref_squeeze %gather3A_251 : memref<1x1x64x128xf32, #tpu.memory_space<vmem>> -> memref<64x128xf32, #tpu.memory_space<vmem>>
      %gather3A_253 = tpu.vector_load_idx %gather3A_252[%add3A_247, %broadcast_in_dim3A_228] : memref<64x128xf32, #tpu.memory_space<vmem>>[vector<16xi32>, vector<16xi32>], vector<16xf32>,
      %mul3A_254 = arith.constant 4 : i32
      %mul3A_255 = arith.muli %scan3A_88, %mul3A_254 : i32
      %add3A_256 = arith.constant 1 : i32
      %add3A_257 = arith.addi %mul3A_255, %add3A_256 : i32
      %swap3A_258 = arith.index_cast %add3A_257 : i32 to index
      %swap3A_259 = arith.constant 16 : index
      %swap3A_260 = tpu.vector_load %arg7[%swap3A_258, %swap3A_259] {strides = array<i32>} : memref<128x64xf32, #tpu.memory_space<vmem>>, vector<16xf32>,
      tpu.vector_store %arg7[%swap3A_258, %swap3A_259], %gather3A_253 {strides = array<i32>} : memref<128x64xf32, #tpu.memory_space<vmem>>, vector<16xf32>,
      %add3A_261 = arith.constant 32 : i32
      %add3A_262 = vector.broadcast %add3A_261 : i32 to vector<16xi32>
      %add3A_263 = arith.addi %add3A_262, %iota3A : vector<16xi32>
      %gather3A_264 = arith.constant 1 : i32
      %gather3A_265 = arith.constant 0 : i32
      %gather3A_266 = arith.constant 0 : i32
      %gather3A_267 = tpu.memref_slice %arg6[%and3A_90, %gather3A_264, %gather3A_265, %gather3A_266] : memref<2x4x64x128xf32, #tpu.memory_space<vmem>> -> memref<1x1x64x128xf32, #tpu.memory_space<vmem>>
      %gather3A_268 = tpu.memref_squeeze %gather3A_267 : memref<1x1x64x128xf32, #tpu.memory_space<vmem>> -> memref<64x128xf32, #tpu.memory_space<vmem>>
      %gather3A_269 = tpu.vector_load_idx %gather3A_268[%add3A_263, %broadcast_in_dim3A_228] : memref<64x128xf32, #tpu.memory_space<vmem>>[vector<16xi32>, vector<16xi32>], vector<16xf32>,
      %mul3A_270 = arith.constant 4 : i32
      %mul3A_271 = arith.muli %scan3A_88, %mul3A_270 : i32
      %add3A_272 = arith.constant 1 : i32
      %add3A_273 = arith.addi %mul3A_271, %add3A_272 : i32
      %swap3A_274 = arith.index_cast %add3A_273 : i32 to index
      %swap3A_275 = arith.constant 32 : index
      %swap3A_276 = tpu.vector_load %arg7[%swap3A_274, %swap3A_275] {strides = array<i32>} : memref<128x64xf32, #tpu.memory_space<vmem>>, vector<16xf32>,
      tpu.vector_store %arg7[%swap3A_274, %swap3A_275], %gather3A_269 {strides = array<i32>} : memref<128x64xf32, #tpu.memory_space<vmem>>, vector<16xf32>,
      %add3A_277 = arith.constant 48 : i32
      %add3A_278 = vector.broadcast %add3A_277 : i32 to vector<16xi32>
      %add3A_279 = arith.addi %add3A_278, %iota3A : vector<16xi32>
      %gather3A_280 = arith.constant 1 : i32
      %gather3A_281 = arith.constant 0 : i32
      %gather3A_282 = arith.constant 0 : i32
      %gather3A_283 = tpu.memref_slice %arg6[%and3A_90, %gather3A_280, %gather3A_281, %gather3A_282] : memref<2x4x64x128xf32, #tpu.memory_space<vmem>> -> memref<1x1x64x128xf32, #tpu.memory_space<vmem>>
      %gather3A_284 = tpu.memref_squeeze %gather3A_283 : memref<1x1x64x128xf32, #tpu.memory_space<vmem>> -> memref<64x128xf32, #tpu.memory_space<vmem>>
      %gather3A_285 = tpu.vector_load_idx %gather3A_284[%add3A_279, %broadcast_in_dim3A_228] : memref<64x128xf32, #tpu.memory_space<vmem>>[vector<16xi32>, vector<16xi32>], vector<16xf32>,
      %mul3A_286 = arith.constant 4 : i32
      %mul3A_287 = arith.muli %scan3A_88, %mul3A_286 : i32
      %add3A_288 = arith.constant 1 : i32
      %add3A_289 = arith.addi %mul3A_287, %add3A_288 : i32
      %swap3A_290 = arith.index_cast %add3A_289 : i32 to index
      %swap3A_291 = arith.constant 48 : index
      %swap3A_292 = tpu.vector_load %arg7[%swap3A_290, %swap3A_291] {strides = array<i32>} : memref<128x64xf32, #tpu.memory_space<vmem>>, vector<16xf32>,
      tpu.vector_store %arg7[%swap3A_290, %swap3A_291], %gather3A_285 {strides = array<i32>} : memref<128x64xf32, #tpu.memory_space<vmem>>, vector<16xf32>,
      %slice3A_293 = vector.extract_strided_slice %get3A_98 {offsets = [2], sizes = [1], strides = [1]} : vector<16xi32> to vector<1xi32>
      %squeeze3A_294 = vector.extract %slice3A_293[0] : i32 from vector<1xi32>
      %and3A_295 = arith.constant 127 : i32
      %and3A_296 = arith.andi %squeeze3A_294, %and3A_295 : i32
      %broadcast_in_dim3A_297 = vector.broadcast %and3A_296 : i32 to vector<16xi32>
      %add3A_298 = arith.constant 0 : i32
      %add3A_299 = vector.broadcast %add3A_298 : i32 to vector<16xi32>
      %add3A_300 = arith.addi %add3A_299, %iota3A : vector<16xi32>
      %gather3A_301 = arith.constant 2 : i32
      %gather3A_302 = arith.constant 0 : i32
      %gather3A_303 = arith.constant 0 : i32
      %gather3A_304 = tpu.memref_slice %arg6[%and3A_90, %gather3A_301, %gather3A_302, %gather3A_303] : memref<2x4x64x128xf32, #tpu.memory_space<vmem>> -> memref<1x1x64x128xf32, #tpu.memory_space<vmem>>
      %gather3A_305 = tpu.memref_squeeze %gather3A_304 : memref<1x1x64x128xf32, #tpu.memory_space<vmem>> -> memref<64x128xf32, #tpu.memory_space<vmem>>
      %gather3A_306 = tpu.vector_load_idx %gather3A_305[%add3A_300, %broadcast_in_dim3A_297] : memref<64x128xf32, #tpu.memory_space<vmem>>[vector<16xi32>, vector<16xi32>], vector<16xf32>,
      %mul3A_307 = arith.constant 4 : i32
      %mul3A_308 = arith.muli %scan3A_88, %mul3A_307 : i32
      %add3A_309 = arith.constant 2 : i32
      %add3A_310 = arith.addi %mul3A_308, %add3A_309 : i32
      %swap3A_311 = arith.index_cast %add3A_310 : i32 to index
      %swap3A_312 = arith.constant 0 : index
      %swap3A_313 = tpu.vector_load %arg7[%swap3A_311, %swap3A_312] {strides = array<i32>} : memref<128x64xf32, #tpu.memory_space<vmem>>, vector<16xf32>,
      tpu.vector_store %arg7[%swap3A_311, %swap3A_312], %gather3A_306 {strides = array<i32>} : memref<128x64xf32, #tpu.memory_space<vmem>>, vector<16xf32>,
      %add3A_314 = arith.constant 16 : i32
      %add3A_315 = vector.broadcast %add3A_314 : i32 to vector<16xi32>
      %add3A_316 = arith.addi %add3A_315, %iota3A : vector<16xi32>
      %gather3A_317 = arith.constant 2 : i32
      %gather3A_318 = arith.constant 0 : i32
      %gather3A_319 = arith.constant 0 : i32
      %gather3A_320 = tpu.memref_slice %arg6[%and3A_90, %gather3A_317, %gather3A_318, %gather3A_319] : memref<2x4x64x128xf32, #tpu.memory_space<vmem>> -> memref<1x1x64x128xf32, #tpu.memory_space<vmem>>
      %gather3A_321 = tpu.memref_squeeze %gather3A_320 : memref<1x1x64x128xf32, #tpu.memory_space<vmem>> -> memref<64x128xf32, #tpu.memory_space<vmem>>
      %gather3A_322 = tpu.vector_load_idx %gather3A_321[%add3A_316, %broadcast_in_dim3A_297] : memref<64x128xf32, #tpu.memory_space<vmem>>[vector<16xi32>, vector<16xi32>], vector<16xf32>,
      %mul3A_323 = arith.constant 4 : i32
      %mul3A_324 = arith.muli %scan3A_88, %mul3A_323 : i32
      %add3A_325 = arith.constant 2 : i32
      %add3A_326 = arith.addi %mul3A_324, %add3A_325 : i32
      %swap3A_327 = arith.index_cast %add3A_326 : i32 to index
      %swap3A_328 = arith.constant 16 : index
      %swap3A_329 = tpu.vector_load %arg7[%swap3A_327, %swap3A_328] {strides = array<i32>} : memref<128x64xf32, #tpu.memory_space<vmem>>, vector<16xf32>,
      tpu.vector_store %arg7[%swap3A_327, %swap3A_328], %gather3A_322 {strides = array<i32>} : memref<128x64xf32, #tpu.memory_space<vmem>>, vector<16xf32>,
      %add3A_330 = arith.constant 32 : i32
      %add3A_331 = vector.broadcast %add3A_330 : i32 to vector<16xi32>
      %add3A_332 = arith.addi %add3A_331, %iota3A : vector<16xi32>
      %gather3A_333 = arith.constant 2 : i32
      %gather3A_334 = arith.constant 0 : i32
      %gather3A_335 = arith.constant 0 : i32
      %gather3A_336 = tpu.memref_slice %arg6[%and3A_90, %gather3A_333, %gather3A_334, %gather3A_335] : memref<2x4x64x128xf32, #tpu.memory_space<vmem>> -> memref<1x1x64x128xf32, #tpu.memory_space<vmem>>
      %gather3A_337 = tpu.memref_squeeze %gather3A_336 : memref<1x1x64x128xf32, #tpu.memory_space<vmem>> -> memref<64x128xf32, #tpu.memory_space<vmem>>
      %gather3A_338 = tpu.vector_load_idx %gather3A_337[%add3A_332, %broadcast_in_dim3A_297] : memref<64x128xf32, #tpu.memory_space<vmem>>[vector<16xi32>, vector<16xi32>], vector<16xf32>,
      %mul3A_339 = arith.constant 4 : i32
      %mul3A_340 = arith.muli %scan3A_88, %mul3A_339 : i32
      %add3A_341 = arith.constant 2 : i32
      %add3A_342 = arith.addi %mul3A_340, %add3A_341 : i32
      %swap3A_343 = arith.index_cast %add3A_342 : i32 to index
      %swap3A_344 = arith.constant 32 : index
      %swap3A_345 = tpu.vector_load %arg7[%swap3A_343, %swap3A_344] {strides = array<i32>} : memref<128x64xf32, #tpu.memory_space<vmem>>, vector<16xf32>,
      tpu.vector_store %arg7[%swap3A_343, %swap3A_344], %gather3A_338 {strides = array<i32>} : memref<128x64xf32, #tpu.memory_space<vmem>>, vector<16xf32>,
      %add3A_346 = arith.constant 48 : i32
      %add3A_347 = vector.broadcast %add3A_346 : i32 to vector<16xi32>
      %add3A_348 = arith.addi %add3A_347, %iota3A : vector<16xi32>
      %gather3A_349 = arith.constant 2 : i32
      %gather3A_350 = arith.constant 0 : i32
      %gather3A_351 = arith.constant 0 : i32
      %gather3A_352 = tpu.memref_slice %arg6[%and3A_90, %gather3A_349, %gather3A_350, %gather3A_351] : memref<2x4x64x128xf32, #tpu.memory_space<vmem>> -> memref<1x1x64x128xf32, #tpu.memory_space<vmem>>
      %gather3A_353 = tpu.memref_squeeze %gather3A_352 : memref<1x1x64x128xf32, #tpu.memory_space<vmem>> -> memref<64x128xf32, #tpu.memory_space<vmem>>
      %gather3A_354 = tpu.vector_load_idx %gather3A_353[%add3A_348, %broadcast_in_dim3A_297] : memref<64x128xf32, #tpu.memory_space<vmem>>[vector<16xi32>, vector<16xi32>], vector<16xf32>,
      %mul3A_355 = arith.constant 4 : i32
      %mul3A_356 = arith.muli %scan3A_88, %mul3A_355 : i32
      %add3A_357 = arith.constant 2 : i32
      %add3A_358 = arith.addi %mul3A_356, %add3A_357 : i32
      %swap3A_359 = arith.index_cast %add3A_358 : i32 to index
      %swap3A_360 = arith.constant 48 : index
      %swap3A_361 = tpu.vector_load %arg7[%swap3A_359, %swap3A_360] {strides = array<i32>} : memref<128x64xf32, #tpu.memory_space<vmem>>, vector<16xf32>,
      tpu.vector_store %arg7[%swap3A_359, %swap3A_360], %gather3A_354 {strides = array<i32>} : memref<128x64xf32, #tpu.memory_space<vmem>>, vector<16xf32>,
      %slice3A_362 = vector.extract_strided_slice %get3A_98 {offsets = [3], sizes = [1], strides = [1]} : vector<16xi32> to vector<1xi32>
      %squeeze3A_363 = vector.extract %slice3A_362[0] : i32 from vector<1xi32>
      %and3A_364 = arith.constant 127 : i32
      %and3A_365 = arith.andi %squeeze3A_363, %and3A_364 : i32
      %broadcast_in_dim3A_366 = vector.broadcast %and3A_365 : i32 to vector<16xi32>
      %add3A_367 = arith.constant 0 : i32
      %add3A_368 = vector.broadcast %add3A_367 : i32 to vector<16xi32>
      %add3A_369 = arith.addi %add3A_368, %iota3A : vector<16xi32>
      %gather3A_370 = arith.constant 3 : i32
      %gather3A_371 = arith.constant 0 : i32
      %gather3A_372 = arith.constant 0 : i32
      %gather3A_373 = tpu.memref_slice %arg6[%and3A_90, %gather3A_370, %gather3A_371, %gather3A_372] : memref<2x4x64x128xf32, #tpu.memory_space<vmem>> -> memref<1x1x64x128xf32, #tpu.memory_space<vmem>>
      %gather3A_374 = tpu.memref_squeeze %gather3A_373 : memref<1x1x64x128xf32, #tpu.memory_space<vmem>> -> memref<64x128xf32, #tpu.memory_space<vmem>>
      %gather3A_375 = tpu.vector_load_idx %gather3A_374[%add3A_369, %broadcast_in_dim3A_366] : memref<64x128xf32, #tpu.memory_space<vmem>>[vector<16xi32>, vector<16xi32>], vector<16xf32>,
      %mul3A_376 = arith.constant 4 : i32
      %mul3A_377 = arith.muli %scan3A_88, %mul3A_376 : i32
      %add3A_378 = arith.constant 3 : i32
      %add3A_379 = arith.addi %mul3A_377, %add3A_378 : i32
      %swap3A_380 = arith.index_cast %add3A_379 : i32 to index
      %swap3A_381 = arith.constant 0 : index
      %swap3A_382 = tpu.vector_load %arg7[%swap3A_380, %swap3A_381] {strides = array<i32>} : memref<128x64xf32, #tpu.memory_space<vmem>>, vector<16xf32>,
      tpu.vector_store %arg7[%swap3A_380, %swap3A_381], %gather3A_375 {strides = array<i32>} : memref<128x64xf32, #tpu.memory_space<vmem>>, vector<16xf32>,
      %add3A_383 = arith.constant 16 : i32
      %add3A_384 = vector.broadcast %add3A_383 : i32 to vector<16xi32>
      %add3A_385 = arith.addi %add3A_384, %iota3A : vector<16xi32>
      %gather3A_386 = arith.constant 3 : i32
      %gather3A_387 = arith.constant 0 : i32
      %gather3A_388 = arith.constant 0 : i32
      %gather3A_389 = tpu.memref_slice %arg6[%and3A_90, %gather3A_386, %gather3A_387, %gather3A_388] : memref<2x4x64x128xf32, #tpu.memory_space<vmem>> -> memref<1x1x64x128xf32, #tpu.memory_space<vmem>>
      %gather3A_390 = tpu.memref_squeeze %gather3A_389 : memref<1x1x64x128xf32, #tpu.memory_space<vmem>> -> memref<64x128xf32, #tpu.memory_space<vmem>>
      %gather3A_391 = tpu.vector_load_idx %gather3A_390[%add3A_385, %broadcast_in_dim3A_366] : memref<64x128xf32, #tpu.memory_space<vmem>>[vector<16xi32>, vector<16xi32>], vector<16xf32>,
      %mul3A_392 = arith.constant 4 : i32
      %mul3A_393 = arith.muli %scan3A_88, %mul3A_392 : i32
      %add3A_394 = arith.constant 3 : i32
      %add3A_395 = arith.addi %mul3A_393, %add3A_394 : i32
      %swap3A_396 = arith.index_cast %add3A_395 : i32 to index
      %swap3A_397 = arith.constant 16 : index
      %swap3A_398 = tpu.vector_load %arg7[%swap3A_396, %swap3A_397] {strides = array<i32>} : memref<128x64xf32, #tpu.memory_space<vmem>>, vector<16xf32>,
      tpu.vector_store %arg7[%swap3A_396, %swap3A_397], %gather3A_391 {strides = array<i32>} : memref<128x64xf32, #tpu.memory_space<vmem>>, vector<16xf32>,
      %add3A_399 = arith.constant 32 : i32
      %add3A_400 = vector.broadcast %add3A_399 : i32 to vector<16xi32>
      %add3A_401 = arith.addi %add3A_400, %iota3A : vector<16xi32>
      %gather3A_402 = arith.constant 3 : i32
      %gather3A_403 = arith.constant 0 : i32
      %gather3A_404 = arith.constant 0 : i32
      %gather3A_405 = tpu.memref_slice %arg6[%and3A_90, %gather3A_402, %gather3A_403, %gather3A_404] : memref<2x4x64x128xf32, #tpu.memory_space<vmem>> -> memref<1x1x64x128xf32, #tpu.memory_space<vmem>>
      %gather3A_406 = tpu.memref_squeeze %gather3A_405 : memref<1x1x64x128xf32, #tpu.memory_space<vmem>> -> memref<64x128xf32, #tpu.memory_space<vmem>>
      %gather3A_407 = tpu.vector_load_idx %gather3A_406[%add3A_401, %broadcast_in_dim3A_366] : memref<64x128xf32, #tpu.memory_space<vmem>>[vector<16xi32>, vector<16xi32>], vector<16xf32>,
      %mul3A_408 = arith.constant 4 : i32
      %mul3A_409 = arith.muli %scan3A_88, %mul3A_408 : i32
      %add3A_410 = arith.constant 3 : i32
      %add3A_411 = arith.addi %mul3A_409, %add3A_410 : i32
      %swap3A_412 = arith.index_cast %add3A_411 : i32 to index
      %swap3A_413 = arith.constant 32 : index
      %swap3A_414 = tpu.vector_load %arg7[%swap3A_412, %swap3A_413] {strides = array<i32>} : memref<128x64xf32, #tpu.memory_space<vmem>>, vector<16xf32>,
      tpu.vector_store %arg7[%swap3A_412, %swap3A_413], %gather3A_407 {strides = array<i32>} : memref<128x64xf32, #tpu.memory_space<vmem>>, vector<16xf32>,
      %add3A_415 = arith.constant 48 : i32
      %add3A_416 = vector.broadcast %add3A_415 : i32 to vector<16xi32>
      %add3A_417 = arith.addi %add3A_416, %iota3A : vector<16xi32>
      %gather3A_418 = arith.constant 3 : i32
      %gather3A_419 = arith.constant 0 : i32
      %gather3A_420 = arith.constant 0 : i32
      %gather3A_421 = tpu.memref_slice %arg6[%and3A_90, %gather3A_418, %gather3A_419, %gather3A_420] : memref<2x4x64x128xf32, #tpu.memory_space<vmem>> -> memref<1x1x64x128xf32, #tpu.memory_space<vmem>>
      %gather3A_422 = tpu.memref_squeeze %gather3A_421 : memref<1x1x64x128xf32, #tpu.memory_space<vmem>> -> memref<64x128xf32, #tpu.memory_space<vmem>>
      %gather3A_423 = tpu.vector_load_idx %gather3A_422[%add3A_417, %broadcast_in_dim3A_366] : memref<64x128xf32, #tpu.memory_space<vmem>>[vector<16xi32>, vector<16xi32>], vector<16xf32>,
      %mul3A_424 = arith.constant 4 : i32
      %mul3A_425 = arith.muli %scan3A_88, %mul3A_424 : i32
      %add3A_426 = arith.constant 3 : i32
      %add3A_427 = arith.addi %mul3A_425, %add3A_426 : i32
      %swap3A_428 = arith.index_cast %add3A_427 : i32 to index
      %swap3A_429 = arith.constant 48 : index
      %swap3A_430 = tpu.vector_load %arg7[%swap3A_428, %swap3A_429] {strides = array<i32>} : memref<128x64xf32, #tpu.memory_space<vmem>>, vector<16xf32>,
      tpu.vector_store %arg7[%swap3A_428, %swap3A_429], %gather3A_423 {strides = array<i32>} : memref<128x64xf32, #tpu.memory_space<vmem>>, vector<16xf32>,
      %scan3A_431 = arith.constant 0 : i32
      %scan3A_432 = arith.constant 1 : i32
      %scan3A_433 = arith.addi %scan3A_88, %scan3A_432 : i32
      %and3A_434 = arith.constant 1 : i32
      %and3A_435 = arith.andi %scan3A_433, %and3A_434 : i32
      %add3A_436 = arith.constant 1 : i32
      %add3A_437 = arith.addi %scan3A_433, %add3A_436 : i32
      %lt3A_438 = arith.constant 32 : i32
      %lt3A_439 = arith.cmpi slt, %add3A_437, %lt3A_438 : i32
      %convert_element_type3A_440 = arith.extui %lt3A_439 : i1 to i32
      %cond3A_441 = arith.constant 0 : i32
      %cond3A_442 = arith.cmpi ne, %convert_element_type3A_440, %cond3A_441 : i32
      scf.if %cond3A_442 {
        %add3A_784 = arith.constant 1 : i32
        %add3A_785 = arith.addi %scan3A_433, %add3A_784 : i32
        %add3A_786 = arith.constant 1 : i32
        %add3A_787 = arith.addi %scan3A_433, %add3A_786 : i32
        %and3A_788 = arith.constant 1 : i32
        %and3A_789 = arith.andi %add3A_787, %and3A_788 : i32
        %mul3A_790 = arith.constant 4 : i32
        %mul3A_791 = arith.muli %add3A_785, %mul3A_790 : i32
        %get3A_792 = arith.index_cast %mul3A_791 : i32 to index
        %get3A_793 = tpu.vector_load %arg5[%get3A_792] {strides = array<i32>} : memref<144xi32, #tpu.memory_space<vmem>>, vector<16xi32>,
        %slice3A_794 = vector.extract_strided_slice %get3A_793 {offsets = [0], sizes = [1], strides = [1]} : vector<16xi32> to vector<1xi32>
        %squeeze3A_795 = vector.extract %slice3A_794[0] : i32 from vector<1xi32>
        %shift_right_arithmetic3A_796 = arith.constant 7 : i32
        %shift_right_arithmetic3A_797 = arith.shrsi %squeeze3A_795, %shift_right_arithmetic3A_796 : i32
        %shift_left3A_798 = arith.constant 7 : i32
        %shift_left3A_799 = arith.shli %shift_right_arithmetic3A_797, %shift_left3A_798 : i32
        %multiple_of3A_800 = tpu.assume_multiple %shift_left3A_799, 128 : i32
        %dma_start3A_801 = arith.constant 0 : i32
        %dma_start3A_802 = arith.constant 0 : i32
        %dma_start3A_803 = arith.constant 0 : i32
        %dma_start3A_804 = tpu.memref_slice %arg6[%and3A_789, %dma_start3A_801, %dma_start3A_802, %dma_start3A_803] : memref<2x4x64x128xf32, #tpu.memory_space<vmem>> -> memref<1x1x64x128xf32, #tpu.memory_space<vmem>>
        %dma_start3A_805 = tpu.memref_squeeze %dma_start3A_804 : memref<1x1x64x128xf32, #tpu.memory_space<vmem>> -> memref<64x128xf32, #tpu.memory_space<vmem>>
        %dma_start3A_806 = arith.constant 0 : i32
        %dma_start3A_807 = tpu.memref_slice %arg2[%dma_start3A_806, %multiple_of3A_800] : memref<64x1000000xf32, #tpu.memory_space<hbm>> -> memref<64x128xf32, #tpu.memory_space<hbm>>
        %dma_start3A_808 = arith.constant 0 : i32
        %dma_start3A_809 = arith.constant 0 : i32
        %dma_start3A_810 = tpu.memref_slice %arg6[%and3A_789, %dma_start3A_801, %dma_start3A_808, %dma_start3A_809] : memref<2x4x64x128xf32, #tpu.memory_space<vmem>> -> memref<1x1x64x128xf32, #tpu.memory_space<vmem>>
        %dma_start3A_811 = tpu.memref_squeeze %dma_start3A_810 : memref<1x1x64x128xf32, #tpu.memory_space<vmem>> -> memref<64x128xf32, #tpu.memory_space<vmem>>
        %dma_start3A_812 = arith.constant 0 : i32
        %dma_start3A_813 = tpu.memref_slice %arg2[%dma_start3A_812, %multiple_of3A_800] : memref<64x1000000xf32, #tpu.memory_space<hbm>> -> memref<64x128xf32, #tpu.memory_space<hbm>>
        tpu.enqueue_dma source(%dma_start3A_813 : memref<64x128xf32, #tpu.memory_space<hbm>>) target(%dma_start3A_811 : memref<64x128xf32, #tpu.memory_space<vmem>>) target_semaphore(%arg8 : memref<!tpu.dma_semaphore, #tpu.memory_space<semaphore_mem>>)
        %slice3A_814 = vector.extract_strided_slice %get3A_793 {offsets = [1], sizes = [1], strides = [1]} : vector<16xi32> to vector<1xi32>
        %squeeze3A_815 = vector.extract %slice3A_814[0] : i32 from vector<1xi32>
        %shift_right_arithmetic3A_816 = arith.constant 7 : i32
        %shift_right_arithmetic3A_817 = arith.shrsi %squeeze3A_815, %shift_right_arithmetic3A_816 : i32
        %shift_left3A_818 = arith.constant 7 : i32
        %shift_left3A_819 = arith.shli %shift_right_arithmetic3A_817, %shift_left3A_818 : i32
        %multiple_of3A_820 = tpu.assume_multiple %shift_left3A_819, 128 : i32
        %dma_start3A_821 = arith.constant 1 : i32
        %dma_start3A_822 = arith.constant 0 : i32
        %dma_start3A_823 = arith.constant 0 : i32
        %dma_start3A_824 = tpu.memref_slice %arg6[%and3A_789, %dma_start3A_821, %dma_start3A_822, %dma_start3A_823] : memref<2x4x64x128xf32, #tpu.memory_space<vmem>> -> memref<1x1x64x128xf32, #tpu.memory_space<vmem>>
        %dma_start3A_825 = tpu.memref_squeeze %dma_start3A_824 : memref<1x1x64x128xf32, #tpu.memory_space<vmem>> -> memref<64x128xf32, #tpu.memory_space<vmem>>
        %dma_start3A_826 = arith.constant 0 : i32
        %dma_start3A_827 = tpu.memref_slice %arg2[%dma_start3A_826, %multiple_of3A_820] : memref<64x1000000xf32, #tpu.memory_space<hbm>> -> memref<64x128xf32, #tpu.memory_space<hbm>>
        %dma_start3A_828 = arith.constant 0 : i32
        %dma_start3A_829 = arith.constant 0 : i32
        %dma_start3A_830 = tpu.memref_slice %arg6[%and3A_789, %dma_start3A_821, %dma_start3A_828, %dma_start3A_829] : memref<2x4x64x128xf32, #tpu.memory_space<vmem>> -> memref<1x1x64x128xf32, #tpu.memory_space<vmem>>
        %dma_start3A_831 = tpu.memref_squeeze %dma_start3A_830 : memref<1x1x64x128xf32, #tpu.memory_space<vmem>> -> memref<64x128xf32, #tpu.memory_space<vmem>>
        %dma_start3A_832 = arith.constant 0 : i32
        %dma_start3A_833 = tpu.memref_slice %arg2[%dma_start3A_832, %multiple_of3A_820] : memref<64x1000000xf32, #tpu.memory_space<hbm>> -> memref<64x128xf32, #tpu.memory_space<hbm>>
        tpu.enqueue_dma source(%dma_start3A_833 : memref<64x128xf32, #tpu.memory_space<hbm>>) target(%dma_start3A_831 : memref<64x128xf32, #tpu.memory_space<vmem>>) target_semaphore(%arg8 : memref<!tpu.dma_semaphore, #tpu.memory_space<semaphore_mem>>)
        %slice3A_834 = vector.extract_strided_slice %get3A_793 {offsets = [2], sizes = [1], strides = [1]} : vector<16xi32> to vector<1xi32>
        %squeeze3A_835 = vector.extract %slice3A_834[0] : i32 from vector<1xi32>
        %shift_right_arithmetic3A_836 = arith.constant 7 : i32
        %shift_right_arithmetic3A_837 = arith.shrsi %squeeze3A_835, %shift_right_arithmetic3A_836 : i32
        %shift_left3A_838 = arith.constant 7 : i32
        %shift_left3A_839 = arith.shli %shift_right_arithmetic3A_837, %shift_left3A_838 : i32
        %multiple_of3A_840 = tpu.assume_multiple %shift_left3A_839, 128 : i32
        %dma_start3A_841 = arith.constant 2 : i32
        %dma_start3A_842 = arith.constant 0 : i32
        %dma_start3A_843 = arith.constant 0 : i32
        %dma_start3A_844 = tpu.memref_slice %arg6[%and3A_789, %dma_start3A_841, %dma_start3A_842, %dma_start3A_843] : memref<2x4x64x128xf32, #tpu.memory_space<vmem>> -> memref<1x1x64x128xf32, #tpu.memory_space<vmem>>
        %dma_start3A_845 = tpu.memref_squeeze %dma_start3A_844 : memref<1x1x64x128xf32, #tpu.memory_space<vmem>> -> memref<64x128xf32, #tpu.memory_space<vmem>>
        %dma_start3A_846 = arith.constant 0 : i32
        %dma_start3A_847 = tpu.memref_slice %arg2[%dma_start3A_846, %multiple_of3A_840] : memref<64x1000000xf32, #tpu.memory_space<hbm>> -> memref<64x128xf32, #tpu.memory_space<hbm>>
        %dma_start3A_848 = arith.constant 0 : i32
        %dma_start3A_849 = arith.constant 0 : i32
        %dma_start3A_850 = tpu.memref_slice %arg6[%and3A_789, %dma_start3A_841, %dma_start3A_848, %dma_start3A_849] : memref<2x4x64x128xf32, #tpu.memory_space<vmem>> -> memref<1x1x64x128xf32, #tpu.memory_space<vmem>>
        %dma_start3A_851 = tpu.memref_squeeze %dma_start3A_850 : memref<1x1x64x128xf32, #tpu.memory_space<vmem>> -> memref<64x128xf32, #tpu.memory_space<vmem>>
        %dma_start3A_852 = arith.constant 0 : i32
        %dma_start3A_853 = tpu.memref_slice %arg2[%dma_start3A_852, %multiple_of3A_840] : memref<64x1000000xf32, #tpu.memory_space<hbm>> -> memref<64x128xf32, #tpu.memory_space<hbm>>
        tpu.enqueue_dma source(%dma_start3A_853 : memref<64x128xf32, #tpu.memory_space<hbm>>) target(%dma_start3A_851 : memref<64x128xf32, #tpu.memory_space<vmem>>) target_semaphore(%arg8 : memref<!tpu.dma_semaphore, #tpu.memory_space<semaphore_mem>>)
        %slice3A_854 = vector.extract_strided_slice %get3A_793 {offsets = [3], sizes = [1], strides = [1]} : vector<16xi32> to vector<1xi32>
        %squeeze3A_855 = vector.extract %slice3A_854[0] : i32 from vector<1xi32>
        %shift_right_arithmetic3A_856 = arith.constant 7 : i32
        %shift_right_arithmetic3A_857 = arith.shrsi %squeeze3A_855, %shift_right_arithmetic3A_856 : i32
        %shift_left3A_858 = arith.constant 7 : i32
        %shift_left3A_859 = arith.shli %shift_right_arithmetic3A_857, %shift_left3A_858 : i32
        %multiple_of3A_860 = tpu.assume_multiple %shift_left3A_859, 128 : i32
        %dma_start3A_861 = arith.constant 3 : i32
        %dma_start3A_862 = arith.constant 0 : i32
        %dma_start3A_863 = arith.constant 0 : i32
        %dma_start3A_864 = tpu.memref_slice %arg6[%and3A_789, %dma_start3A_861, %dma_start3A_862, %dma_start3A_863] : memref<2x4x64x128xf32, #tpu.memory_space<vmem>> -> memref<1x1x64x128xf32, #tpu.memory_space<vmem>>
        %dma_start3A_865 = tpu.memref_squeeze %dma_start3A_864 : memref<1x1x64x128xf32, #tpu.memory_space<vmem>> -> memref<64x128xf32, #tpu.memory_space<vmem>>
        %dma_start3A_866 = arith.constant 0 : i32
        %dma_start3A_867 = tpu.memref_slice %arg2[%dma_start3A_866, %multiple_of3A_860] : memref<64x1000000xf32, #tpu.memory_space<hbm>> -> memref<64x128xf32, #tpu.memory_space<hbm>>
        %dma_start3A_868 = arith.constant 0 : i32
        %dma_start3A_869 = arith.constant 0 : i32
        %dma_start3A_870 = tpu.memref_slice %arg6[%and3A_789, %dma_start3A_861, %dma_start3A_868, %dma_start3A_869] : memref<2x4x64x128xf32, #tpu.memory_space<vmem>> -> memref<1x1x64x128xf32, #tpu.memory_space<vmem>>
        %dma_start3A_871 = tpu.memref_squeeze %dma_start3A_870 : memref<1x1x64x128xf32, #tpu.memory_space<vmem>> -> memref<64x128xf32, #tpu.memory_space<vmem>>
        %dma_start3A_872 = arith.constant 0 : i32
        %dma_start3A_873 = tpu.memref_slice %arg2[%dma_start3A_872, %multiple_of3A_860] : memref<64x1000000xf32, #tpu.memory_space<hbm>> -> memref<64x128xf32, #tpu.memory_space<hbm>>
        tpu.enqueue_dma source(%dma_start3A_873 : memref<64x128xf32, #tpu.memory_space<hbm>>) target(%dma_start3A_871 : memref<64x128xf32, #tpu.memory_space<vmem>>) target_semaphore(%arg8 : memref<!tpu.dma_semaphore, #tpu.memory_space<semaphore_mem>>)
      } else {
      }
      %mul3A_443 = arith.constant 4 : i32
      %mul3A_444 = arith.muli %scan3A_433, %mul3A_443 : i32
      %get3A_445 = arith.index_cast %mul3A_444 : i32 to index
      %get3A_446 = tpu.vector_load %arg5[%get3A_445] {strides = array<i32>} : memref<144xi32, #tpu.memory_space<vmem>>, vector<16xi32>,
      %dma_wait3A_447 = arith.constant 0 : i32
      %dma_wait3A_448 = arith.constant 0 : i32
      %dma_wait3A_449 = arith.constant 0 : i32
      %dma_wait3A_450 = tpu.memref_slice %arg6[%and3A_435, %dma_wait3A_447, %dma_wait3A_448, %dma_wait3A_449] : memref<2x4x64x128xf32, #tpu.memory_space<vmem>> -> memref<1x1x64x128xf32, #tpu.memory_space<vmem>>
      %dma_wait3A_451 = tpu.memref_squeeze %dma_wait3A_450 : memref<1x1x64x128xf32, #tpu.memory_space<vmem>> -> memref<64x128xf32, #tpu.memory_space<vmem>>
      %dma_wait3A_452 = arith.constant 0 : i32
      %dma_wait3A_453 = arith.constant 0 : i32
      %dma_wait3A_454 = tpu.memref_slice %arg2[%dma_wait3A_452, %dma_wait3A_453] : memref<64x1000000xf32, #tpu.memory_space<hbm>> -> memref<64x128xf32, #tpu.memory_space<hbm>>
      %dma_wait3A_455 = arith.constant 0 : i32
      %dma_wait3A_456 = arith.constant 0 : i32
      %dma_wait3A_457 = tpu.memref_slice %arg6[%and3A_435, %dma_wait3A_447, %dma_wait3A_455, %dma_wait3A_456] : memref<2x4x64x128xf32, #tpu.memory_space<vmem>> -> memref<1x1x64x128xf32, #tpu.memory_space<vmem>>
      %dma_wait3A_458 = tpu.memref_squeeze %dma_wait3A_457 : memref<1x1x64x128xf32, #tpu.memory_space<vmem>> -> memref<64x128xf32, #tpu.memory_space<vmem>>
      %dma_wait3A_459 = arith.constant 0 : i32
      %dma_wait3A_460 = arith.constant 0 : i32
      %dma_wait3A_461 = tpu.memref_slice %arg2[%dma_wait3A_459, %dma_wait3A_460] : memref<64x1000000xf32, #tpu.memory_space<hbm>> -> memref<64x128xf32, #tpu.memory_space<hbm>>
      tpu.wait_dma2 semaphore(%arg8 : memref<!tpu.dma_semaphore, #tpu.memory_space<semaphore_mem>>) src(%dma_wait3A_461 : memref<64x128xf32, #tpu.memory_space<hbm>>) dst(%dma_wait3A_458 : memref<64x128xf32, #tpu.memory_space<vmem>>)
      %dma_wait3A_462 = arith.constant 1 : i32
      %dma_wait3A_463 = arith.constant 0 : i32
      %dma_wait3A_464 = arith.constant 0 : i32
      %dma_wait3A_465 = tpu.memref_slice %arg6[%and3A_435, %dma_wait3A_462, %dma_wait3A_463, %dma_wait3A_464] : memref<2x4x64x128xf32, #tpu.memory_space<vmem>> -> memref<1x1x64x128xf32, #tpu.memory_space<vmem>>
      %dma_wait3A_466 = tpu.memref_squeeze %dma_wait3A_465 : memref<1x1x64x128xf32, #tpu.memory_space<vmem>> -> memref<64x128xf32, #tpu.memory_space<vmem>>
      %dma_wait3A_467 = arith.constant 0 : i32
      %dma_wait3A_468 = arith.constant 0 : i32
      %dma_wait3A_469 = tpu.memref_slice %arg2[%dma_wait3A_467, %dma_wait3A_468] : memref<64x1000000xf32, #tpu.memory_space<hbm>> -> memref<64x128xf32, #tpu.memory_space<hbm>>
      %dma_wait3A_470 = arith.constant 0 : i32
      %dma_wait3A_471 = arith.constant 0 : i32
      %dma_wait3A_472 = tpu.memref_slice %arg6[%and3A_435, %dma_wait3A_462, %dma_wait3A_470, %dma_wait3A_471] : memref<2x4x64x128xf32, #tpu.memory_space<vmem>> -> memref<1x1x64x128xf32, #tpu.memory_space<vmem>>
      %dma_wait3A_473 = tpu.memref_squeeze %dma_wait3A_472 : memref<1x1x64x128xf32, #tpu.memory_space<vmem>> -> memref<64x128xf32, #tpu.memory_space<vmem>>
      %dma_wait3A_474 = arith.constant 0 : i32
      %dma_wait3A_475 = arith.constant 0 : i32
      %dma_wait3A_476 = tpu.memref_slice %arg2[%dma_wait3A_474, %dma_wait3A_475] : memref<64x1000000xf32, #tpu.memory_space<hbm>> -> memref<64x128xf32, #tpu.memory_space<hbm>>
      tpu.wait_dma2 semaphore(%arg8 : memref<!tpu.dma_semaphore, #tpu.memory_space<semaphore_mem>>) src(%dma_wait3A_476 : memref<64x128xf32, #tpu.memory_space<hbm>>) dst(%dma_wait3A_473 : memref<64x128xf32, #tpu.memory_space<vmem>>)
      %dma_wait3A_477 = arith.constant 2 : i32
      %dma_wait3A_478 = arith.constant 0 : i32
      %dma_wait3A_479 = arith.constant 0 : i32
      %dma_wait3A_480 = tpu.memref_slice %arg6[%and3A_435, %dma_wait3A_477, %dma_wait3A_478, %dma_wait3A_479] : memref<2x4x64x128xf32, #tpu.memory_space<vmem>> -> memref<1x1x64x128xf32, #tpu.memory_space<vmem>>
      %dma_wait3A_481 = tpu.memref_squeeze %dma_wait3A_480 : memref<1x1x64x128xf32, #tpu.memory_space<vmem>> -> memref<64x128xf32, #tpu.memory_space<vmem>>
      %dma_wait3A_482 = arith.constant 0 : i32
      %dma_wait3A_483 = arith.constant 0 : i32
      %dma_wait3A_484 = tpu.memref_slice %arg2[%dma_wait3A_482, %dma_wait3A_483] : memref<64x1000000xf32, #tpu.memory_space<hbm>> -> memref<64x128xf32, #tpu.memory_space<hbm>>
      %dma_wait3A_485 = arith.constant 0 : i32
      %dma_wait3A_486 = arith.constant 0 : i32
      %dma_wait3A_487 = tpu.memref_slice %arg6[%and3A_435, %dma_wait3A_477, %dma_wait3A_485, %dma_wait3A_486] : memref<2x4x64x128xf32, #tpu.memory_space<vmem>> -> memref<1x1x64x128xf32, #tpu.memory_space<vmem>>
      %dma_wait3A_488 = tpu.memref_squeeze %dma_wait3A_487 : memref<1x1x64x128xf32, #tpu.memory_space<vmem>> -> memref<64x128xf32, #tpu.memory_space<vmem>>
      %dma_wait3A_489 = arith.constant 0 : i32
      %dma_wait3A_490 = arith.constant 0 : i32
      %dma_wait3A_491 = tpu.memref_slice %arg2[%dma_wait3A_489, %dma_wait3A_490] : memref<64x1000000xf32, #tpu.memory_space<hbm>> -> memref<64x128xf32, #tpu.memory_space<hbm>>
      tpu.wait_dma2 semaphore(%arg8 : memref<!tpu.dma_semaphore, #tpu.memory_space<semaphore_mem>>) src(%dma_wait3A_491 : memref<64x128xf32, #tpu.memory_space<hbm>>) dst(%dma_wait3A_488 : memref<64x128xf32, #tpu.memory_space<vmem>>)
      %dma_wait3A_492 = arith.constant 3 : i32
      %dma_wait3A_493 = arith.constant 0 : i32
      %dma_wait3A_494 = arith.constant 0 : i32
      %dma_wait3A_495 = tpu.memref_slice %arg6[%and3A_435, %dma_wait3A_492, %dma_wait3A_493, %dma_wait3A_494] : memref<2x4x64x128xf32, #tpu.memory_space<vmem>> -> memref<1x1x64x128xf32, #tpu.memory_space<vmem>>
      %dma_wait3A_496 = tpu.memref_squeeze %dma_wait3A_495 : memref<1x1x64x128xf32, #tpu.memory_space<vmem>> -> memref<64x128xf32, #tpu.memory_space<vmem>>
      %dma_wait3A_497 = arith.constant 0 : i32
      %dma_wait3A_498 = arith.constant 0 : i32
      %dma_wait3A_499 = tpu.memref_slice %arg2[%dma_wait3A_497, %dma_wait3A_498] : memref<64x1000000xf32, #tpu.memory_space<hbm>> -> memref<64x128xf32, #tpu.memory_space<hbm>>
      %dma_wait3A_500 = arith.constant 0 : i32
      %dma_wait3A_501 = arith.constant 0 : i32
      %dma_wait3A_502 = tpu.memref_slice %arg6[%and3A_435, %dma_wait3A_492, %dma_wait3A_500, %dma_wait3A_501] : memref<2x4x64x128xf32, #tpu.memory_space<vmem>> -> memref<1x1x64x128xf32, #tpu.memory_space<vmem>>
      %dma_wait3A_503 = tpu.memref_squeeze %dma_wait3A_502 : memref<1x1x64x128xf32, #tpu.memory_space<vmem>> -> memref<64x128xf32, #tpu.memory_space<vmem>>
      %dma_wait3A_504 = arith.constant 0 : i32
      %dma_wait3A_505 = arith.constant 0 : i32
      %dma_wait3A_506 = tpu.memref_slice %arg2[%dma_wait3A_504, %dma_wait3A_505] : memref<64x1000000xf32, #tpu.memory_space<hbm>> -> memref<64x128xf32, #tpu.memory_space<hbm>>
      tpu.wait_dma2 semaphore(%arg8 : memref<!tpu.dma_semaphore, #tpu.memory_space<semaphore_mem>>) src(%dma_wait3A_506 : memref<64x128xf32, #tpu.memory_space<hbm>>) dst(%dma_wait3A_503 : memref<64x128xf32, #tpu.memory_space<vmem>>)
      %slice3A_507 = vector.extract_strided_slice %get3A_446 {offsets = [0], sizes = [1], strides = [1]} : vector<16xi32> to vector<1xi32>
      %squeeze3A_508 = vector.extract %slice3A_507[0] : i32 from vector<1xi32>
      %and3A_509 = arith.constant 127 : i32
      %and3A_510 = arith.andi %squeeze3A_508, %and3A_509 : i32
      %broadcast_in_dim3A_511 = vector.broadcast %and3A_510 : i32 to vector<16xi32>
      %add3A_512 = arith.constant 0 : i32
      %add3A_513 = vector.broadcast %add3A_512 : i32 to vector<16xi32>
      %add3A_514 = arith.addi %add3A_513, %iota3A : vector<16xi32>
      %gather3A_515 = arith.constant 0 : i32
      %gather3A_516 = arith.constant 0 : i32
      %gather3A_517 = arith.constant 0 : i32
      %gather3A_518 = tpu.memref_slice %arg6[%and3A_435, %gather3A_515, %gather3A_516, %gather3A_517] : memref<2x4x64x128xf32, #tpu.memory_space<vmem>> -> memref<1x1x64x128xf32, #tpu.memory_space<vmem>>
      %gather3A_519 = tpu.memref_squeeze %gather3A_518 : memref<1x1x64x128xf32, #tpu.memory_space<vmem>> -> memref<64x128xf32, #tpu.memory_space<vmem>>
      %gather3A_520 = tpu.vector_load_idx %gather3A_519[%add3A_514, %broadcast_in_dim3A_511] : memref<64x128xf32, #tpu.memory_space<vmem>>[vector<16xi32>, vector<16xi32>], vector<16xf32>,
      %mul3A_521 = arith.constant 4 : i32
      %mul3A_522 = arith.muli %scan3A_433, %mul3A_521 : i32
      %add3A_523 = arith.constant 0 : i32
      %add3A_524 = arith.addi %mul3A_522, %add3A_523 : i32
      %swap3A_525 = arith.index_cast %add3A_524 : i32 to index
      %swap3A_526 = arith.constant 0 : index
      %swap3A_527 = tpu.vector_load %arg7[%swap3A_525, %swap3A_526] {strides = array<i32>} : memref<128x64xf32, #tpu.memory_space<vmem>>, vector<16xf32>,
      tpu.vector_store %arg7[%swap3A_525, %swap3A_526], %gather3A_520 {strides = array<i32>} : memref<128x64xf32, #tpu.memory_space<vmem>>, vector<16xf32>,
      %add3A_528 = arith.constant 16 : i32
      %add3A_529 = vector.broadcast %add3A_528 : i32 to vector<16xi32>
      %add3A_530 = arith.addi %add3A_529, %iota3A : vector<16xi32>
      %gather3A_531 = arith.constant 0 : i32
      %gather3A_532 = arith.constant 0 : i32
      %gather3A_533 = arith.constant 0 : i32
      %gather3A_534 = tpu.memref_slice %arg6[%and3A_435, %gather3A_531, %gather3A_532, %gather3A_533] : memref<2x4x64x128xf32, #tpu.memory_space<vmem>> -> memref<1x1x64x128xf32, #tpu.memory_space<vmem>>
      %gather3A_535 = tpu.memref_squeeze %gather3A_534 : memref<1x1x64x128xf32, #tpu.memory_space<vmem>> -> memref<64x128xf32, #tpu.memory_space<vmem>>
      %gather3A_536 = tpu.vector_load_idx %gather3A_535[%add3A_530, %broadcast_in_dim3A_511] : memref<64x128xf32, #tpu.memory_space<vmem>>[vector<16xi32>, vector<16xi32>], vector<16xf32>,
      %mul3A_537 = arith.constant 4 : i32
      %mul3A_538 = arith.muli %scan3A_433, %mul3A_537 : i32
      %add3A_539 = arith.constant 0 : i32
      %add3A_540 = arith.addi %mul3A_538, %add3A_539 : i32
      %swap3A_541 = arith.index_cast %add3A_540 : i32 to index
      %swap3A_542 = arith.constant 16 : index
      %swap3A_543 = tpu.vector_load %arg7[%swap3A_541, %swap3A_542] {strides = array<i32>} : memref<128x64xf32, #tpu.memory_space<vmem>>, vector<16xf32>,
      tpu.vector_store %arg7[%swap3A_541, %swap3A_542], %gather3A_536 {strides = array<i32>} : memref<128x64xf32, #tpu.memory_space<vmem>>, vector<16xf32>,
      %add3A_544 = arith.constant 32 : i32
      %add3A_545 = vector.broadcast %add3A_544 : i32 to vector<16xi32>
      %add3A_546 = arith.addi %add3A_545, %iota3A : vector<16xi32>
      %gather3A_547 = arith.constant 0 : i32
      %gather3A_548 = arith.constant 0 : i32
      %gather3A_549 = arith.constant 0 : i32
      %gather3A_550 = tpu.memref_slice %arg6[%and3A_435, %gather3A_547, %gather3A_548, %gather3A_549] : memref<2x4x64x128xf32, #tpu.memory_space<vmem>> -> memref<1x1x64x128xf32, #tpu.memory_space<vmem>>
      %gather3A_551 = tpu.memref_squeeze %gather3A_550 : memref<1x1x64x128xf32, #tpu.memory_space<vmem>> -> memref<64x128xf32, #tpu.memory_space<vmem>>
      %gather3A_552 = tpu.vector_load_idx %gather3A_551[%add3A_546, %broadcast_in_dim3A_511] : memref<64x128xf32, #tpu.memory_space<vmem>>[vector<16xi32>, vector<16xi32>], vector<16xf32>,
      %mul3A_553 = arith.constant 4 : i32
      %mul3A_554 = arith.muli %scan3A_433, %mul3A_553 : i32
      %add3A_555 = arith.constant 0 : i32
      %add3A_556 = arith.addi %mul3A_554, %add3A_555 : i32
      %swap3A_557 = arith.index_cast %add3A_556 : i32 to index
      %swap3A_558 = arith.constant 32 : index
      %swap3A_559 = tpu.vector_load %arg7[%swap3A_557, %swap3A_558] {strides = array<i32>} : memref<128x64xf32, #tpu.memory_space<vmem>>, vector<16xf32>,
      tpu.vector_store %arg7[%swap3A_557, %swap3A_558], %gather3A_552 {strides = array<i32>} : memref<128x64xf32, #tpu.memory_space<vmem>>, vector<16xf32>,
      %add3A_560 = arith.constant 48 : i32
      %add3A_561 = vector.broadcast %add3A_560 : i32 to vector<16xi32>
      %add3A_562 = arith.addi %add3A_561, %iota3A : vector<16xi32>
      %gather3A_563 = arith.constant 0 : i32
      %gather3A_564 = arith.constant 0 : i32
      %gather3A_565 = arith.constant 0 : i32
      %gather3A_566 = tpu.memref_slice %arg6[%and3A_435, %gather3A_563, %gather3A_564, %gather3A_565] : memref<2x4x64x128xf32, #tpu.memory_space<vmem>> -> memref<1x1x64x128xf32, #tpu.memory_space<vmem>>
      %gather3A_567 = tpu.memref_squeeze %gather3A_566 : memref<1x1x64x128xf32, #tpu.memory_space<vmem>> -> memref<64x128xf32, #tpu.memory_space<vmem>>
      %gather3A_568 = tpu.vector_load_idx %gather3A_567[%add3A_562, %broadcast_in_dim3A_511] : memref<64x128xf32, #tpu.memory_space<vmem>>[vector<16xi32>, vector<16xi32>], vector<16xf32>,
      %mul3A_569 = arith.constant 4 : i32
      %mul3A_570 = arith.muli %scan3A_433, %mul3A_569 : i32
      %add3A_571 = arith.constant 0 : i32
      %add3A_572 = arith.addi %mul3A_570, %add3A_571 : i32
      %swap3A_573 = arith.index_cast %add3A_572 : i32 to index
      %swap3A_574 = arith.constant 48 : index
      %swap3A_575 = tpu.vector_load %arg7[%swap3A_573, %swap3A_574] {strides = array<i32>} : memref<128x64xf32, #tpu.memory_space<vmem>>, vector<16xf32>,
      tpu.vector_store %arg7[%swap3A_573, %swap3A_574], %gather3A_568 {strides = array<i32>} : memref<128x64xf32, #tpu.memory_space<vmem>>, vector<16xf32>,
      %slice3A_576 = vector.extract_strided_slice %get3A_446 {offsets = [1], sizes = [1], strides = [1]} : vector<16xi32> to vector<1xi32>
      %squeeze3A_577 = vector.extract %slice3A_576[0] : i32 from vector<1xi32>
      %and3A_578 = arith.constant 127 : i32
      %and3A_579 = arith.andi %squeeze3A_577, %and3A_578 : i32
      %broadcast_in_dim3A_580 = vector.broadcast %and3A_579 : i32 to vector<16xi32>
      %add3A_581 = arith.constant 0 : i32
      %add3A_582 = vector.broadcast %add3A_581 : i32 to vector<16xi32>
      %add3A_583 = arith.addi %add3A_582, %iota3A : vector<16xi32>
      %gather3A_584 = arith.constant 1 : i32
      %gather3A_585 = arith.constant 0 : i32
      %gather3A_586 = arith.constant 0 : i32
      %gather3A_587 = tpu.memref_slice %arg6[%and3A_435, %gather3A_584, %gather3A_585, %gather3A_586] : memref<2x4x64x128xf32, #tpu.memory_space<vmem>> -> memref<1x1x64x128xf32, #tpu.memory_space<vmem>>
      %gather3A_588 = tpu.memref_squeeze %gather3A_587 : memref<1x1x64x128xf32, #tpu.memory_space<vmem>> -> memref<64x128xf32, #tpu.memory_space<vmem>>
      %gather3A_589 = tpu.vector_load_idx %gather3A_588[%add3A_583, %broadcast_in_dim3A_580] : memref<64x128xf32, #tpu.memory_space<vmem>>[vector<16xi32>, vector<16xi32>], vector<16xf32>,
      %mul3A_590 = arith.constant 4 : i32
      %mul3A_591 = arith.muli %scan3A_433, %mul3A_590 : i32
      %add3A_592 = arith.constant 1 : i32
      %add3A_593 = arith.addi %mul3A_591, %add3A_592 : i32
      %swap3A_594 = arith.index_cast %add3A_593 : i32 to index
      %swap3A_595 = arith.constant 0 : index
      %swap3A_596 = tpu.vector_load %arg7[%swap3A_594, %swap3A_595] {strides = array<i32>} : memref<128x64xf32, #tpu.memory_space<vmem>>, vector<16xf32>,
      tpu.vector_store %arg7[%swap3A_594, %swap3A_595], %gather3A_589 {strides = array<i32>} : memref<128x64xf32, #tpu.memory_space<vmem>>, vector<16xf32>,
      %add3A_597 = arith.constant 16 : i32
      %add3A_598 = vector.broadcast %add3A_597 : i32 to vector<16xi32>
      %add3A_599 = arith.addi %add3A_598, %iota3A : vector<16xi32>
      %gather3A_600 = arith.constant 1 : i32
      %gather3A_601 = arith.constant 0 : i32
      %gather3A_602 = arith.constant 0 : i32
      %gather3A_603 = tpu.memref_slice %arg6[%and3A_435, %gather3A_600, %gather3A_601, %gather3A_602] : memref<2x4x64x128xf32, #tpu.memory_space<vmem>> -> memref<1x1x64x128xf32, #tpu.memory_space<vmem>>
      %gather3A_604 = tpu.memref_squeeze %gather3A_603 : memref<1x1x64x128xf32, #tpu.memory_space<vmem>> -> memref<64x128xf32, #tpu.memory_space<vmem>>
      %gather3A_605 = tpu.vector_load_idx %gather3A_604[%add3A_599, %broadcast_in_dim3A_580] : memref<64x128xf32, #tpu.memory_space<vmem>>[vector<16xi32>, vector<16xi32>], vector<16xf32>,
      %mul3A_606 = arith.constant 4 : i32
      %mul3A_607 = arith.muli %scan3A_433, %mul3A_606 : i32
      %add3A_608 = arith.constant 1 : i32
      %add3A_609 = arith.addi %mul3A_607, %add3A_608 : i32
      %swap3A_610 = arith.index_cast %add3A_609 : i32 to index
      %swap3A_611 = arith.constant 16 : index
      %swap3A_612 = tpu.vector_load %arg7[%swap3A_610, %swap3A_611] {strides = array<i32>} : memref<128x64xf32, #tpu.memory_space<vmem>>, vector<16xf32>,
      tpu.vector_store %arg7[%swap3A_610, %swap3A_611], %gather3A_605 {strides = array<i32>} : memref<128x64xf32, #tpu.memory_space<vmem>>, vector<16xf32>,
      %add3A_613 = arith.constant 32 : i32
      %add3A_614 = vector.broadcast %add3A_613 : i32 to vector<16xi32>
      %add3A_615 = arith.addi %add3A_614, %iota3A : vector<16xi32>
      %gather3A_616 = arith.constant 1 : i32
      %gather3A_617 = arith.constant 0 : i32
      %gather3A_618 = arith.constant 0 : i32
      %gather3A_619 = tpu.memref_slice %arg6[%and3A_435, %gather3A_616, %gather3A_617, %gather3A_618] : memref<2x4x64x128xf32, #tpu.memory_space<vmem>> -> memref<1x1x64x128xf32, #tpu.memory_space<vmem>>
      %gather3A_620 = tpu.memref_squeeze %gather3A_619 : memref<1x1x64x128xf32, #tpu.memory_space<vmem>> -> memref<64x128xf32, #tpu.memory_space<vmem>>
      %gather3A_621 = tpu.vector_load_idx %gather3A_620[%add3A_615, %broadcast_in_dim3A_580] : memref<64x128xf32, #tpu.memory_space<vmem>>[vector<16xi32>, vector<16xi32>], vector<16xf32>,
      %mul3A_622 = arith.constant 4 : i32
      %mul3A_623 = arith.muli %scan3A_433, %mul3A_622 : i32
      %add3A_624 = arith.constant 1 : i32
      %add3A_625 = arith.addi %mul3A_623, %add3A_624 : i32
      %swap3A_626 = arith.index_cast %add3A_625 : i32 to index
      %swap3A_627 = arith.constant 32 : index
      %swap3A_628 = tpu.vector_load %arg7[%swap3A_626, %swap3A_627] {strides = array<i32>} : memref<128x64xf32, #tpu.memory_space<vmem>>, vector<16xf32>,
      tpu.vector_store %arg7[%swap3A_626, %swap3A_627], %gather3A_621 {strides = array<i32>} : memref<128x64xf32, #tpu.memory_space<vmem>>, vector<16xf32>,
      %add3A_629 = arith.constant 48 : i32
      %add3A_630 = vector.broadcast %add3A_629 : i32 to vector<16xi32>
      %add3A_631 = arith.addi %add3A_630, %iota3A : vector<16xi32>
      %gather3A_632 = arith.constant 1 : i32
      %gather3A_633 = arith.constant 0 : i32
      %gather3A_634 = arith.constant 0 : i32
      %gather3A_635 = tpu.memref_slice %arg6[%and3A_435, %gather3A_632, %gather3A_633, %gather3A_634] : memref<2x4x64x128xf32, #tpu.memory_space<vmem>> -> memref<1x1x64x128xf32, #tpu.memory_space<vmem>>
      %gather3A_636 = tpu.memref_squeeze %gather3A_635 : memref<1x1x64x128xf32, #tpu.memory_space<vmem>> -> memref<64x128xf32, #tpu.memory_space<vmem>>
      %gather3A_637 = tpu.vector_load_idx %gather3A_636[%add3A_631, %broadcast_in_dim3A_580] : memref<64x128xf32, #tpu.memory_space<vmem>>[vector<16xi32>, vector<16xi32>], vector<16xf32>,
      %mul3A_638 = arith.constant 4 : i32
      %mul3A_639 = arith.muli %scan3A_433, %mul3A_638 : i32
      %add3A_640 = arith.constant 1 : i32
      %add3A_641 = arith.addi %mul3A_639, %add3A_640 : i32
      %swap3A_642 = arith.index_cast %add3A_641 : i32 to index
      %swap3A_643 = arith.constant 48 : index
      %swap3A_644 = tpu.vector_load %arg7[%swap3A_642, %swap3A_643] {strides = array<i32>} : memref<128x64xf32, #tpu.memory_space<vmem>>, vector<16xf32>,
      tpu.vector_store %arg7[%swap3A_642, %swap3A_643], %gather3A_637 {strides = array<i32>} : memref<128x64xf32, #tpu.memory_space<vmem>>, vector<16xf32>,
      %slice3A_645 = vector.extract_strided_slice %get3A_446 {offsets = [2], sizes = [1], strides = [1]} : vector<16xi32> to vector<1xi32>
      %squeeze3A_646 = vector.extract %slice3A_645[0] : i32 from vector<1xi32>
      %and3A_647 = arith.constant 127 : i32
      %and3A_648 = arith.andi %squeeze3A_646, %and3A_647 : i32
      %broadcast_in_dim3A_649 = vector.broadcast %and3A_648 : i32 to vector<16xi32>
      %add3A_650 = arith.constant 0 : i32
      %add3A_651 = vector.broadcast %add3A_650 : i32 to vector<16xi32>
      %add3A_652 = arith.addi %add3A_651, %iota3A : vector<16xi32>
      %gather3A_653 = arith.constant 2 : i32
      %gather3A_654 = arith.constant 0 : i32
      %gather3A_655 = arith.constant 0 : i32
      %gather3A_656 = tpu.memref_slice %arg6[%and3A_435, %gather3A_653, %gather3A_654, %gather3A_655] : memref<2x4x64x128xf32, #tpu.memory_space<vmem>> -> memref<1x1x64x128xf32, #tpu.memory_space<vmem>>
      %gather3A_657 = tpu.memref_squeeze %gather3A_656 : memref<1x1x64x128xf32, #tpu.memory_space<vmem>> -> memref<64x128xf32, #tpu.memory_space<vmem>>
      %gather3A_658 = tpu.vector_load_idx %gather3A_657[%add3A_652, %broadcast_in_dim3A_649] : memref<64x128xf32, #tpu.memory_space<vmem>>[vector<16xi32>, vector<16xi32>], vector<16xf32>,
      %mul3A_659 = arith.constant 4 : i32
      %mul3A_660 = arith.muli %scan3A_433, %mul3A_659 : i32
      %add3A_661 = arith.constant 2 : i32
      %add3A_662 = arith.addi %mul3A_660, %add3A_661 : i32
      %swap3A_663 = arith.index_cast %add3A_662 : i32 to index
      %swap3A_664 = arith.constant 0 : index
      %swap3A_665 = tpu.vector_load %arg7[%swap3A_663, %swap3A_664] {strides = array<i32>} : memref<128x64xf32, #tpu.memory_space<vmem>>, vector<16xf32>,
      tpu.vector_store %arg7[%swap3A_663, %swap3A_664], %gather3A_658 {strides = array<i32>} : memref<128x64xf32, #tpu.memory_space<vmem>>, vector<16xf32>,
      %add3A_666 = arith.constant 16 : i32
      %add3A_667 = vector.broadcast %add3A_666 : i32 to vector<16xi32>
      %add3A_668 = arith.addi %add3A_667, %iota3A : vector<16xi32>
      %gather3A_669 = arith.constant 2 : i32
      %gather3A_670 = arith.constant 0 : i32
      %gather3A_671 = arith.constant 0 : i32
      %gather3A_672 = tpu.memref_slice %arg6[%and3A_435, %gather3A_669, %gather3A_670, %gather3A_671] : memref<2x4x64x128xf32, #tpu.memory_space<vmem>> -> memref<1x1x64x128xf32, #tpu.memory_space<vmem>>
      %gather3A_673 = tpu.memref_squeeze %gather3A_672 : memref<1x1x64x128xf32, #tpu.memory_space<vmem>> -> memref<64x128xf32, #tpu.memory_space<vmem>>
      %gather3A_674 = tpu.vector_load_idx %gather3A_673[%add3A_668, %broadcast_in_dim3A_649] : memref<64x128xf32, #tpu.memory_space<vmem>>[vector<16xi32>, vector<16xi32>], vector<16xf32>,
      %mul3A_675 = arith.constant 4 : i32
      %mul3A_676 = arith.muli %scan3A_433, %mul3A_675 : i32
      %add3A_677 = arith.constant 2 : i32
      %add3A_678 = arith.addi %mul3A_676, %add3A_677 : i32
      %swap3A_679 = arith.index_cast %add3A_678 : i32 to index
      %swap3A_680 = arith.constant 16 : index
      %swap3A_681 = tpu.vector_load %arg7[%swap3A_679, %swap3A_680] {strides = array<i32>} : memref<128x64xf32, #tpu.memory_space<vmem>>, vector<16xf32>,
      tpu.vector_store %arg7[%swap3A_679, %swap3A_680], %gather3A_674 {strides = array<i32>} : memref<128x64xf32, #tpu.memory_space<vmem>>, vector<16xf32>,
      %add3A_682 = arith.constant 32 : i32
      %add3A_683 = vector.broadcast %add3A_682 : i32 to vector<16xi32>
      %add3A_684 = arith.addi %add3A_683, %iota3A : vector<16xi32>
      %gather3A_685 = arith.constant 2 : i32
      %gather3A_686 = arith.constant 0 : i32
      %gather3A_687 = arith.constant 0 : i32
      %gather3A_688 = tpu.memref_slice %arg6[%and3A_435, %gather3A_685, %gather3A_686, %gather3A_687] : memref<2x4x64x128xf32, #tpu.memory_space<vmem>> -> memref<1x1x64x128xf32, #tpu.memory_space<vmem>>
      %gather3A_689 = tpu.memref_squeeze %gather3A_688 : memref<1x1x64x128xf32, #tpu.memory_space<vmem>> -> memref<64x128xf32, #tpu.memory_space<vmem>>
      %gather3A_690 = tpu.vector_load_idx %gather3A_689[%add3A_684, %broadcast_in_dim3A_649] : memref<64x128xf32, #tpu.memory_space<vmem>>[vector<16xi32>, vector<16xi32>], vector<16xf32>,
      %mul3A_691 = arith.constant 4 : i32
      %mul3A_692 = arith.muli %scan3A_433, %mul3A_691 : i32
      %add3A_693 = arith.constant 2 : i32
      %add3A_694 = arith.addi %mul3A_692, %add3A_693 : i32
      %swap3A_695 = arith.index_cast %add3A_694 : i32 to index
      %swap3A_696 = arith.constant 32 : index
      %swap3A_697 = tpu.vector_load %arg7[%swap3A_695, %swap3A_696] {strides = array<i32>} : memref<128x64xf32, #tpu.memory_space<vmem>>, vector<16xf32>,
      tpu.vector_store %arg7[%swap3A_695, %swap3A_696], %gather3A_690 {strides = array<i32>} : memref<128x64xf32, #tpu.memory_space<vmem>>, vector<16xf32>,
      %add3A_698 = arith.constant 48 : i32
      %add3A_699 = vector.broadcast %add3A_698 : i32 to vector<16xi32>
      %add3A_700 = arith.addi %add3A_699, %iota3A : vector<16xi32>
      %gather3A_701 = arith.constant 2 : i32
      %gather3A_702 = arith.constant 0 : i32
      %gather3A_703 = arith.constant 0 : i32
      %gather3A_704 = tpu.memref_slice %arg6[%and3A_435, %gather3A_701, %gather3A_702, %gather3A_703] : memref<2x4x64x128xf32, #tpu.memory_space<vmem>> -> memref<1x1x64x128xf32, #tpu.memory_space<vmem>>
      %gather3A_705 = tpu.memref_squeeze %gather3A_704 : memref<1x1x64x128xf32, #tpu.memory_space<vmem>> -> memref<64x128xf32, #tpu.memory_space<vmem>>
      %gather3A_706 = tpu.vector_load_idx %gather3A_705[%add3A_700, %broadcast_in_dim3A_649] : memref<64x128xf32, #tpu.memory_space<vmem>>[vector<16xi32>, vector<16xi32>], vector<16xf32>,
      %mul3A_707 = arith.constant 4 : i32
      %mul3A_708 = arith.muli %scan3A_433, %mul3A_707 : i32
      %add3A_709 = arith.constant 2 : i32
      %add3A_710 = arith.addi %mul3A_708, %add3A_709 : i32
      %swap3A_711 = arith.index_cast %add3A_710 : i32 to index
      %swap3A_712 = arith.constant 48 : index
      %swap3A_713 = tpu.vector_load %arg7[%swap3A_711, %swap3A_712] {strides = array<i32>} : memref<128x64xf32, #tpu.memory_space<vmem>>, vector<16xf32>,
      tpu.vector_store %arg7[%swap3A_711, %swap3A_712], %gather3A_706 {strides = array<i32>} : memref<128x64xf32, #tpu.memory_space<vmem>>, vector<16xf32>,
      %slice3A_714 = vector.extract_strided_slice %get3A_446 {offsets = [3], sizes = [1], strides = [1]} : vector<16xi32> to vector<1xi32>
      %squeeze3A_715 = vector.extract %slice3A_714[0] : i32 from vector<1xi32>
      %and3A_716 = arith.constant 127 : i32
      %and3A_717 = arith.andi %squeeze3A_715, %and3A_716 : i32
      %broadcast_in_dim3A_718 = vector.broadcast %and3A_717 : i32 to vector<16xi32>
      %add3A_719 = arith.constant 0 : i32
      %add3A_720 = vector.broadcast %add3A_719 : i32 to vector<16xi32>
      %add3A_721 = arith.addi %add3A_720, %iota3A : vector<16xi32>
      %gather3A_722 = arith.constant 3 : i32
      %gather3A_723 = arith.constant 0 : i32
      %gather3A_724 = arith.constant 0 : i32
      %gather3A_725 = tpu.memref_slice %arg6[%and3A_435, %gather3A_722, %gather3A_723, %gather3A_724] : memref<2x4x64x128xf32, #tpu.memory_space<vmem>> -> memref<1x1x64x128xf32, #tpu.memory_space<vmem>>
      %gather3A_726 = tpu.memref_squeeze %gather3A_725 : memref<1x1x64x128xf32, #tpu.memory_space<vmem>> -> memref<64x128xf32, #tpu.memory_space<vmem>>
      %gather3A_727 = tpu.vector_load_idx %gather3A_726[%add3A_721, %broadcast_in_dim3A_718] : memref<64x128xf32, #tpu.memory_space<vmem>>[vector<16xi32>, vector<16xi32>], vector<16xf32>,
      %mul3A_728 = arith.constant 4 : i32
      %mul3A_729 = arith.muli %scan3A_433, %mul3A_728 : i32
      %add3A_730 = arith.constant 3 : i32
      %add3A_731 = arith.addi %mul3A_729, %add3A_730 : i32
      %swap3A_732 = arith.index_cast %add3A_731 : i32 to index
      %swap3A_733 = arith.constant 0 : index
      %swap3A_734 = tpu.vector_load %arg7[%swap3A_732, %swap3A_733] {strides = array<i32>} : memref<128x64xf32, #tpu.memory_space<vmem>>, vector<16xf32>,
      tpu.vector_store %arg7[%swap3A_732, %swap3A_733], %gather3A_727 {strides = array<i32>} : memref<128x64xf32, #tpu.memory_space<vmem>>, vector<16xf32>,
      %add3A_735 = arith.constant 16 : i32
      %add3A_736 = vector.broadcast %add3A_735 : i32 to vector<16xi32>
      %add3A_737 = arith.addi %add3A_736, %iota3A : vector<16xi32>
      %gather3A_738 = arith.constant 3 : i32
      %gather3A_739 = arith.constant 0 : i32
      %gather3A_740 = arith.constant 0 : i32
      %gather3A_741 = tpu.memref_slice %arg6[%and3A_435, %gather3A_738, %gather3A_739, %gather3A_740] : memref<2x4x64x128xf32, #tpu.memory_space<vmem>> -> memref<1x1x64x128xf32, #tpu.memory_space<vmem>>
      %gather3A_742 = tpu.memref_squeeze %gather3A_741 : memref<1x1x64x128xf32, #tpu.memory_space<vmem>> -> memref<64x128xf32, #tpu.memory_space<vmem>>
      %gather3A_743 = tpu.vector_load_idx %gather3A_742[%add3A_737, %broadcast_in_dim3A_718] : memref<64x128xf32, #tpu.memory_space<vmem>>[vector<16xi32>, vector<16xi32>], vector<16xf32>,
      %mul3A_744 = arith.constant 4 : i32
      %mul3A_745 = arith.muli %scan3A_433, %mul3A_744 : i32
      %add3A_746 = arith.constant 3 : i32
      %add3A_747 = arith.addi %mul3A_745, %add3A_746 : i32
      %swap3A_748 = arith.index_cast %add3A_747 : i32 to index
      %swap3A_749 = arith.constant 16 : index
      %swap3A_750 = tpu.vector_load %arg7[%swap3A_748, %swap3A_749] {strides = array<i32>} : memref<128x64xf32, #tpu.memory_space<vmem>>, vector<16xf32>,
      tpu.vector_store %arg7[%swap3A_748, %swap3A_749], %gather3A_743 {strides = array<i32>} : memref<128x64xf32, #tpu.memory_space<vmem>>, vector<16xf32>,
      %add3A_751 = arith.constant 32 : i32
      %add3A_752 = vector.broadcast %add3A_751 : i32 to vector<16xi32>
      %add3A_753 = arith.addi %add3A_752, %iota3A : vector<16xi32>
      %gather3A_754 = arith.constant 3 : i32
      %gather3A_755 = arith.constant 0 : i32
      %gather3A_756 = arith.constant 0 : i32
      %gather3A_757 = tpu.memref_slice %arg6[%and3A_435, %gather3A_754, %gather3A_755, %gather3A_756] : memref<2x4x64x128xf32, #tpu.memory_space<vmem>> -> memref<1x1x64x128xf32, #tpu.memory_space<vmem>>
      %gather3A_758 = tpu.memref_squeeze %gather3A_757 : memref<1x1x64x128xf32, #tpu.memory_space<vmem>> -> memref<64x128xf32, #tpu.memory_space<vmem>>
      %gather3A_759 = tpu.vector_load_idx %gather3A_758[%add3A_753, %broadcast_in_dim3A_718] : memref<64x128xf32, #tpu.memory_space<vmem>>[vector<16xi32>, vector<16xi32>], vector<16xf32>,
      %mul3A_760 = arith.constant 4 : i32
      %mul3A_761 = arith.muli %scan3A_433, %mul3A_760 : i32
      %add3A_762 = arith.constant 3 : i32
      %add3A_763 = arith.addi %mul3A_761, %add3A_762 : i32
      %swap3A_764 = arith.index_cast %add3A_763 : i32 to index
      %swap3A_765 = arith.constant 32 : index
      %swap3A_766 = tpu.vector_load %arg7[%swap3A_764, %swap3A_765] {strides = array<i32>} : memref<128x64xf32, #tpu.memory_space<vmem>>, vector<16xf32>,
      tpu.vector_store %arg7[%swap3A_764, %swap3A_765], %gather3A_759 {strides = array<i32>} : memref<128x64xf32, #tpu.memory_space<vmem>>, vector<16xf32>,
      %add3A_767 = arith.constant 48 : i32
      %add3A_768 = vector.broadcast %add3A_767 : i32 to vector<16xi32>
      %add3A_769 = arith.addi %add3A_768, %iota3A : vector<16xi32>
      %gather3A_770 = arith.constant 3 : i32
      %gather3A_771 = arith.constant 0 : i32
      %gather3A_772 = arith.constant 0 : i32
      %gather3A_773 = tpu.memref_slice %arg6[%and3A_435, %gather3A_770, %gather3A_771, %gather3A_772] : memref<2x4x64x128xf32, #tpu.memory_space<vmem>> -> memref<1x1x64x128xf32, #tpu.memory_space<vmem>>
      %gather3A_774 = tpu.memref_squeeze %gather3A_773 : memref<1x1x64x128xf32, #tpu.memory_space<vmem>> -> memref<64x128xf32, #tpu.memory_space<vmem>>
      %gather3A_775 = tpu.vector_load_idx %gather3A_774[%add3A_769, %broadcast_in_dim3A_718] : memref<64x128xf32, #tpu.memory_space<vmem>>[vector<16xi32>, vector<16xi32>], vector<16xf32>,
      %mul3A_776 = arith.constant 4 : i32
      %mul3A_777 = arith.muli %scan3A_433, %mul3A_776 : i32
      %add3A_778 = arith.constant 3 : i32
      %add3A_779 = arith.addi %mul3A_777, %add3A_778 : i32
      %swap3A_780 = arith.index_cast %add3A_779 : i32 to index
      %swap3A_781 = arith.constant 48 : index
      %swap3A_782 = tpu.vector_load %arg7[%swap3A_780, %swap3A_781] {strides = array<i32>} : memref<128x64xf32, #tpu.memory_space<vmem>>, vector<16xf32>,
      tpu.vector_store %arg7[%swap3A_780, %swap3A_781], %gather3A_775 {strides = array<i32>} : memref<128x64xf32, #tpu.memory_space<vmem>>, vector<16xf32>,
      %scan3A_783 = arith.constant 0 : i32
      scf.yield %scan3A_783 : i32
    }
    %scan3A_87 = arith.constant 32 : i32
    "tpu.region"() ({
      %run_scoped3A = tpu.sem_alloc : memref<!tpu.dma_semaphore, #tpu.memory_space<semaphore_mem>>
      %dma_start3A_88 = arith.constant 0 : i32
      %dma_start3A_89 = tpu.memref_slice %arg4[%mul3A_2, %dma_start3A_88] : memref<4096x64xf32, #tpu.memory_space<hbm>> -> memref<128x64xf32, #tpu.memory_space<hbm>>
      %dma_start3A_90 = arith.constant 0 : i32
      %dma_start3A_91 = tpu.memref_slice %arg4[%mul3A_2, %dma_start3A_90] : memref<4096x64xf32, #tpu.memory_space<hbm>> -> memref<128x64xf32, #tpu.memory_space<hbm>>
      tpu.enqueue_dma source(%arg7 : memref<128x64xf32, #tpu.memory_space<vmem>>) target(%dma_start3A_91 : memref<128x64xf32, #tpu.memory_space<hbm>>) target_semaphore(%run_scoped3A : memref<!tpu.dma_semaphore, #tpu.memory_space<semaphore_mem>>)
      %dma_wait3A = arith.constant 0 : i32
      %dma_wait3A_92 = tpu.memref_slice %arg4[%mul3A_2, %dma_wait3A] : memref<4096x64xf32, #tpu.memory_space<hbm>> -> memref<128x64xf32, #tpu.memory_space<hbm>>
      %dma_wait3A_93 = arith.constant 0 : i32
      %dma_wait3A_94 = tpu.memref_slice %arg4[%mul3A_2, %dma_wait3A_93] : memref<4096x64xf32, #tpu.memory_space<hbm>> -> memref<128x64xf32, #tpu.memory_space<hbm>>
      tpu.wait_dma2 semaphore(%run_scoped3A : memref<!tpu.dma_semaphore, #tpu.memory_space<semaphore_mem>>) src(%arg7 : memref<128x64xf32, #tpu.memory_space<vmem>>) dst(%dma_wait3A_94 : memref<128x64xf32, #tpu.memory_space<hbm>>)
      tpu.yield
    }) : () -> ()
    return
  }
}

#map = affine_map<(d0, d1) -> (0)>
#map1 = affine_map<(d0, d1) -> (0, 0)>
#map2 = affine_map<(d0, d1) -> (0, 0, 0)>
module attributes {stable_mosaic.version = 14 : i64} {
  func.func @k(%arg0: i32, %arg1: i32, %arg2: memref<4096xi32, #tpu.memory_space<hbm>>, %arg3: memref<4096xi32, #tpu.memory_space<hbm>>, %arg4: memref<4096xi32, #tpu.memory_space<hbm>>, %arg5: memref<50x4096xi32, #tpu.memory_space<hbm>>, %arg6: memref<50x4096xi32, #tpu.memory_space<hbm>>, %arg7: memref<50x4096xi32, #tpu.memory_space<hbm>>, %arg8: memref<2000000x64xf32, #tpu.memory_space<hbm>>, %arg9: memref<200000x64xf32, #tpu.memory_space<hbm>>, %arg10: memref<200000x64xf32, #tpu.memory_space<hbm>>, %arg11: memref<4096x64xf32, #tpu.memory_space<hbm>>, %arg12: memref<6x4096x64xf32, #tpu.memory_space<hbm>>, %arg13: memref<3x128xi32, #tpu.memory_space<vmem>>, %arg14: memref<3x50x128xi32, #tpu.memory_space<vmem>>, %arg15: memref<3x128x64xf32, #tpu.memory_space<vmem>>, %arg16: memref<3x128x64xf32, #tpu.memory_space<vmem>>, %arg17: memref<!tpu.dma_semaphore, #tpu.memory_space<semaphore_mem>>, %arg18: memref<!tpu.dma_semaphore, #tpu.memory_space<semaphore_mem>>) attributes {dimension_semantics = [#tpu.dimension_semantics<core_parallel>, #tpu.dimension_semantics<subcore_parallel>], iteration_bounds = array<i64: 2, 16>, scalar_prefetch = 0 : i64, scratch_operands = 6 : i64, tpu.core_type = #tpu.core_type<sc_vector_subcore>, window_params = [{transform_indices = #map}, {transform_indices = #map}, {transform_indices = #map}, {transform_indices = #map1}, {transform_indices = #map1}, {transform_indices = #map1}, {transform_indices = #map1}, {transform_indices = #map1}, {transform_indices = #map1}, {transform_indices = #map1}, {transform_indices = #map2}]} {
    %mul3A = arith.constant 2 : i32
    %mul3A_0 = arith.muli %arg1, %mul3A : i32
    %add3A = arith.addi %mul3A_0, %arg0 : i32
    %mul3A_1 = arith.constant 128 : i32
    %mul3A_2 = arith.muli %add3A, %mul3A_1 : i32
    %run_scoped3A = arith.constant 0 : i32
    "tpu.region"() ({
      %run_scoped3A_120 = tpu.sem_alloc : memref<!tpu.dma_semaphore, #tpu.memory_space<semaphore_mem>>
      %dma_start3A_121 = arith.constant 0 : i32
      %dma_start3A_122 = tpu.memref_slice %arg13[%run_scoped3A, %dma_start3A_121] : memref<3x128xi32, #tpu.memory_space<vmem>> -> memref<1x128xi32, #tpu.memory_space<vmem>>
      %dma_start3A_123 = tpu.memref_squeeze %dma_start3A_122 : memref<1x128xi32, #tpu.memory_space<vmem>> -> memref<128xi32, #tpu.memory_space<vmem>>
      %dma_start3A_124 = tpu.memref_slice %arg2[%mul3A_2] : memref<4096xi32, #tpu.memory_space<hbm>> -> memref<128xi32, #tpu.memory_space<hbm>>
      %dma_start3A_125 = arith.constant 0 : i32
      %dma_start3A_126 = tpu.memref_slice %arg13[%run_scoped3A, %dma_start3A_125] : memref<3x128xi32, #tpu.memory_space<vmem>> -> memref<1x128xi32, #tpu.memory_space<vmem>>
      %dma_start3A_127 = tpu.memref_squeeze %dma_start3A_126 : memref<1x128xi32, #tpu.memory_space<vmem>> -> memref<128xi32, #tpu.memory_space<vmem>>
      %dma_start3A_128 = tpu.memref_slice %arg2[%mul3A_2] : memref<4096xi32, #tpu.memory_space<hbm>> -> memref<128xi32, #tpu.memory_space<hbm>>
      tpu.enqueue_dma source(%dma_start3A_128 : memref<128xi32, #tpu.memory_space<hbm>>) target(%dma_start3A_127 : memref<128xi32, #tpu.memory_space<vmem>>) target_semaphore(%run_scoped3A_120 : memref<!tpu.dma_semaphore, #tpu.memory_space<semaphore_mem>>)
      %dma_wait3A_129 = arith.constant 0 : i32
      %dma_wait3A_130 = tpu.memref_slice %arg13[%run_scoped3A, %dma_wait3A_129] : memref<3x128xi32, #tpu.memory_space<vmem>> -> memref<1x128xi32, #tpu.memory_space<vmem>>
      %dma_wait3A_131 = tpu.memref_squeeze %dma_wait3A_130 : memref<1x128xi32, #tpu.memory_space<vmem>> -> memref<128xi32, #tpu.memory_space<vmem>>
      %dma_wait3A_132 = tpu.memref_slice %arg2[%mul3A_2] : memref<4096xi32, #tpu.memory_space<hbm>> -> memref<128xi32, #tpu.memory_space<hbm>>
      %dma_wait3A_133 = arith.constant 0 : i32
      %dma_wait3A_134 = tpu.memref_slice %arg13[%run_scoped3A, %dma_wait3A_133] : memref<3x128xi32, #tpu.memory_space<vmem>> -> memref<1x128xi32, #tpu.memory_space<vmem>>
      %dma_wait3A_135 = tpu.memref_squeeze %dma_wait3A_134 : memref<1x128xi32, #tpu.memory_space<vmem>> -> memref<128xi32, #tpu.memory_space<vmem>>
      %dma_wait3A_136 = tpu.memref_slice %arg2[%mul3A_2] : memref<4096xi32, #tpu.memory_space<hbm>> -> memref<128xi32, #tpu.memory_space<hbm>>
      tpu.wait_dma2 semaphore(%run_scoped3A_120 : memref<!tpu.dma_semaphore, #tpu.memory_space<semaphore_mem>>) src(%dma_wait3A_136 : memref<128xi32, #tpu.memory_space<hbm>>) dst(%dma_wait3A_135 : memref<128xi32, #tpu.memory_space<vmem>>)
      tpu.yield
    }) : () -> ()
    %run_scoped3A_3 = arith.constant 1 : i32
    "tpu.region"() ({
      %run_scoped3A_120 = tpu.sem_alloc : memref<!tpu.dma_semaphore, #tpu.memory_space<semaphore_mem>>
      %dma_start3A_121 = arith.constant 0 : i32
      %dma_start3A_122 = tpu.memref_slice %arg13[%run_scoped3A_3, %dma_start3A_121] : memref<3x128xi32, #tpu.memory_space<vmem>> -> memref<1x128xi32, #tpu.memory_space<vmem>>
      %dma_start3A_123 = tpu.memref_squeeze %dma_start3A_122 : memref<1x128xi32, #tpu.memory_space<vmem>> -> memref<128xi32, #tpu.memory_space<vmem>>
      %dma_start3A_124 = tpu.memref_slice %arg3[%mul3A_2] : memref<4096xi32, #tpu.memory_space<hbm>> -> memref<128xi32, #tpu.memory_space<hbm>>
      %dma_start3A_125 = arith.constant 0 : i32
      %dma_start3A_126 = tpu.memref_slice %arg13[%run_scoped3A_3, %dma_start3A_125] : memref<3x128xi32, #tpu.memory_space<vmem>> -> memref<1x128xi32, #tpu.memory_space<vmem>>
      %dma_start3A_127 = tpu.memref_squeeze %dma_start3A_126 : memref<1x128xi32, #tpu.memory_space<vmem>> -> memref<128xi32, #tpu.memory_space<vmem>>
      %dma_start3A_128 = tpu.memref_slice %arg3[%mul3A_2] : memref<4096xi32, #tpu.memory_space<hbm>> -> memref<128xi32, #tpu.memory_space<hbm>>
      tpu.enqueue_dma source(%dma_start3A_128 : memref<128xi32, #tpu.memory_space<hbm>>) target(%dma_start3A_127 : memref<128xi32, #tpu.memory_space<vmem>>) target_semaphore(%run_scoped3A_120 : memref<!tpu.dma_semaphore, #tpu.memory_space<semaphore_mem>>)
      %dma_wait3A_129 = arith.constant 0 : i32
      %dma_wait3A_130 = tpu.memref_slice %arg13[%run_scoped3A_3, %dma_wait3A_129] : memref<3x128xi32, #tpu.memory_space<vmem>> -> memref<1x128xi32, #tpu.memory_space<vmem>>
      %dma_wait3A_131 = tpu.memref_squeeze %dma_wait3A_130 : memref<1x128xi32, #tpu.memory_space<vmem>> -> memref<128xi32, #tpu.memory_space<vmem>>
      %dma_wait3A_132 = tpu.memref_slice %arg3[%mul3A_2] : memref<4096xi32, #tpu.memory_space<hbm>> -> memref<128xi32, #tpu.memory_space<hbm>>
      %dma_wait3A_133 = arith.constant 0 : i32
      %dma_wait3A_134 = tpu.memref_slice %arg13[%run_scoped3A_3, %dma_wait3A_133] : memref<3x128xi32, #tpu.memory_space<vmem>> -> memref<1x128xi32, #tpu.memory_space<vmem>>
      %dma_wait3A_135 = tpu.memref_squeeze %dma_wait3A_134 : memref<1x128xi32, #tpu.memory_space<vmem>> -> memref<128xi32, #tpu.memory_space<vmem>>
      %dma_wait3A_136 = tpu.memref_slice %arg3[%mul3A_2] : memref<4096xi32, #tpu.memory_space<hbm>> -> memref<128xi32, #tpu.memory_space<hbm>>
      tpu.wait_dma2 semaphore(%run_scoped3A_120 : memref<!tpu.dma_semaphore, #tpu.memory_space<semaphore_mem>>) src(%dma_wait3A_136 : memref<128xi32, #tpu.memory_space<hbm>>) dst(%dma_wait3A_135 : memref<128xi32, #tpu.memory_space<vmem>>)
      tpu.yield
    }) : () -> ()
    %run_scoped3A_4 = arith.constant 2 : i32
    "tpu.region"() ({
      %run_scoped3A_120 = tpu.sem_alloc : memref<!tpu.dma_semaphore, #tpu.memory_space<semaphore_mem>>
      %dma_start3A_121 = arith.constant 0 : i32
      %dma_start3A_122 = tpu.memref_slice %arg13[%run_scoped3A_4, %dma_start3A_121] : memref<3x128xi32, #tpu.memory_space<vmem>> -> memref<1x128xi32, #tpu.memory_space<vmem>>
      %dma_start3A_123 = tpu.memref_squeeze %dma_start3A_122 : memref<1x128xi32, #tpu.memory_space<vmem>> -> memref<128xi32, #tpu.memory_space<vmem>>
      %dma_start3A_124 = tpu.memref_slice %arg4[%mul3A_2] : memref<4096xi32, #tpu.memory_space<hbm>> -> memref<128xi32, #tpu.memory_space<hbm>>
      %dma_start3A_125 = arith.constant 0 : i32
      %dma_start3A_126 = tpu.memref_slice %arg13[%run_scoped3A_4, %dma_start3A_125] : memref<3x128xi32, #tpu.memory_space<vmem>> -> memref<1x128xi32, #tpu.memory_space<vmem>>
      %dma_start3A_127 = tpu.memref_squeeze %dma_start3A_126 : memref<1x128xi32, #tpu.memory_space<vmem>> -> memref<128xi32, #tpu.memory_space<vmem>>
      %dma_start3A_128 = tpu.memref_slice %arg4[%mul3A_2] : memref<4096xi32, #tpu.memory_space<hbm>> -> memref<128xi32, #tpu.memory_space<hbm>>
      tpu.enqueue_dma source(%dma_start3A_128 : memref<128xi32, #tpu.memory_space<hbm>>) target(%dma_start3A_127 : memref<128xi32, #tpu.memory_space<vmem>>) target_semaphore(%run_scoped3A_120 : memref<!tpu.dma_semaphore, #tpu.memory_space<semaphore_mem>>)
      %dma_wait3A_129 = arith.constant 0 : i32
      %dma_wait3A_130 = tpu.memref_slice %arg13[%run_scoped3A_4, %dma_wait3A_129] : memref<3x128xi32, #tpu.memory_space<vmem>> -> memref<1x128xi32, #tpu.memory_space<vmem>>
      %dma_wait3A_131 = tpu.memref_squeeze %dma_wait3A_130 : memref<1x128xi32, #tpu.memory_space<vmem>> -> memref<128xi32, #tpu.memory_space<vmem>>
      %dma_wait3A_132 = tpu.memref_slice %arg4[%mul3A_2] : memref<4096xi32, #tpu.memory_space<hbm>> -> memref<128xi32, #tpu.memory_space<hbm>>
      %dma_wait3A_133 = arith.constant 0 : i32
      %dma_wait3A_134 = tpu.memref_slice %arg13[%run_scoped3A_4, %dma_wait3A_133] : memref<3x128xi32, #tpu.memory_space<vmem>> -> memref<1x128xi32, #tpu.memory_space<vmem>>
      %dma_wait3A_135 = tpu.memref_squeeze %dma_wait3A_134 : memref<1x128xi32, #tpu.memory_space<vmem>> -> memref<128xi32, #tpu.memory_space<vmem>>
      %dma_wait3A_136 = tpu.memref_slice %arg4[%mul3A_2] : memref<4096xi32, #tpu.memory_space<hbm>> -> memref<128xi32, #tpu.memory_space<hbm>>
      tpu.wait_dma2 semaphore(%run_scoped3A_120 : memref<!tpu.dma_semaphore, #tpu.memory_space<semaphore_mem>>) src(%dma_wait3A_136 : memref<128xi32, #tpu.memory_space<hbm>>) dst(%dma_wait3A_135 : memref<128xi32, #tpu.memory_space<vmem>>)
      tpu.yield
    }) : () -> ()
    %run_scoped3A_5 = arith.constant 0 : i32
    "tpu.region"() ({
      %run_scoped3A_120 = tpu.sem_alloc : memref<!tpu.dma_semaphore, #tpu.memory_space<semaphore_mem>>
      %dma_start3A_121 = arith.constant 0 : i32
      %dma_start3A_122 = arith.constant 0 : i32
      %dma_start3A_123 = tpu.memref_slice %arg14[%run_scoped3A_5, %dma_start3A_121, %dma_start3A_122] : memref<3x50x128xi32, #tpu.memory_space<vmem>> -> memref<1x50x128xi32, #tpu.memory_space<vmem>>
      %dma_start3A_124 = tpu.memref_squeeze %dma_start3A_123 : memref<1x50x128xi32, #tpu.memory_space<vmem>> -> memref<50x128xi32, #tpu.memory_space<vmem>>
      %dma_start3A_125 = arith.constant 0 : i32
      %dma_start3A_126 = tpu.memref_slice %arg5[%dma_start3A_125, %mul3A_2] : memref<50x4096xi32, #tpu.memory_space<hbm>> -> memref<50x128xi32, #tpu.memory_space<hbm>>
      %dma_start3A_127 = arith.constant 0 : i32
      %dma_start3A_128 = arith.constant 0 : i32
      %dma_start3A_129 = tpu.memref_slice %arg14[%run_scoped3A_5, %dma_start3A_127, %dma_start3A_128] : memref<3x50x128xi32, #tpu.memory_space<vmem>> -> memref<1x50x128xi32, #tpu.memory_space<vmem>>
      %dma_start3A_130 = tpu.memref_squeeze %dma_start3A_129 : memref<1x50x128xi32, #tpu.memory_space<vmem>> -> memref<50x128xi32, #tpu.memory_space<vmem>>
      %dma_start3A_131 = arith.constant 0 : i32
      %dma_start3A_132 = tpu.memref_slice %arg5[%dma_start3A_131, %mul3A_2] : memref<50x4096xi32, #tpu.memory_space<hbm>> -> memref<50x128xi32, #tpu.memory_space<hbm>>
      tpu.enqueue_dma source(%dma_start3A_132 : memref<50x128xi32, #tpu.memory_space<hbm>>) target(%dma_start3A_130 : memref<50x128xi32, #tpu.memory_space<vmem>>) target_semaphore(%run_scoped3A_120 : memref<!tpu.dma_semaphore, #tpu.memory_space<semaphore_mem>>)
      %dma_wait3A_133 = arith.constant 0 : i32
      %dma_wait3A_134 = arith.constant 0 : i32
      %dma_wait3A_135 = tpu.memref_slice %arg14[%run_scoped3A_5, %dma_wait3A_133, %dma_wait3A_134] : memref<3x50x128xi32, #tpu.memory_space<vmem>> -> memref<1x50x128xi32, #tpu.memory_space<vmem>>
      %dma_wait3A_136 = tpu.memref_squeeze %dma_wait3A_135 : memref<1x50x128xi32, #tpu.memory_space<vmem>> -> memref<50x128xi32, #tpu.memory_space<vmem>>
      %dma_wait3A_137 = arith.constant 0 : i32
      %dma_wait3A_138 = tpu.memref_slice %arg5[%dma_wait3A_137, %mul3A_2] : memref<50x4096xi32, #tpu.memory_space<hbm>> -> memref<50x128xi32, #tpu.memory_space<hbm>>
      %dma_wait3A_139 = arith.constant 0 : i32
      %dma_wait3A_140 = arith.constant 0 : i32
      %dma_wait3A_141 = tpu.memref_slice %arg14[%run_scoped3A_5, %dma_wait3A_139, %dma_wait3A_140] : memref<3x50x128xi32, #tpu.memory_space<vmem>> -> memref<1x50x128xi32, #tpu.memory_space<vmem>>
      %dma_wait3A_142 = tpu.memref_squeeze %dma_wait3A_141 : memref<1x50x128xi32, #tpu.memory_space<vmem>> -> memref<50x128xi32, #tpu.memory_space<vmem>>
      %dma_wait3A_143 = arith.constant 0 : i32
      %dma_wait3A_144 = tpu.memref_slice %arg5[%dma_wait3A_143, %mul3A_2] : memref<50x4096xi32, #tpu.memory_space<hbm>> -> memref<50x128xi32, #tpu.memory_space<hbm>>
      tpu.wait_dma2 semaphore(%run_scoped3A_120 : memref<!tpu.dma_semaphore, #tpu.memory_space<semaphore_mem>>) src(%dma_wait3A_144 : memref<50x128xi32, #tpu.memory_space<hbm>>) dst(%dma_wait3A_142 : memref<50x128xi32, #tpu.memory_space<vmem>>)
      tpu.yield
    }) : () -> ()
    %run_scoped3A_6 = arith.constant 1 : i32
    "tpu.region"() ({
      %run_scoped3A_120 = tpu.sem_alloc : memref<!tpu.dma_semaphore, #tpu.memory_space<semaphore_mem>>
      %dma_start3A_121 = arith.constant 0 : i32
      %dma_start3A_122 = arith.constant 0 : i32
      %dma_start3A_123 = tpu.memref_slice %arg14[%run_scoped3A_6, %dma_start3A_121, %dma_start3A_122] : memref<3x50x128xi32, #tpu.memory_space<vmem>> -> memref<1x50x128xi32, #tpu.memory_space<vmem>>
      %dma_start3A_124 = tpu.memref_squeeze %dma_start3A_123 : memref<1x50x128xi32, #tpu.memory_space<vmem>> -> memref<50x128xi32, #tpu.memory_space<vmem>>
      %dma_start3A_125 = arith.constant 0 : i32
      %dma_start3A_126 = tpu.memref_slice %arg6[%dma_start3A_125, %mul3A_2] : memref<50x4096xi32, #tpu.memory_space<hbm>> -> memref<50x128xi32, #tpu.memory_space<hbm>>
      %dma_start3A_127 = arith.constant 0 : i32
      %dma_start3A_128 = arith.constant 0 : i32
      %dma_start3A_129 = tpu.memref_slice %arg14[%run_scoped3A_6, %dma_start3A_127, %dma_start3A_128] : memref<3x50x128xi32, #tpu.memory_space<vmem>> -> memref<1x50x128xi32, #tpu.memory_space<vmem>>
      %dma_start3A_130 = tpu.memref_squeeze %dma_start3A_129 : memref<1x50x128xi32, #tpu.memory_space<vmem>> -> memref<50x128xi32, #tpu.memory_space<vmem>>
      %dma_start3A_131 = arith.constant 0 : i32
      %dma_start3A_132 = tpu.memref_slice %arg6[%dma_start3A_131, %mul3A_2] : memref<50x4096xi32, #tpu.memory_space<hbm>> -> memref<50x128xi32, #tpu.memory_space<hbm>>
      tpu.enqueue_dma source(%dma_start3A_132 : memref<50x128xi32, #tpu.memory_space<hbm>>) target(%dma_start3A_130 : memref<50x128xi32, #tpu.memory_space<vmem>>) target_semaphore(%run_scoped3A_120 : memref<!tpu.dma_semaphore, #tpu.memory_space<semaphore_mem>>)
      %dma_wait3A_133 = arith.constant 0 : i32
      %dma_wait3A_134 = arith.constant 0 : i32
      %dma_wait3A_135 = tpu.memref_slice %arg14[%run_scoped3A_6, %dma_wait3A_133, %dma_wait3A_134] : memref<3x50x128xi32, #tpu.memory_space<vmem>> -> memref<1x50x128xi32, #tpu.memory_space<vmem>>
      %dma_wait3A_136 = tpu.memref_squeeze %dma_wait3A_135 : memref<1x50x128xi32, #tpu.memory_space<vmem>> -> memref<50x128xi32, #tpu.memory_space<vmem>>
      %dma_wait3A_137 = arith.constant 0 : i32
      %dma_wait3A_138 = tpu.memref_slice %arg6[%dma_wait3A_137, %mul3A_2] : memref<50x4096xi32, #tpu.memory_space<hbm>> -> memref<50x128xi32, #tpu.memory_space<hbm>>
      %dma_wait3A_139 = arith.constant 0 : i32
      %dma_wait3A_140 = arith.constant 0 : i32
      %dma_wait3A_141 = tpu.memref_slice %arg14[%run_scoped3A_6, %dma_wait3A_139, %dma_wait3A_140] : memref<3x50x128xi32, #tpu.memory_space<vmem>> -> memref<1x50x128xi32, #tpu.memory_space<vmem>>
      %dma_wait3A_142 = tpu.memref_squeeze %dma_wait3A_141 : memref<1x50x128xi32, #tpu.memory_space<vmem>> -> memref<50x128xi32, #tpu.memory_space<vmem>>
      %dma_wait3A_143 = arith.constant 0 : i32
      %dma_wait3A_144 = tpu.memref_slice %arg6[%dma_wait3A_143, %mul3A_2] : memref<50x4096xi32, #tpu.memory_space<hbm>> -> memref<50x128xi32, #tpu.memory_space<hbm>>
      tpu.wait_dma2 semaphore(%run_scoped3A_120 : memref<!tpu.dma_semaphore, #tpu.memory_space<semaphore_mem>>) src(%dma_wait3A_144 : memref<50x128xi32, #tpu.memory_space<hbm>>) dst(%dma_wait3A_142 : memref<50x128xi32, #tpu.memory_space<vmem>>)
      tpu.yield
    }) : () -> ()
    %run_scoped3A_7 = arith.constant 2 : i32
    "tpu.region"() ({
      %run_scoped3A_120 = tpu.sem_alloc : memref<!tpu.dma_semaphore, #tpu.memory_space<semaphore_mem>>
      %dma_start3A_121 = arith.constant 0 : i32
      %dma_start3A_122 = arith.constant 0 : i32
      %dma_start3A_123 = tpu.memref_slice %arg14[%run_scoped3A_7, %dma_start3A_121, %dma_start3A_122] : memref<3x50x128xi32, #tpu.memory_space<vmem>> -> memref<1x50x128xi32, #tpu.memory_space<vmem>>
      %dma_start3A_124 = tpu.memref_squeeze %dma_start3A_123 : memref<1x50x128xi32, #tpu.memory_space<vmem>> -> memref<50x128xi32, #tpu.memory_space<vmem>>
      %dma_start3A_125 = arith.constant 0 : i32
      %dma_start3A_126 = tpu.memref_slice %arg7[%dma_start3A_125, %mul3A_2] : memref<50x4096xi32, #tpu.memory_space<hbm>> -> memref<50x128xi32, #tpu.memory_space<hbm>>
      %dma_start3A_127 = arith.constant 0 : i32
      %dma_start3A_128 = arith.constant 0 : i32
      %dma_start3A_129 = tpu.memref_slice %arg14[%run_scoped3A_7, %dma_start3A_127, %dma_start3A_128] : memref<3x50x128xi32, #tpu.memory_space<vmem>> -> memref<1x50x128xi32, #tpu.memory_space<vmem>>
      %dma_start3A_130 = tpu.memref_squeeze %dma_start3A_129 : memref<1x50x128xi32, #tpu.memory_space<vmem>> -> memref<50x128xi32, #tpu.memory_space<vmem>>
      %dma_start3A_131 = arith.constant 0 : i32
      %dma_start3A_132 = tpu.memref_slice %arg7[%dma_start3A_131, %mul3A_2] : memref<50x4096xi32, #tpu.memory_space<hbm>> -> memref<50x128xi32, #tpu.memory_space<hbm>>
      tpu.enqueue_dma source(%dma_start3A_132 : memref<50x128xi32, #tpu.memory_space<hbm>>) target(%dma_start3A_130 : memref<50x128xi32, #tpu.memory_space<vmem>>) target_semaphore(%run_scoped3A_120 : memref<!tpu.dma_semaphore, #tpu.memory_space<semaphore_mem>>)
      %dma_wait3A_133 = arith.constant 0 : i32
      %dma_wait3A_134 = arith.constant 0 : i32
      %dma_wait3A_135 = tpu.memref_slice %arg14[%run_scoped3A_7, %dma_wait3A_133, %dma_wait3A_134] : memref<3x50x128xi32, #tpu.memory_space<vmem>> -> memref<1x50x128xi32, #tpu.memory_space<vmem>>
      %dma_wait3A_136 = tpu.memref_squeeze %dma_wait3A_135 : memref<1x50x128xi32, #tpu.memory_space<vmem>> -> memref<50x128xi32, #tpu.memory_space<vmem>>
      %dma_wait3A_137 = arith.constant 0 : i32
      %dma_wait3A_138 = tpu.memref_slice %arg7[%dma_wait3A_137, %mul3A_2] : memref<50x4096xi32, #tpu.memory_space<hbm>> -> memref<50x128xi32, #tpu.memory_space<hbm>>
      %dma_wait3A_139 = arith.constant 0 : i32
      %dma_wait3A_140 = arith.constant 0 : i32
      %dma_wait3A_141 = tpu.memref_slice %arg14[%run_scoped3A_7, %dma_wait3A_139, %dma_wait3A_140] : memref<3x50x128xi32, #tpu.memory_space<vmem>> -> memref<1x50x128xi32, #tpu.memory_space<vmem>>
      %dma_wait3A_142 = tpu.memref_squeeze %dma_wait3A_141 : memref<1x50x128xi32, #tpu.memory_space<vmem>> -> memref<50x128xi32, #tpu.memory_space<vmem>>
      %dma_wait3A_143 = arith.constant 0 : i32
      %dma_wait3A_144 = tpu.memref_slice %arg7[%dma_wait3A_143, %mul3A_2] : memref<50x4096xi32, #tpu.memory_space<hbm>> -> memref<50x128xi32, #tpu.memory_space<hbm>>
      tpu.wait_dma2 semaphore(%run_scoped3A_120 : memref<!tpu.dma_semaphore, #tpu.memory_space<semaphore_mem>>) src(%dma_wait3A_144 : memref<50x128xi32, #tpu.memory_space<hbm>>) dst(%dma_wait3A_142 : memref<50x128xi32, #tpu.memory_space<vmem>>)
      tpu.yield
    }) : () -> ()
    %broadcast_in_dim3A = arith.constant 0.000000e+00 : f32
    %broadcast_in_dim3A_8 = vector.broadcast %broadcast_in_dim3A : f32 to vector<16xf32>
    %scan3A = arith.constant 0 : i32
    %scan3A_9 = arith.constant 0 : i32
    %scan3A_10 = arith.constant 128 : i32
    %scan3A_11 = arith.addi %scan3A_9, %scan3A_10 : i32
    %scan3A_12 = arith.constant 1 : i32
    %scan3A_13 = scf.for %scan3A_120 = %scan3A_9 to %scan3A_11 step %scan3A_12 iter_args(%scan3A_121 = %scan3A) -> (i32)  : i32 {
      %swap3A = arith.constant 0 : i32
      %swap3A_122 = arith.index_cast %swap3A : i32 to index
      %swap3A_123 = arith.index_cast %scan3A_120 : i32 to index
      %swap3A_124 = arith.constant 0 : index
      %swap3A_125 = tpu.vector_load %arg16[%swap3A_122, %swap3A_123, %swap3A_124] {strides = array<i32>} : memref<3x128x64xf32, #tpu.memory_space<vmem>>, vector<1x1x16xf32>,
      %swap3A_126 = vector.shape_cast %swap3A_125 : vector<1x1x16xf32> to vector<16xf32>
      %swap3A_127 = vector.shape_cast %broadcast_in_dim3A_8 : vector<16xf32> to vector<1x1x16xf32>
      tpu.vector_store %arg16[%swap3A_122, %swap3A_123, %swap3A_124], %swap3A_127 {strides = array<i32>} : memref<3x128x64xf32, #tpu.memory_space<vmem>>, vector<1x1x16xf32>,
      %swap3A_128 = arith.constant 0 : i32
      %swap3A_129 = arith.index_cast %swap3A_128 : i32 to index
      %swap3A_130 = arith.index_cast %scan3A_120 : i32 to index
      %swap3A_131 = arith.constant 16 : index
      %swap3A_132 = tpu.vector_load %arg16[%swap3A_129, %swap3A_130, %swap3A_131] {strides = array<i32>} : memref<3x128x64xf32, #tpu.memory_space<vmem>>, vector<1x1x16xf32>,
      %swap3A_133 = vector.shape_cast %swap3A_132 : vector<1x1x16xf32> to vector<16xf32>
      %swap3A_134 = vector.shape_cast %broadcast_in_dim3A_8 : vector<16xf32> to vector<1x1x16xf32>
      tpu.vector_store %arg16[%swap3A_129, %swap3A_130, %swap3A_131], %swap3A_134 {strides = array<i32>} : memref<3x128x64xf32, #tpu.memory_space<vmem>>, vector<1x1x16xf32>,
      %swap3A_135 = arith.constant 0 : i32
      %swap3A_136 = arith.index_cast %swap3A_135 : i32 to index
      %swap3A_137 = arith.index_cast %scan3A_120 : i32 to index
      %swap3A_138 = arith.constant 32 : index
      %swap3A_139 = tpu.vector_load %arg16[%swap3A_136, %swap3A_137, %swap3A_138] {strides = array<i32>} : memref<3x128x64xf32, #tpu.memory_space<vmem>>, vector<1x1x16xf32>,
      %swap3A_140 = vector.shape_cast %swap3A_139 : vector<1x1x16xf32> to vector<16xf32>
      %swap3A_141 = vector.shape_cast %broadcast_in_dim3A_8 : vector<16xf32> to vector<1x1x16xf32>
      tpu.vector_store %arg16[%swap3A_136, %swap3A_137, %swap3A_138], %swap3A_141 {strides = array<i32>} : memref<3x128x64xf32, #tpu.memory_space<vmem>>, vector<1x1x16xf32>,
      %swap3A_142 = arith.constant 0 : i32
      %swap3A_143 = arith.index_cast %swap3A_142 : i32 to index
      %swap3A_144 = arith.index_cast %scan3A_120 : i32 to index
      %swap3A_145 = arith.constant 48 : index
      %swap3A_146 = tpu.vector_load %arg16[%swap3A_143, %swap3A_144, %swap3A_145] {strides = array<i32>} : memref<3x128x64xf32, #tpu.memory_space<vmem>>, vector<1x1x16xf32>,
      %swap3A_147 = vector.shape_cast %swap3A_146 : vector<1x1x16xf32> to vector<16xf32>
      %swap3A_148 = vector.shape_cast %broadcast_in_dim3A_8 : vector<16xf32> to vector<1x1x16xf32>
      tpu.vector_store %arg16[%swap3A_143, %swap3A_144, %swap3A_145], %swap3A_148 {strides = array<i32>} : memref<3x128x64xf32, #tpu.memory_space<vmem>>, vector<1x1x16xf32>,
      %swap3A_149 = arith.constant 1 : i32
      %swap3A_150 = arith.index_cast %swap3A_149 : i32 to index
      %swap3A_151 = arith.index_cast %scan3A_120 : i32 to index
      %swap3A_152 = arith.constant 0 : index
      %swap3A_153 = tpu.vector_load %arg16[%swap3A_150, %swap3A_151, %swap3A_152] {strides = array<i32>} : memref<3x128x64xf32, #tpu.memory_space<vmem>>, vector<1x1x16xf32>,
      %swap3A_154 = vector.shape_cast %swap3A_153 : vector<1x1x16xf32> to vector<16xf32>
      %swap3A_155 = vector.shape_cast %broadcast_in_dim3A_8 : vector<16xf32> to vector<1x1x16xf32>
      tpu.vector_store %arg16[%swap3A_150, %swap3A_151, %swap3A_152], %swap3A_155 {strides = array<i32>} : memref<3x128x64xf32, #tpu.memory_space<vmem>>, vector<1x1x16xf32>,
      %swap3A_156 = arith.constant 1 : i32
      %swap3A_157 = arith.index_cast %swap3A_156 : i32 to index
      %swap3A_158 = arith.index_cast %scan3A_120 : i32 to index
      %swap3A_159 = arith.constant 16 : index
      %swap3A_160 = tpu.vector_load %arg16[%swap3A_157, %swap3A_158, %swap3A_159] {strides = array<i32>} : memref<3x128x64xf32, #tpu.memory_space<vmem>>, vector<1x1x16xf32>,
      %swap3A_161 = vector.shape_cast %swap3A_160 : vector<1x1x16xf32> to vector<16xf32>
      %swap3A_162 = vector.shape_cast %broadcast_in_dim3A_8 : vector<16xf32> to vector<1x1x16xf32>
      tpu.vector_store %arg16[%swap3A_157, %swap3A_158, %swap3A_159], %swap3A_162 {strides = array<i32>} : memref<3x128x64xf32, #tpu.memory_space<vmem>>, vector<1x1x16xf32>,
      %swap3A_163 = arith.constant 1 : i32
      %swap3A_164 = arith.index_cast %swap3A_163 : i32 to index
      %swap3A_165 = arith.index_cast %scan3A_120 : i32 to index
      %swap3A_166 = arith.constant 32 : index
      %swap3A_167 = tpu.vector_load %arg16[%swap3A_164, %swap3A_165, %swap3A_166] {strides = array<i32>} : memref<3x128x64xf32, #tpu.memory_space<vmem>>, vector<1x1x16xf32>,
      %swap3A_168 = vector.shape_cast %swap3A_167 : vector<1x1x16xf32> to vector<16xf32>
      %swap3A_169 = vector.shape_cast %broadcast_in_dim3A_8 : vector<16xf32> to vector<1x1x16xf32>
      tpu.vector_store %arg16[%swap3A_164, %swap3A_165, %swap3A_166], %swap3A_169 {strides = array<i32>} : memref<3x128x64xf32, #tpu.memory_space<vmem>>, vector<1x1x16xf32>,
      %swap3A_170 = arith.constant 1 : i32
      %swap3A_171 = arith.index_cast %swap3A_170 : i32 to index
      %swap3A_172 = arith.index_cast %scan3A_120 : i32 to index
      %swap3A_173 = arith.constant 48 : index
      %swap3A_174 = tpu.vector_load %arg16[%swap3A_171, %swap3A_172, %swap3A_173] {strides = array<i32>} : memref<3x128x64xf32, #tpu.memory_space<vmem>>, vector<1x1x16xf32>,
      %swap3A_175 = vector.shape_cast %swap3A_174 : vector<1x1x16xf32> to vector<16xf32>
      %swap3A_176 = vector.shape_cast %broadcast_in_dim3A_8 : vector<16xf32> to vector<1x1x16xf32>
      tpu.vector_store %arg16[%swap3A_171, %swap3A_172, %swap3A_173], %swap3A_176 {strides = array<i32>} : memref<3x128x64xf32, #tpu.memory_space<vmem>>, vector<1x1x16xf32>,
      %swap3A_177 = arith.constant 2 : i32
      %swap3A_178 = arith.index_cast %swap3A_177 : i32 to index
      %swap3A_179 = arith.index_cast %scan3A_120 : i32 to index
      %swap3A_180 = arith.constant 0 : index
      %swap3A_181 = tpu.vector_load %arg16[%swap3A_178, %swap3A_179, %swap3A_180] {strides = array<i32>} : memref<3x128x64xf32, #tpu.memory_space<vmem>>, vector<1x1x16xf32>,
      %swap3A_182 = vector.shape_cast %swap3A_181 : vector<1x1x16xf32> to vector<16xf32>
      %swap3A_183 = vector.shape_cast %broadcast_in_dim3A_8 : vector<16xf32> to vector<1x1x16xf32>
      tpu.vector_store %arg16[%swap3A_178, %swap3A_179, %swap3A_180], %swap3A_183 {strides = array<i32>} : memref<3x128x64xf32, #tpu.memory_space<vmem>>, vector<1x1x16xf32>,
      %swap3A_184 = arith.constant 2 : i32
      %swap3A_185 = arith.index_cast %swap3A_184 : i32 to index
      %swap3A_186 = arith.index_cast %scan3A_120 : i32 to index
      %swap3A_187 = arith.constant 16 : index
      %swap3A_188 = tpu.vector_load %arg16[%swap3A_185, %swap3A_186, %swap3A_187] {strides = array<i32>} : memref<3x128x64xf32, #tpu.memory_space<vmem>>, vector<1x1x16xf32>,
      %swap3A_189 = vector.shape_cast %swap3A_188 : vector<1x1x16xf32> to vector<16xf32>
      %swap3A_190 = vector.shape_cast %broadcast_in_dim3A_8 : vector<16xf32> to vector<1x1x16xf32>
      tpu.vector_store %arg16[%swap3A_185, %swap3A_186, %swap3A_187], %swap3A_190 {strides = array<i32>} : memref<3x128x64xf32, #tpu.memory_space<vmem>>, vector<1x1x16xf32>,
      %swap3A_191 = arith.constant 2 : i32
      %swap3A_192 = arith.index_cast %swap3A_191 : i32 to index
      %swap3A_193 = arith.index_cast %scan3A_120 : i32 to index
      %swap3A_194 = arith.constant 32 : index
      %swap3A_195 = tpu.vector_load %arg16[%swap3A_192, %swap3A_193, %swap3A_194] {strides = array<i32>} : memref<3x128x64xf32, #tpu.memory_space<vmem>>, vector<1x1x16xf32>,
      %swap3A_196 = vector.shape_cast %swap3A_195 : vector<1x1x16xf32> to vector<16xf32>
      %swap3A_197 = vector.shape_cast %broadcast_in_dim3A_8 : vector<16xf32> to vector<1x1x16xf32>
      tpu.vector_store %arg16[%swap3A_192, %swap3A_193, %swap3A_194], %swap3A_197 {strides = array<i32>} : memref<3x128x64xf32, #tpu.memory_space<vmem>>, vector<1x1x16xf32>,
      %swap3A_198 = arith.constant 2 : i32
      %swap3A_199 = arith.index_cast %swap3A_198 : i32 to index
      %swap3A_200 = arith.index_cast %scan3A_120 : i32 to index
      %swap3A_201 = arith.constant 48 : index
      %swap3A_202 = tpu.vector_load %arg16[%swap3A_199, %swap3A_200, %swap3A_201] {strides = array<i32>} : memref<3x128x64xf32, #tpu.memory_space<vmem>>, vector<1x1x16xf32>,
      %swap3A_203 = vector.shape_cast %swap3A_202 : vector<1x1x16xf32> to vector<16xf32>
      %swap3A_204 = vector.shape_cast %broadcast_in_dim3A_8 : vector<16xf32> to vector<1x1x16xf32>
      tpu.vector_store %arg16[%swap3A_199, %swap3A_200, %swap3A_201], %swap3A_204 {strides = array<i32>} : memref<3x128x64xf32, #tpu.memory_space<vmem>>, vector<1x1x16xf32>,
      %scan3A_205 = arith.constant 0 : i32
      scf.yield %scan3A_205 : i32
    }
    %scan3A_14 = arith.constant 128 : i32
    %dma_start3A = arith.constant 0 : i32
    %dma_start3A_15 = arith.constant 0 : i32
    %dma_start3A_16 = arith.constant 0 : i32
    %dma_start3A_17 = arith.constant 0 : i32
    %dma_start3A_18 = tpu.memref_slice %arg15[%dma_start3A_15, %dma_start3A_16, %dma_start3A_17] : memref<3x128x64xf32, #tpu.memory_space<vmem>> -> memref<1x128x64xf32, #tpu.memory_space<vmem>>
    %dma_start3A_19 = tpu.memref_squeeze %dma_start3A_18 : memref<1x128x64xf32, #tpu.memory_space<vmem>> -> memref<128x64xf32, #tpu.memory_space<vmem>>
    %dma_start3A_20 = arith.constant 0 : i32
    %dma_start3A_21 = tpu.memref_slice %arg13[%dma_start3A, %dma_start3A_20] : memref<3x128xi32, #tpu.memory_space<vmem>> -> memref<1x128xi32, #tpu.memory_space<vmem>>
    %dma_start3A_22 = tpu.memref_squeeze %dma_start3A_21 : memref<1x128xi32, #tpu.memory_space<vmem>> -> memref<128xi32, #tpu.memory_space<vmem>>
    %dma_start3A_23 = arith.constant 0 : i32
    %dma_start3A_24 = arith.constant 0 : i32
    %dma_start3A_25 = tpu.memref_slice %arg8[%dma_start3A_23, %dma_start3A_24] : memref<2000000x64xf32, #tpu.memory_space<hbm>> -> memref<2000000x64xf32, #tpu.memory_space<hbm>>
    tpu.enqueue_indirect_dma source(%dma_start3A_25 : memref<2000000x64xf32, #tpu.memory_space<hbm>>) target(%dma_start3A_19 : memref<128x64xf32, #tpu.memory_space<vmem>>) offsets(%dma_start3A_22 : memref<128xi32, #tpu.memory_space<vmem>>) semaphore(%arg17 : memref<!tpu.dma_semaphore, #tpu.memory_space<semaphore_mem>>)
    %dma_start3A_26 = arith.constant 1 : i32
    %dma_start3A_27 = arith.constant 1 : i32
    %dma_start3A_28 = arith.constant 0 : i32
    %dma_start3A_29 = arith.constant 0 : i32
    %dma_start3A_30 = tpu.memref_slice %arg15[%dma_start3A_27, %dma_start3A_28, %dma_start3A_29] : memref<3x128x64xf32, #tpu.memory_space<vmem>> -> memref<1x128x64xf32, #tpu.memory_space<vmem>>
    %dma_start3A_31 = tpu.memref_squeeze %dma_start3A_30 : memref<1x128x64xf32, #tpu.memory_space<vmem>> -> memref<128x64xf32, #tpu.memory_space<vmem>>
    %dma_start3A_32 = arith.constant 0 : i32
    %dma_start3A_33 = tpu.memref_slice %arg13[%dma_start3A_26, %dma_start3A_32] : memref<3x128xi32, #tpu.memory_space<vmem>> -> memref<1x128xi32, #tpu.memory_space<vmem>>
    %dma_start3A_34 = tpu.memref_squeeze %dma_start3A_33 : memref<1x128xi32, #tpu.memory_space<vmem>> -> memref<128xi32, #tpu.memory_space<vmem>>
    %dma_start3A_35 = arith.constant 0 : i32
    %dma_start3A_36 = arith.constant 0 : i32
    %dma_start3A_37 = tpu.memref_slice %arg9[%dma_start3A_35, %dma_start3A_36] : memref<200000x64xf32, #tpu.memory_space<hbm>> -> memref<200000x64xf32, #tpu.memory_space<hbm>>
    tpu.enqueue_indirect_dma source(%dma_start3A_37 : memref<200000x64xf32, #tpu.memory_space<hbm>>) target(%dma_start3A_31 : memref<128x64xf32, #tpu.memory_space<vmem>>) offsets(%dma_start3A_34 : memref<128xi32, #tpu.memory_space<vmem>>) semaphore(%arg17 : memref<!tpu.dma_semaphore, #tpu.memory_space<semaphore_mem>>)
    %dma_start3A_38 = arith.constant 2 : i32
    %dma_start3A_39 = arith.constant 2 : i32
    %dma_start3A_40 = arith.constant 0 : i32
    %dma_start3A_41 = arith.constant 0 : i32
    %dma_start3A_42 = tpu.memref_slice %arg15[%dma_start3A_39, %dma_start3A_40, %dma_start3A_41] : memref<3x128x64xf32, #tpu.memory_space<vmem>> -> memref<1x128x64xf32, #tpu.memory_space<vmem>>
    %dma_start3A_43 = tpu.memref_squeeze %dma_start3A_42 : memref<1x128x64xf32, #tpu.memory_space<vmem>> -> memref<128x64xf32, #tpu.memory_space<vmem>>
    %dma_start3A_44 = arith.constant 0 : i32
    %dma_start3A_45 = tpu.memref_slice %arg13[%dma_start3A_38, %dma_start3A_44] : memref<3x128xi32, #tpu.memory_space<vmem>> -> memref<1x128xi32, #tpu.memory_space<vmem>>
    %dma_start3A_46 = tpu.memref_squeeze %dma_start3A_45 : memref<1x128xi32, #tpu.memory_space<vmem>> -> memref<128xi32, #tpu.memory_space<vmem>>
    %dma_start3A_47 = arith.constant 0 : i32
    %dma_start3A_48 = arith.constant 0 : i32
    %dma_start3A_49 = tpu.memref_slice %arg10[%dma_start3A_47, %dma_start3A_48] : memref<200000x64xf32, #tpu.memory_space<hbm>> -> memref<200000x64xf32, #tpu.memory_space<hbm>>
    tpu.enqueue_indirect_dma source(%dma_start3A_49 : memref<200000x64xf32, #tpu.memory_space<hbm>>) target(%dma_start3A_43 : memref<128x64xf32, #tpu.memory_space<vmem>>) offsets(%dma_start3A_46 : memref<128xi32, #tpu.memory_space<vmem>>) semaphore(%arg17 : memref<!tpu.dma_semaphore, #tpu.memory_space<semaphore_mem>>)
    %scan3A_50 = arith.constant 0 : i32
    %scan3A_51 = arith.constant 0 : i32
    %scan3A_52 = arith.constant 50 : i32
    %scan3A_53 = arith.addi %scan3A_51, %scan3A_52 : i32
    %scan3A_54 = arith.constant 1 : i32
    %scan3A_55 = scf.for %scan3A_120 = %scan3A_51 to %scan3A_53 step %scan3A_54 iter_args(%scan3A_121 = %scan3A_50) -> (i32)  : i32 {
      %dma_start3A_122 = arith.constant 0 : i32
      %dma_start3A_123 = arith.constant 0 : i32
      %dma_start3A_124 = arith.constant 0 : i32
      %dma_start3A_125 = arith.constant 0 : i32
      %dma_start3A_126 = tpu.memref_slice %arg16[%dma_start3A_123, %dma_start3A_124, %dma_start3A_125] : memref<3x128x64xf32, #tpu.memory_space<vmem>> -> memref<1x128x64xf32, #tpu.memory_space<vmem>>
      %dma_start3A_127 = tpu.memref_squeeze %dma_start3A_126 : memref<1x128x64xf32, #tpu.memory_space<vmem>> -> memref<128x64xf32, #tpu.memory_space<vmem>>
      %dma_start3A_128 = arith.constant 0 : i32
      %dma_start3A_129 = tpu.memref_slice %arg14[%dma_start3A_122, %scan3A_120, %dma_start3A_128] : memref<3x50x128xi32, #tpu.memory_space<vmem>> -> memref<1x1x128xi32, #tpu.memory_space<vmem>>
      %dma_start3A_130 = tpu.memref_squeeze %dma_start3A_129 : memref<1x1x128xi32, #tpu.memory_space<vmem>> -> memref<128xi32, #tpu.memory_space<vmem>>
      %dma_start3A_131 = arith.constant 0 : i32
      %dma_start3A_132 = arith.constant 0 : i32
      %dma_start3A_133 = tpu.memref_slice %arg8[%dma_start3A_131, %dma_start3A_132] : memref<2000000x64xf32, #tpu.memory_space<hbm>> -> memref<2000000x64xf32, #tpu.memory_space<hbm>>
      tpu.enqueue_indirect_dma source(%dma_start3A_133 : memref<2000000x64xf32, #tpu.memory_space<hbm>>) target(%dma_start3A_127 : memref<128x64xf32, #tpu.memory_space<vmem>>) offsets(%dma_start3A_130 : memref<128xi32, #tpu.memory_space<vmem>>) semaphore(%arg18 : memref<!tpu.dma_semaphore, #tpu.memory_space<semaphore_mem>>) {add = true}
      %dma_start3A_134 = arith.constant 1 : i32
      %dma_start3A_135 = arith.constant 1 : i32
      %dma_start3A_136 = arith.constant 0 : i32
      %dma_start3A_137 = arith.constant 0 : i32
      %dma_start3A_138 = tpu.memref_slice %arg16[%dma_start3A_135, %dma_start3A_136, %dma_start3A_137] : memref<3x128x64xf32, #tpu.memory_space<vmem>> -> memref<1x128x64xf32, #tpu.memory_space<vmem>>
      %dma_start3A_139 = tpu.memref_squeeze %dma_start3A_138 : memref<1x128x64xf32, #tpu.memory_space<vmem>> -> memref<128x64xf32, #tpu.memory_space<vmem>>
      %dma_start3A_140 = arith.constant 0 : i32
      %dma_start3A_141 = tpu.memref_slice %arg14[%dma_start3A_134, %scan3A_120, %dma_start3A_140] : memref<3x50x128xi32, #tpu.memory_space<vmem>> -> memref<1x1x128xi32, #tpu.memory_space<vmem>>
      %dma_start3A_142 = tpu.memref_squeeze %dma_start3A_141 : memref<1x1x128xi32, #tpu.memory_space<vmem>> -> memref<128xi32, #tpu.memory_space<vmem>>
      %dma_start3A_143 = arith.constant 0 : i32
      %dma_start3A_144 = arith.constant 0 : i32
      %dma_start3A_145 = tpu.memref_slice %arg9[%dma_start3A_143, %dma_start3A_144] : memref<200000x64xf32, #tpu.memory_space<hbm>> -> memref<200000x64xf32, #tpu.memory_space<hbm>>
      tpu.enqueue_indirect_dma source(%dma_start3A_145 : memref<200000x64xf32, #tpu.memory_space<hbm>>) target(%dma_start3A_139 : memref<128x64xf32, #tpu.memory_space<vmem>>) offsets(%dma_start3A_142 : memref<128xi32, #tpu.memory_space<vmem>>) semaphore(%arg18 : memref<!tpu.dma_semaphore, #tpu.memory_space<semaphore_mem>>) {add = true}
      %dma_start3A_146 = arith.constant 2 : i32
      %dma_start3A_147 = arith.constant 2 : i32
      %dma_start3A_148 = arith.constant 0 : i32
      %dma_start3A_149 = arith.constant 0 : i32
      %dma_start3A_150 = tpu.memref_slice %arg16[%dma_start3A_147, %dma_start3A_148, %dma_start3A_149] : memref<3x128x64xf32, #tpu.memory_space<vmem>> -> memref<1x128x64xf32, #tpu.memory_space<vmem>>
      %dma_start3A_151 = tpu.memref_squeeze %dma_start3A_150 : memref<1x128x64xf32, #tpu.memory_space<vmem>> -> memref<128x64xf32, #tpu.memory_space<vmem>>
      %dma_start3A_152 = arith.constant 0 : i32
      %dma_start3A_153 = tpu.memref_slice %arg14[%dma_start3A_146, %scan3A_120, %dma_start3A_152] : memref<3x50x128xi32, #tpu.memory_space<vmem>> -> memref<1x1x128xi32, #tpu.memory_space<vmem>>
      %dma_start3A_154 = tpu.memref_squeeze %dma_start3A_153 : memref<1x1x128xi32, #tpu.memory_space<vmem>> -> memref<128xi32, #tpu.memory_space<vmem>>
      %dma_start3A_155 = arith.constant 0 : i32
      %dma_start3A_156 = arith.constant 0 : i32
      %dma_start3A_157 = tpu.memref_slice %arg10[%dma_start3A_155, %dma_start3A_156] : memref<200000x64xf32, #tpu.memory_space<hbm>> -> memref<200000x64xf32, #tpu.memory_space<hbm>>
      tpu.enqueue_indirect_dma source(%dma_start3A_157 : memref<200000x64xf32, #tpu.memory_space<hbm>>) target(%dma_start3A_151 : memref<128x64xf32, #tpu.memory_space<vmem>>) offsets(%dma_start3A_154 : memref<128xi32, #tpu.memory_space<vmem>>) semaphore(%arg18 : memref<!tpu.dma_semaphore, #tpu.memory_space<semaphore_mem>>) {add = true}
      %scan3A_158 = arith.constant 0 : i32
      scf.yield %scan3A_158 : i32
    }
    %scan3A_56 = arith.constant 50 : i32
    %dma_wait3A = arith.constant 0 : i32
    %dma_wait3A_57 = arith.constant 0 : i32
    %dma_wait3A_58 = arith.constant 0 : i32
    %dma_wait3A_59 = arith.constant 0 : i32
    %dma_wait3A_60 = tpu.memref_slice %arg15[%dma_wait3A_57, %dma_wait3A_58, %dma_wait3A_59] : memref<3x128x64xf32, #tpu.memory_space<vmem>> -> memref<1x128x64xf32, #tpu.memory_space<vmem>>
    %dma_wait3A_61 = tpu.memref_squeeze %dma_wait3A_60 : memref<1x128x64xf32, #tpu.memory_space<vmem>> -> memref<128x64xf32, #tpu.memory_space<vmem>>
    %dma_wait3A_62 = arith.constant 0 : i32
    %dma_wait3A_63 = tpu.memref_slice %arg13[%dma_wait3A, %dma_wait3A_62] : memref<3x128xi32, #tpu.memory_space<vmem>> -> memref<1x128xi32, #tpu.memory_space<vmem>>
    %dma_wait3A_64 = tpu.memref_squeeze %dma_wait3A_63 : memref<1x128xi32, #tpu.memory_space<vmem>> -> memref<128xi32, #tpu.memory_space<vmem>>
    %dma_wait3A_65 = arith.constant 0 : i32
    %dma_wait3A_66 = arith.constant 0 : i32
    %dma_wait3A_67 = tpu.memref_slice %arg8[%dma_wait3A_65, %dma_wait3A_66] : memref<2000000x64xf32, #tpu.memory_space<hbm>> -> memref<2000000x64xf32, #tpu.memory_space<hbm>>
    tpu.wait_indirect_dma semaphore(%arg17 : memref<!tpu.dma_semaphore, #tpu.memory_space<semaphore_mem>>) src(%dma_wait3A_67 : memref<2000000x64xf32, #tpu.memory_space<hbm>>) dst(%dma_wait3A_61 : memref<128x64xf32, #tpu.memory_space<vmem>>)
    %dma_wait3A_68 = arith.constant 1 : i32
    %dma_wait3A_69 = arith.constant 1 : i32
    %dma_wait3A_70 = arith.constant 0 : i32
    %dma_wait3A_71 = arith.constant 0 : i32
    %dma_wait3A_72 = tpu.memref_slice %arg15[%dma_wait3A_69, %dma_wait3A_70, %dma_wait3A_71] : memref<3x128x64xf32, #tpu.memory_space<vmem>> -> memref<1x128x64xf32, #tpu.memory_space<vmem>>
    %dma_wait3A_73 = tpu.memref_squeeze %dma_wait3A_72 : memref<1x128x64xf32, #tpu.memory_space<vmem>> -> memref<128x64xf32, #tpu.memory_space<vmem>>
    %dma_wait3A_74 = arith.constant 0 : i32
    %dma_wait3A_75 = tpu.memref_slice %arg13[%dma_wait3A_68, %dma_wait3A_74] : memref<3x128xi32, #tpu.memory_space<vmem>> -> memref<1x128xi32, #tpu.memory_space<vmem>>
    %dma_wait3A_76 = tpu.memref_squeeze %dma_wait3A_75 : memref<1x128xi32, #tpu.memory_space<vmem>> -> memref<128xi32, #tpu.memory_space<vmem>>
    %dma_wait3A_77 = arith.constant 0 : i32
    %dma_wait3A_78 = arith.constant 0 : i32
    %dma_wait3A_79 = tpu.memref_slice %arg9[%dma_wait3A_77, %dma_wait3A_78] : memref<200000x64xf32, #tpu.memory_space<hbm>> -> memref<200000x64xf32, #tpu.memory_space<hbm>>
    tpu.wait_indirect_dma semaphore(%arg17 : memref<!tpu.dma_semaphore, #tpu.memory_space<semaphore_mem>>) src(%dma_wait3A_79 : memref<200000x64xf32, #tpu.memory_space<hbm>>) dst(%dma_wait3A_73 : memref<128x64xf32, #tpu.memory_space<vmem>>)
    %dma_wait3A_80 = arith.constant 2 : i32
    %dma_wait3A_81 = arith.constant 2 : i32
    %dma_wait3A_82 = arith.constant 0 : i32
    %dma_wait3A_83 = arith.constant 0 : i32
    %dma_wait3A_84 = tpu.memref_slice %arg15[%dma_wait3A_81, %dma_wait3A_82, %dma_wait3A_83] : memref<3x128x64xf32, #tpu.memory_space<vmem>> -> memref<1x128x64xf32, #tpu.memory_space<vmem>>
    %dma_wait3A_85 = tpu.memref_squeeze %dma_wait3A_84 : memref<1x128x64xf32, #tpu.memory_space<vmem>> -> memref<128x64xf32, #tpu.memory_space<vmem>>
    %dma_wait3A_86 = arith.constant 0 : i32
    %dma_wait3A_87 = tpu.memref_slice %arg13[%dma_wait3A_80, %dma_wait3A_86] : memref<3x128xi32, #tpu.memory_space<vmem>> -> memref<1x128xi32, #tpu.memory_space<vmem>>
    %dma_wait3A_88 = tpu.memref_squeeze %dma_wait3A_87 : memref<1x128xi32, #tpu.memory_space<vmem>> -> memref<128xi32, #tpu.memory_space<vmem>>
    %dma_wait3A_89 = arith.constant 0 : i32
    %dma_wait3A_90 = arith.constant 0 : i32
    %dma_wait3A_91 = tpu.memref_slice %arg10[%dma_wait3A_89, %dma_wait3A_90] : memref<200000x64xf32, #tpu.memory_space<hbm>> -> memref<200000x64xf32, #tpu.memory_space<hbm>>
    tpu.wait_indirect_dma semaphore(%arg17 : memref<!tpu.dma_semaphore, #tpu.memory_space<semaphore_mem>>) src(%dma_wait3A_91 : memref<200000x64xf32, #tpu.memory_space<hbm>>) dst(%dma_wait3A_85 : memref<128x64xf32, #tpu.memory_space<vmem>>)
    %run_scoped3A_92 = arith.constant 0 : i32
    %run_scoped3A_93 = arith.constant 3 : i32
    "tpu.region"() ({
      %run_scoped3A_120 = tpu.sem_alloc : memref<!tpu.dma_semaphore, #tpu.memory_space<semaphore_mem>>
      %dma_start3A_121 = arith.constant 0 : i32
      %dma_start3A_122 = arith.constant 0 : i32
      %dma_start3A_123 = tpu.memref_slice %arg15[%run_scoped3A_92, %dma_start3A_121, %dma_start3A_122] : memref<3x128x64xf32, #tpu.memory_space<vmem>> -> memref<1x128x64xf32, #tpu.memory_space<vmem>>
      %dma_start3A_124 = tpu.memref_squeeze %dma_start3A_123 : memref<1x128x64xf32, #tpu.memory_space<vmem>> -> memref<128x64xf32, #tpu.memory_space<vmem>>
      %dma_start3A_125 = arith.constant 0 : i32
      %dma_start3A_126 = tpu.memref_slice %arg12[%run_scoped3A_93, %mul3A_2, %dma_start3A_125] : memref<6x4096x64xf32, #tpu.memory_space<hbm>> -> memref<1x128x64xf32, #tpu.memory_space<hbm>>
      %dma_start3A_127 = tpu.memref_squeeze %dma_start3A_126 : memref<1x128x64xf32, #tpu.memory_space<hbm>> -> memref<128x64xf32, #tpu.memory_space<hbm>>
      %dma_start3A_128 = arith.constant 0 : i32
      %dma_start3A_129 = tpu.memref_slice %arg12[%run_scoped3A_93, %mul3A_2, %dma_start3A_128] : memref<6x4096x64xf32, #tpu.memory_space<hbm>> -> memref<1x128x64xf32, #tpu.memory_space<hbm>>
      %dma_start3A_130 = tpu.memref_squeeze %dma_start3A_129 : memref<1x128x64xf32, #tpu.memory_space<hbm>> -> memref<128x64xf32, #tpu.memory_space<hbm>>
      %dma_start3A_131 = arith.constant 0 : i32
      %dma_start3A_132 = arith.constant 0 : i32
      %dma_start3A_133 = tpu.memref_slice %arg15[%run_scoped3A_92, %dma_start3A_131, %dma_start3A_132] : memref<3x128x64xf32, #tpu.memory_space<vmem>> -> memref<1x128x64xf32, #tpu.memory_space<vmem>>
      %dma_start3A_134 = tpu.memref_squeeze %dma_start3A_133 : memref<1x128x64xf32, #tpu.memory_space<vmem>> -> memref<128x64xf32, #tpu.memory_space<vmem>>
      tpu.enqueue_dma source(%dma_start3A_134 : memref<128x64xf32, #tpu.memory_space<vmem>>) target(%dma_start3A_130 : memref<128x64xf32, #tpu.memory_space<hbm>>) target_semaphore(%run_scoped3A_120 : memref<!tpu.dma_semaphore, #tpu.memory_space<semaphore_mem>>)
      %dma_wait3A_135 = arith.constant 0 : i32
      %dma_wait3A_136 = arith.constant 0 : i32
      %dma_wait3A_137 = tpu.memref_slice %arg15[%run_scoped3A_92, %dma_wait3A_135, %dma_wait3A_136] : memref<3x128x64xf32, #tpu.memory_space<vmem>> -> memref<1x128x64xf32, #tpu.memory_space<vmem>>
      %dma_wait3A_138 = tpu.memref_squeeze %dma_wait3A_137 : memref<1x128x64xf32, #tpu.memory_space<vmem>> -> memref<128x64xf32, #tpu.memory_space<vmem>>
      %dma_wait3A_139 = arith.constant 0 : i32
      %dma_wait3A_140 = tpu.memref_slice %arg12[%run_scoped3A_93, %mul3A_2, %dma_wait3A_139] : memref<6x4096x64xf32, #tpu.memory_space<hbm>> -> memref<1x128x64xf32, #tpu.memory_space<hbm>>
      %dma_wait3A_141 = tpu.memref_squeeze %dma_wait3A_140 : memref<1x128x64xf32, #tpu.memory_space<hbm>> -> memref<128x64xf32, #tpu.memory_space<hbm>>
      %dma_wait3A_142 = arith.constant 0 : i32
      %dma_wait3A_143 = tpu.memref_slice %arg12[%run_scoped3A_93, %mul3A_2, %dma_wait3A_142] : memref<6x4096x64xf32, #tpu.memory_space<hbm>> -> memref<1x128x64xf32, #tpu.memory_space<hbm>>
      %dma_wait3A_144 = tpu.memref_squeeze %dma_wait3A_143 : memref<1x128x64xf32, #tpu.memory_space<hbm>> -> memref<128x64xf32, #tpu.memory_space<hbm>>
      %dma_wait3A_145 = arith.constant 0 : i32
      %dma_wait3A_146 = arith.constant 0 : i32
      %dma_wait3A_147 = tpu.memref_slice %arg15[%run_scoped3A_92, %dma_wait3A_145, %dma_wait3A_146] : memref<3x128x64xf32, #tpu.memory_space<vmem>> -> memref<1x128x64xf32, #tpu.memory_space<vmem>>
      %dma_wait3A_148 = tpu.memref_squeeze %dma_wait3A_147 : memref<1x128x64xf32, #tpu.memory_space<vmem>> -> memref<128x64xf32, #tpu.memory_space<vmem>>
      tpu.wait_dma2 semaphore(%run_scoped3A_120 : memref<!tpu.dma_semaphore, #tpu.memory_space<semaphore_mem>>) src(%dma_wait3A_148 : memref<128x64xf32, #tpu.memory_space<vmem>>) dst(%dma_wait3A_144 : memref<128x64xf32, #tpu.memory_space<hbm>>)
      tpu.yield
    }) : () -> ()
    %run_scoped3A_94 = arith.constant 1 : i32
    %run_scoped3A_95 = arith.constant 4 : i32
    "tpu.region"() ({
      %run_scoped3A_120 = tpu.sem_alloc : memref<!tpu.dma_semaphore, #tpu.memory_space<semaphore_mem>>
      %dma_start3A_121 = arith.constant 0 : i32
      %dma_start3A_122 = arith.constant 0 : i32
      %dma_start3A_123 = tpu.memref_slice %arg15[%run_scoped3A_94, %dma_start3A_121, %dma_start3A_122] : memref<3x128x64xf32, #tpu.memory_space<vmem>> -> memref<1x128x64xf32, #tpu.memory_space<vmem>>
      %dma_start3A_124 = tpu.memref_squeeze %dma_start3A_123 : memref<1x128x64xf32, #tpu.memory_space<vmem>> -> memref<128x64xf32, #tpu.memory_space<vmem>>
      %dma_start3A_125 = arith.constant 0 : i32
      %dma_start3A_126 = tpu.memref_slice %arg12[%run_scoped3A_95, %mul3A_2, %dma_start3A_125] : memref<6x4096x64xf32, #tpu.memory_space<hbm>> -> memref<1x128x64xf32, #tpu.memory_space<hbm>>
      %dma_start3A_127 = tpu.memref_squeeze %dma_start3A_126 : memref<1x128x64xf32, #tpu.memory_space<hbm>> -> memref<128x64xf32, #tpu.memory_space<hbm>>
      %dma_start3A_128 = arith.constant 0 : i32
      %dma_start3A_129 = tpu.memref_slice %arg12[%run_scoped3A_95, %mul3A_2, %dma_start3A_128] : memref<6x4096x64xf32, #tpu.memory_space<hbm>> -> memref<1x128x64xf32, #tpu.memory_space<hbm>>
      %dma_start3A_130 = tpu.memref_squeeze %dma_start3A_129 : memref<1x128x64xf32, #tpu.memory_space<hbm>> -> memref<128x64xf32, #tpu.memory_space<hbm>>
      %dma_start3A_131 = arith.constant 0 : i32
      %dma_start3A_132 = arith.constant 0 : i32
      %dma_start3A_133 = tpu.memref_slice %arg15[%run_scoped3A_94, %dma_start3A_131, %dma_start3A_132] : memref<3x128x64xf32, #tpu.memory_space<vmem>> -> memref<1x128x64xf32, #tpu.memory_space<vmem>>
      %dma_start3A_134 = tpu.memref_squeeze %dma_start3A_133 : memref<1x128x64xf32, #tpu.memory_space<vmem>> -> memref<128x64xf32, #tpu.memory_space<vmem>>
      tpu.enqueue_dma source(%dma_start3A_134 : memref<128x64xf32, #tpu.memory_space<vmem>>) target(%dma_start3A_130 : memref<128x64xf32, #tpu.memory_space<hbm>>) target_semaphore(%run_scoped3A_120 : memref<!tpu.dma_semaphore, #tpu.memory_space<semaphore_mem>>)
      %dma_wait3A_135 = arith.constant 0 : i32
      %dma_wait3A_136 = arith.constant 0 : i32
      %dma_wait3A_137 = tpu.memref_slice %arg15[%run_scoped3A_94, %dma_wait3A_135, %dma_wait3A_136] : memref<3x128x64xf32, #tpu.memory_space<vmem>> -> memref<1x128x64xf32, #tpu.memory_space<vmem>>
      %dma_wait3A_138 = tpu.memref_squeeze %dma_wait3A_137 : memref<1x128x64xf32, #tpu.memory_space<vmem>> -> memref<128x64xf32, #tpu.memory_space<vmem>>
      %dma_wait3A_139 = arith.constant 0 : i32
      %dma_wait3A_140 = tpu.memref_slice %arg12[%run_scoped3A_95, %mul3A_2, %dma_wait3A_139] : memref<6x4096x64xf32, #tpu.memory_space<hbm>> -> memref<1x128x64xf32, #tpu.memory_space<hbm>>
      %dma_wait3A_141 = tpu.memref_squeeze %dma_wait3A_140 : memref<1x128x64xf32, #tpu.memory_space<hbm>> -> memref<128x64xf32, #tpu.memory_space<hbm>>
      %dma_wait3A_142 = arith.constant 0 : i32
      %dma_wait3A_143 = tpu.memref_slice %arg12[%run_scoped3A_95, %mul3A_2, %dma_wait3A_142] : memref<6x4096x64xf32, #tpu.memory_space<hbm>> -> memref<1x128x64xf32, #tpu.memory_space<hbm>>
      %dma_wait3A_144 = tpu.memref_squeeze %dma_wait3A_143 : memref<1x128x64xf32, #tpu.memory_space<hbm>> -> memref<128x64xf32, #tpu.memory_space<hbm>>
      %dma_wait3A_145 = arith.constant 0 : i32
      %dma_wait3A_146 = arith.constant 0 : i32
      %dma_wait3A_147 = tpu.memref_slice %arg15[%run_scoped3A_94, %dma_wait3A_145, %dma_wait3A_146] : memref<3x128x64xf32, #tpu.memory_space<vmem>> -> memref<1x128x64xf32, #tpu.memory_space<vmem>>
      %dma_wait3A_148 = tpu.memref_squeeze %dma_wait3A_147 : memref<1x128x64xf32, #tpu.memory_space<vmem>> -> memref<128x64xf32, #tpu.memory_space<vmem>>
      tpu.wait_dma2 semaphore(%run_scoped3A_120 : memref<!tpu.dma_semaphore, #tpu.memory_space<semaphore_mem>>) src(%dma_wait3A_148 : memref<128x64xf32, #tpu.memory_space<vmem>>) dst(%dma_wait3A_144 : memref<128x64xf32, #tpu.memory_space<hbm>>)
      tpu.yield
    }) : () -> ()
    %run_scoped3A_96 = arith.constant 2 : i32
    %run_scoped3A_97 = arith.constant 5 : i32
    "tpu.region"() ({
      %run_scoped3A_120 = tpu.sem_alloc : memref<!tpu.dma_semaphore, #tpu.memory_space<semaphore_mem>>
      %dma_start3A_121 = arith.constant 0 : i32
      %dma_start3A_122 = arith.constant 0 : i32
      %dma_start3A_123 = tpu.memref_slice %arg15[%run_scoped3A_96, %dma_start3A_121, %dma_start3A_122] : memref<3x128x64xf32, #tpu.memory_space<vmem>> -> memref<1x128x64xf32, #tpu.memory_space<vmem>>
      %dma_start3A_124 = tpu.memref_squeeze %dma_start3A_123 : memref<1x128x64xf32, #tpu.memory_space<vmem>> -> memref<128x64xf32, #tpu.memory_space<vmem>>
      %dma_start3A_125 = arith.constant 0 : i32
      %dma_start3A_126 = tpu.memref_slice %arg12[%run_scoped3A_97, %mul3A_2, %dma_start3A_125] : memref<6x4096x64xf32, #tpu.memory_space<hbm>> -> memref<1x128x64xf32, #tpu.memory_space<hbm>>
      %dma_start3A_127 = tpu.memref_squeeze %dma_start3A_126 : memref<1x128x64xf32, #tpu.memory_space<hbm>> -> memref<128x64xf32, #tpu.memory_space<hbm>>
      %dma_start3A_128 = arith.constant 0 : i32
      %dma_start3A_129 = tpu.memref_slice %arg12[%run_scoped3A_97, %mul3A_2, %dma_start3A_128] : memref<6x4096x64xf32, #tpu.memory_space<hbm>> -> memref<1x128x64xf32, #tpu.memory_space<hbm>>
      %dma_start3A_130 = tpu.memref_squeeze %dma_start3A_129 : memref<1x128x64xf32, #tpu.memory_space<hbm>> -> memref<128x64xf32, #tpu.memory_space<hbm>>
      %dma_start3A_131 = arith.constant 0 : i32
      %dma_start3A_132 = arith.constant 0 : i32
      %dma_start3A_133 = tpu.memref_slice %arg15[%run_scoped3A_96, %dma_start3A_131, %dma_start3A_132] : memref<3x128x64xf32, #tpu.memory_space<vmem>> -> memref<1x128x64xf32, #tpu.memory_space<vmem>>
      %dma_start3A_134 = tpu.memref_squeeze %dma_start3A_133 : memref<1x128x64xf32, #tpu.memory_space<vmem>> -> memref<128x64xf32, #tpu.memory_space<vmem>>
      tpu.enqueue_dma source(%dma_start3A_134 : memref<128x64xf32, #tpu.memory_space<vmem>>) target(%dma_start3A_130 : memref<128x64xf32, #tpu.memory_space<hbm>>) target_semaphore(%run_scoped3A_120 : memref<!tpu.dma_semaphore, #tpu.memory_space<semaphore_mem>>)
      %dma_wait3A_135 = arith.constant 0 : i32
      %dma_wait3A_136 = arith.constant 0 : i32
      %dma_wait3A_137 = tpu.memref_slice %arg15[%run_scoped3A_96, %dma_wait3A_135, %dma_wait3A_136] : memref<3x128x64xf32, #tpu.memory_space<vmem>> -> memref<1x128x64xf32, #tpu.memory_space<vmem>>
      %dma_wait3A_138 = tpu.memref_squeeze %dma_wait3A_137 : memref<1x128x64xf32, #tpu.memory_space<vmem>> -> memref<128x64xf32, #tpu.memory_space<vmem>>
      %dma_wait3A_139 = arith.constant 0 : i32
      %dma_wait3A_140 = tpu.memref_slice %arg12[%run_scoped3A_97, %mul3A_2, %dma_wait3A_139] : memref<6x4096x64xf32, #tpu.memory_space<hbm>> -> memref<1x128x64xf32, #tpu.memory_space<hbm>>
      %dma_wait3A_141 = tpu.memref_squeeze %dma_wait3A_140 : memref<1x128x64xf32, #tpu.memory_space<hbm>> -> memref<128x64xf32, #tpu.memory_space<hbm>>
      %dma_wait3A_142 = arith.constant 0 : i32
      %dma_wait3A_143 = tpu.memref_slice %arg12[%run_scoped3A_97, %mul3A_2, %dma_wait3A_142] : memref<6x4096x64xf32, #tpu.memory_space<hbm>> -> memref<1x128x64xf32, #tpu.memory_space<hbm>>
      %dma_wait3A_144 = tpu.memref_squeeze %dma_wait3A_143 : memref<1x128x64xf32, #tpu.memory_space<hbm>> -> memref<128x64xf32, #tpu.memory_space<hbm>>
      %dma_wait3A_145 = arith.constant 0 : i32
      %dma_wait3A_146 = arith.constant 0 : i32
      %dma_wait3A_147 = tpu.memref_slice %arg15[%run_scoped3A_96, %dma_wait3A_145, %dma_wait3A_146] : memref<3x128x64xf32, #tpu.memory_space<vmem>> -> memref<1x128x64xf32, #tpu.memory_space<vmem>>
      %dma_wait3A_148 = tpu.memref_squeeze %dma_wait3A_147 : memref<1x128x64xf32, #tpu.memory_space<vmem>> -> memref<128x64xf32, #tpu.memory_space<vmem>>
      tpu.wait_dma2 semaphore(%run_scoped3A_120 : memref<!tpu.dma_semaphore, #tpu.memory_space<semaphore_mem>>) src(%dma_wait3A_148 : memref<128x64xf32, #tpu.memory_space<vmem>>) dst(%dma_wait3A_144 : memref<128x64xf32, #tpu.memory_space<hbm>>)
      tpu.yield
    }) : () -> ()
    %scan3A_98 = arith.constant 0 : i32
    %scan3A_99 = arith.constant 0 : i32
    %scan3A_100 = arith.constant 50 : i32
    %scan3A_101 = arith.addi %scan3A_99, %scan3A_100 : i32
    %scan3A_102 = arith.constant 1 : i32
    %scan3A_103 = scf.for %scan3A_120 = %scan3A_99 to %scan3A_101 step %scan3A_102 iter_args(%scan3A_121 = %scan3A_98) -> (i32)  : i32 {
      %dma_wait3A_122 = arith.constant 0 : i32
      %dma_wait3A_123 = arith.constant 0 : i32
      %dma_wait3A_124 = arith.constant 0 : i32
      %dma_wait3A_125 = arith.constant 0 : i32
      %dma_wait3A_126 = tpu.memref_slice %arg16[%dma_wait3A_123, %dma_wait3A_124, %dma_wait3A_125] : memref<3x128x64xf32, #tpu.memory_space<vmem>> -> memref<1x128x64xf32, #tpu.memory_space<vmem>>
      %dma_wait3A_127 = tpu.memref_squeeze %dma_wait3A_126 : memref<1x128x64xf32, #tpu.memory_space<vmem>> -> memref<128x64xf32, #tpu.memory_space<vmem>>
      %dma_wait3A_128 = arith.constant 0 : i32
      %dma_wait3A_129 = tpu.memref_slice %arg14[%dma_wait3A_122, %scan3A_120, %dma_wait3A_128] : memref<3x50x128xi32, #tpu.memory_space<vmem>> -> memref<1x1x128xi32, #tpu.memory_space<vmem>>
      %dma_wait3A_130 = tpu.memref_squeeze %dma_wait3A_129 : memref<1x1x128xi32, #tpu.memory_space<vmem>> -> memref<128xi32, #tpu.memory_space<vmem>>
      %dma_wait3A_131 = arith.constant 0 : i32
      %dma_wait3A_132 = arith.constant 0 : i32
      %dma_wait3A_133 = tpu.memref_slice %arg8[%dma_wait3A_131, %dma_wait3A_132] : memref<2000000x64xf32, #tpu.memory_space<hbm>> -> memref<2000000x64xf32, #tpu.memory_space<hbm>>
      tpu.wait_indirect_dma semaphore(%arg18 : memref<!tpu.dma_semaphore, #tpu.memory_space<semaphore_mem>>) src(%dma_wait3A_133 : memref<2000000x64xf32, #tpu.memory_space<hbm>>) dst(%dma_wait3A_127 : memref<128x64xf32, #tpu.memory_space<vmem>>)
      %dma_wait3A_134 = arith.constant 1 : i32
      %dma_wait3A_135 = arith.constant 1 : i32
      %dma_wait3A_136 = arith.constant 0 : i32
      %dma_wait3A_137 = arith.constant 0 : i32
      %dma_wait3A_138 = tpu.memref_slice %arg16[%dma_wait3A_135, %dma_wait3A_136, %dma_wait3A_137] : memref<3x128x64xf32, #tpu.memory_space<vmem>> -> memref<1x128x64xf32, #tpu.memory_space<vmem>>
      %dma_wait3A_139 = tpu.memref_squeeze %dma_wait3A_138 : memref<1x128x64xf32, #tpu.memory_space<vmem>> -> memref<128x64xf32, #tpu.memory_space<vmem>>
      %dma_wait3A_140 = arith.constant 0 : i32
      %dma_wait3A_141 = tpu.memref_slice %arg14[%dma_wait3A_134, %scan3A_120, %dma_wait3A_140] : memref<3x50x128xi32, #tpu.memory_space<vmem>> -> memref<1x1x128xi32, #tpu.memory_space<vmem>>
      %dma_wait3A_142 = tpu.memref_squeeze %dma_wait3A_141 : memref<1x1x128xi32, #tpu.memory_space<vmem>> -> memref<128xi32, #tpu.memory_space<vmem>>
      %dma_wait3A_143 = arith.constant 0 : i32
      %dma_wait3A_144 = arith.constant 0 : i32
      %dma_wait3A_145 = tpu.memref_slice %arg9[%dma_wait3A_143, %dma_wait3A_144] : memref<200000x64xf32, #tpu.memory_space<hbm>> -> memref<200000x64xf32, #tpu.memory_space<hbm>>
      tpu.wait_indirect_dma semaphore(%arg18 : memref<!tpu.dma_semaphore, #tpu.memory_space<semaphore_mem>>) src(%dma_wait3A_145 : memref<200000x64xf32, #tpu.memory_space<hbm>>) dst(%dma_wait3A_139 : memref<128x64xf32, #tpu.memory_space<vmem>>)
      %dma_wait3A_146 = arith.constant 2 : i32
      %dma_wait3A_147 = arith.constant 2 : i32
      %dma_wait3A_148 = arith.constant 0 : i32
      %dma_wait3A_149 = arith.constant 0 : i32
      %dma_wait3A_150 = tpu.memref_slice %arg16[%dma_wait3A_147, %dma_wait3A_148, %dma_wait3A_149] : memref<3x128x64xf32, #tpu.memory_space<vmem>> -> memref<1x128x64xf32, #tpu.memory_space<vmem>>
      %dma_wait3A_151 = tpu.memref_squeeze %dma_wait3A_150 : memref<1x128x64xf32, #tpu.memory_space<vmem>> -> memref<128x64xf32, #tpu.memory_space<vmem>>
      %dma_wait3A_152 = arith.constant 0 : i32
      %dma_wait3A_153 = tpu.memref_slice %arg14[%dma_wait3A_146, %scan3A_120, %dma_wait3A_152] : memref<3x50x128xi32, #tpu.memory_space<vmem>> -> memref<1x1x128xi32, #tpu.memory_space<vmem>>
      %dma_wait3A_154 = tpu.memref_squeeze %dma_wait3A_153 : memref<1x1x128xi32, #tpu.memory_space<vmem>> -> memref<128xi32, #tpu.memory_space<vmem>>
      %dma_wait3A_155 = arith.constant 0 : i32
      %dma_wait3A_156 = arith.constant 0 : i32
      %dma_wait3A_157 = tpu.memref_slice %arg10[%dma_wait3A_155, %dma_wait3A_156] : memref<200000x64xf32, #tpu.memory_space<hbm>> -> memref<200000x64xf32, #tpu.memory_space<hbm>>
      tpu.wait_indirect_dma semaphore(%arg18 : memref<!tpu.dma_semaphore, #tpu.memory_space<semaphore_mem>>) src(%dma_wait3A_157 : memref<200000x64xf32, #tpu.memory_space<hbm>>) dst(%dma_wait3A_151 : memref<128x64xf32, #tpu.memory_space<vmem>>)
      %scan3A_158 = arith.constant 0 : i32
      scf.yield %scan3A_158 : i32
    }
    %scan3A_104 = arith.constant 50 : i32
    %broadcast_in_dim3A_105 = arith.constant 2.000000e-02 : f32
    %broadcast_in_dim3A_106 = vector.broadcast %broadcast_in_dim3A_105 : f32 to vector<16xf32>
    %scan3A_107 = arith.constant 0 : i32
    %scan3A_108 = arith.constant 0 : i32
    %scan3A_109 = arith.constant 128 : i32
    %scan3A_110 = arith.addi %scan3A_108, %scan3A_109 : i32
    %scan3A_111 = arith.constant 1 : i32
    %scan3A_112 = scf.for %scan3A_120 = %scan3A_108 to %scan3A_110 step %scan3A_111 iter_args(%scan3A_121 = %scan3A_107) -> (i32)  : i32 {
      %get3A = arith.constant 0 : i32
      %get3A_122 = arith.index_cast %get3A : i32 to index
      %get3A_123 = arith.index_cast %scan3A_120 : i32 to index
      %get3A_124 = arith.constant 0 : index
      %get3A_125 = tpu.vector_load %arg16[%get3A_122, %get3A_123, %get3A_124] {strides = array<i32>} : memref<3x128x64xf32, #tpu.memory_space<vmem>>, vector<1x1x16xf32>,
      %get3A_126 = vector.shape_cast %get3A_125 : vector<1x1x16xf32> to vector<16xf32>
      %mul3A_127 = arith.mulf %get3A_126, %broadcast_in_dim3A_106 : vector<16xf32>
      %swap3A = arith.constant 0 : i32
      %swap3A_128 = arith.index_cast %swap3A : i32 to index
      %swap3A_129 = arith.index_cast %scan3A_120 : i32 to index
      %swap3A_130 = arith.constant 0 : index
      %swap3A_131 = tpu.vector_load %arg16[%swap3A_128, %swap3A_129, %swap3A_130] {strides = array<i32>} : memref<3x128x64xf32, #tpu.memory_space<vmem>>, vector<1x1x16xf32>,
      %swap3A_132 = vector.shape_cast %swap3A_131 : vector<1x1x16xf32> to vector<16xf32>
      %swap3A_133 = vector.shape_cast %mul3A_127 : vector<16xf32> to vector<1x1x16xf32>
      tpu.vector_store %arg16[%swap3A_128, %swap3A_129, %swap3A_130], %swap3A_133 {strides = array<i32>} : memref<3x128x64xf32, #tpu.memory_space<vmem>>, vector<1x1x16xf32>,
      %get3A_134 = arith.constant 0 : i32
      %get3A_135 = arith.index_cast %get3A_134 : i32 to index
      %get3A_136 = arith.index_cast %scan3A_120 : i32 to index
      %get3A_137 = arith.constant 16 : index
      %get3A_138 = tpu.vector_load %arg16[%get3A_135, %get3A_136, %get3A_137] {strides = array<i32>} : memref<3x128x64xf32, #tpu.memory_space<vmem>>, vector<1x1x16xf32>,
      %get3A_139 = vector.shape_cast %get3A_138 : vector<1x1x16xf32> to vector<16xf32>
      %mul3A_140 = arith.mulf %get3A_139, %broadcast_in_dim3A_106 : vector<16xf32>
      %swap3A_141 = arith.constant 0 : i32
      %swap3A_142 = arith.index_cast %swap3A_141 : i32 to index
      %swap3A_143 = arith.index_cast %scan3A_120 : i32 to index
      %swap3A_144 = arith.constant 16 : index
      %swap3A_145 = tpu.vector_load %arg16[%swap3A_142, %swap3A_143, %swap3A_144] {strides = array<i32>} : memref<3x128x64xf32, #tpu.memory_space<vmem>>, vector<1x1x16xf32>,
      %swap3A_146 = vector.shape_cast %swap3A_145 : vector<1x1x16xf32> to vector<16xf32>
      %swap3A_147 = vector.shape_cast %mul3A_140 : vector<16xf32> to vector<1x1x16xf32>
      tpu.vector_store %arg16[%swap3A_142, %swap3A_143, %swap3A_144], %swap3A_147 {strides = array<i32>} : memref<3x128x64xf32, #tpu.memory_space<vmem>>, vector<1x1x16xf32>,
      %get3A_148 = arith.constant 0 : i32
      %get3A_149 = arith.index_cast %get3A_148 : i32 to index
      %get3A_150 = arith.index_cast %scan3A_120 : i32 to index
      %get3A_151 = arith.constant 32 : index
      %get3A_152 = tpu.vector_load %arg16[%get3A_149, %get3A_150, %get3A_151] {strides = array<i32>} : memref<3x128x64xf32, #tpu.memory_space<vmem>>, vector<1x1x16xf32>,
      %get3A_153 = vector.shape_cast %get3A_152 : vector<1x1x16xf32> to vector<16xf32>
      %mul3A_154 = arith.mulf %get3A_153, %broadcast_in_dim3A_106 : vector<16xf32>
      %swap3A_155 = arith.constant 0 : i32
      %swap3A_156 = arith.index_cast %swap3A_155 : i32 to index
      %swap3A_157 = arith.index_cast %scan3A_120 : i32 to index
      %swap3A_158 = arith.constant 32 : index
      %swap3A_159 = tpu.vector_load %arg16[%swap3A_156, %swap3A_157, %swap3A_158] {strides = array<i32>} : memref<3x128x64xf32, #tpu.memory_space<vmem>>, vector<1x1x16xf32>,
      %swap3A_160 = vector.shape_cast %swap3A_159 : vector<1x1x16xf32> to vector<16xf32>
      %swap3A_161 = vector.shape_cast %mul3A_154 : vector<16xf32> to vector<1x1x16xf32>
      tpu.vector_store %arg16[%swap3A_156, %swap3A_157, %swap3A_158], %swap3A_161 {strides = array<i32>} : memref<3x128x64xf32, #tpu.memory_space<vmem>>, vector<1x1x16xf32>,
      %get3A_162 = arith.constant 0 : i32
      %get3A_163 = arith.index_cast %get3A_162 : i32 to index
      %get3A_164 = arith.index_cast %scan3A_120 : i32 to index
      %get3A_165 = arith.constant 48 : index
      %get3A_166 = tpu.vector_load %arg16[%get3A_163, %get3A_164, %get3A_165] {strides = array<i32>} : memref<3x128x64xf32, #tpu.memory_space<vmem>>, vector<1x1x16xf32>,
      %get3A_167 = vector.shape_cast %get3A_166 : vector<1x1x16xf32> to vector<16xf32>
      %mul3A_168 = arith.mulf %get3A_167, %broadcast_in_dim3A_106 : vector<16xf32>
      %swap3A_169 = arith.constant 0 : i32
      %swap3A_170 = arith.index_cast %swap3A_169 : i32 to index
      %swap3A_171 = arith.index_cast %scan3A_120 : i32 to index
      %swap3A_172 = arith.constant 48 : index
      %swap3A_173 = tpu.vector_load %arg16[%swap3A_170, %swap3A_171, %swap3A_172] {strides = array<i32>} : memref<3x128x64xf32, #tpu.memory_space<vmem>>, vector<1x1x16xf32>,
      %swap3A_174 = vector.shape_cast %swap3A_173 : vector<1x1x16xf32> to vector<16xf32>
      %swap3A_175 = vector.shape_cast %mul3A_168 : vector<16xf32> to vector<1x1x16xf32>
      tpu.vector_store %arg16[%swap3A_170, %swap3A_171, %swap3A_172], %swap3A_175 {strides = array<i32>} : memref<3x128x64xf32, #tpu.memory_space<vmem>>, vector<1x1x16xf32>,
      %get3A_176 = arith.constant 1 : i32
      %get3A_177 = arith.index_cast %get3A_176 : i32 to index
      %get3A_178 = arith.index_cast %scan3A_120 : i32 to index
      %get3A_179 = arith.constant 0 : index
      %get3A_180 = tpu.vector_load %arg16[%get3A_177, %get3A_178, %get3A_179] {strides = array<i32>} : memref<3x128x64xf32, #tpu.memory_space<vmem>>, vector<1x1x16xf32>,
      %get3A_181 = vector.shape_cast %get3A_180 : vector<1x1x16xf32> to vector<16xf32>
      %mul3A_182 = arith.mulf %get3A_181, %broadcast_in_dim3A_106 : vector<16xf32>
      %swap3A_183 = arith.constant 1 : i32
      %swap3A_184 = arith.index_cast %swap3A_183 : i32 to index
      %swap3A_185 = arith.index_cast %scan3A_120 : i32 to index
      %swap3A_186 = arith.constant 0 : index
      %swap3A_187 = tpu.vector_load %arg16[%swap3A_184, %swap3A_185, %swap3A_186] {strides = array<i32>} : memref<3x128x64xf32, #tpu.memory_space<vmem>>, vector<1x1x16xf32>,
      %swap3A_188 = vector.shape_cast %swap3A_187 : vector<1x1x16xf32> to vector<16xf32>
      %swap3A_189 = vector.shape_cast %mul3A_182 : vector<16xf32> to vector<1x1x16xf32>
      tpu.vector_store %arg16[%swap3A_184, %swap3A_185, %swap3A_186], %swap3A_189 {strides = array<i32>} : memref<3x128x64xf32, #tpu.memory_space<vmem>>, vector<1x1x16xf32>,
      %get3A_190 = arith.constant 1 : i32
      %get3A_191 = arith.index_cast %get3A_190 : i32 to index
      %get3A_192 = arith.index_cast %scan3A_120 : i32 to index
      %get3A_193 = arith.constant 16 : index
      %get3A_194 = tpu.vector_load %arg16[%get3A_191, %get3A_192, %get3A_193] {strides = array<i32>} : memref<3x128x64xf32, #tpu.memory_space<vmem>>, vector<1x1x16xf32>,
      %get3A_195 = vector.shape_cast %get3A_194 : vector<1x1x16xf32> to vector<16xf32>
      %mul3A_196 = arith.mulf %get3A_195, %broadcast_in_dim3A_106 : vector<16xf32>
      %swap3A_197 = arith.constant 1 : i32
      %swap3A_198 = arith.index_cast %swap3A_197 : i32 to index
      %swap3A_199 = arith.index_cast %scan3A_120 : i32 to index
      %swap3A_200 = arith.constant 16 : index
      %swap3A_201 = tpu.vector_load %arg16[%swap3A_198, %swap3A_199, %swap3A_200] {strides = array<i32>} : memref<3x128x64xf32, #tpu.memory_space<vmem>>, vector<1x1x16xf32>,
      %swap3A_202 = vector.shape_cast %swap3A_201 : vector<1x1x16xf32> to vector<16xf32>
      %swap3A_203 = vector.shape_cast %mul3A_196 : vector<16xf32> to vector<1x1x16xf32>
      tpu.vector_store %arg16[%swap3A_198, %swap3A_199, %swap3A_200], %swap3A_203 {strides = array<i32>} : memref<3x128x64xf32, #tpu.memory_space<vmem>>, vector<1x1x16xf32>,
      %get3A_204 = arith.constant 1 : i32
      %get3A_205 = arith.index_cast %get3A_204 : i32 to index
      %get3A_206 = arith.index_cast %scan3A_120 : i32 to index
      %get3A_207 = arith.constant 32 : index
      %get3A_208 = tpu.vector_load %arg16[%get3A_205, %get3A_206, %get3A_207] {strides = array<i32>} : memref<3x128x64xf32, #tpu.memory_space<vmem>>, vector<1x1x16xf32>,
      %get3A_209 = vector.shape_cast %get3A_208 : vector<1x1x16xf32> to vector<16xf32>
      %mul3A_210 = arith.mulf %get3A_209, %broadcast_in_dim3A_106 : vector<16xf32>
      %swap3A_211 = arith.constant 1 : i32
      %swap3A_212 = arith.index_cast %swap3A_211 : i32 to index
      %swap3A_213 = arith.index_cast %scan3A_120 : i32 to index
      %swap3A_214 = arith.constant 32 : index
      %swap3A_215 = tpu.vector_load %arg16[%swap3A_212, %swap3A_213, %swap3A_214] {strides = array<i32>} : memref<3x128x64xf32, #tpu.memory_space<vmem>>, vector<1x1x16xf32>,
      %swap3A_216 = vector.shape_cast %swap3A_215 : vector<1x1x16xf32> to vector<16xf32>
      %swap3A_217 = vector.shape_cast %mul3A_210 : vector<16xf32> to vector<1x1x16xf32>
      tpu.vector_store %arg16[%swap3A_212, %swap3A_213, %swap3A_214], %swap3A_217 {strides = array<i32>} : memref<3x128x64xf32, #tpu.memory_space<vmem>>, vector<1x1x16xf32>,
      %get3A_218 = arith.constant 1 : i32
      %get3A_219 = arith.index_cast %get3A_218 : i32 to index
      %get3A_220 = arith.index_cast %scan3A_120 : i32 to index
      %get3A_221 = arith.constant 48 : index
      %get3A_222 = tpu.vector_load %arg16[%get3A_219, %get3A_220, %get3A_221] {strides = array<i32>} : memref<3x128x64xf32, #tpu.memory_space<vmem>>, vector<1x1x16xf32>,
      %get3A_223 = vector.shape_cast %get3A_222 : vector<1x1x16xf32> to vector<16xf32>
      %mul3A_224 = arith.mulf %get3A_223, %broadcast_in_dim3A_106 : vector<16xf32>
      %swap3A_225 = arith.constant 1 : i32
      %swap3A_226 = arith.index_cast %swap3A_225 : i32 to index
      %swap3A_227 = arith.index_cast %scan3A_120 : i32 to index
      %swap3A_228 = arith.constant 48 : index
      %swap3A_229 = tpu.vector_load %arg16[%swap3A_226, %swap3A_227, %swap3A_228] {strides = array<i32>} : memref<3x128x64xf32, #tpu.memory_space<vmem>>, vector<1x1x16xf32>,
      %swap3A_230 = vector.shape_cast %swap3A_229 : vector<1x1x16xf32> to vector<16xf32>
      %swap3A_231 = vector.shape_cast %mul3A_224 : vector<16xf32> to vector<1x1x16xf32>
      tpu.vector_store %arg16[%swap3A_226, %swap3A_227, %swap3A_228], %swap3A_231 {strides = array<i32>} : memref<3x128x64xf32, #tpu.memory_space<vmem>>, vector<1x1x16xf32>,
      %get3A_232 = arith.constant 2 : i32
      %get3A_233 = arith.index_cast %get3A_232 : i32 to index
      %get3A_234 = arith.index_cast %scan3A_120 : i32 to index
      %get3A_235 = arith.constant 0 : index
      %get3A_236 = tpu.vector_load %arg16[%get3A_233, %get3A_234, %get3A_235] {strides = array<i32>} : memref<3x128x64xf32, #tpu.memory_space<vmem>>, vector<1x1x16xf32>,
      %get3A_237 = vector.shape_cast %get3A_236 : vector<1x1x16xf32> to vector<16xf32>
      %mul3A_238 = arith.mulf %get3A_237, %broadcast_in_dim3A_106 : vector<16xf32>
      %swap3A_239 = arith.constant 2 : i32
      %swap3A_240 = arith.index_cast %swap3A_239 : i32 to index
      %swap3A_241 = arith.index_cast %scan3A_120 : i32 to index
      %swap3A_242 = arith.constant 0 : index
      %swap3A_243 = tpu.vector_load %arg16[%swap3A_240, %swap3A_241, %swap3A_242] {strides = array<i32>} : memref<3x128x64xf32, #tpu.memory_space<vmem>>, vector<1x1x16xf32>,
      %swap3A_244 = vector.shape_cast %swap3A_243 : vector<1x1x16xf32> to vector<16xf32>
      %swap3A_245 = vector.shape_cast %mul3A_238 : vector<16xf32> to vector<1x1x16xf32>
      tpu.vector_store %arg16[%swap3A_240, %swap3A_241, %swap3A_242], %swap3A_245 {strides = array<i32>} : memref<3x128x64xf32, #tpu.memory_space<vmem>>, vector<1x1x16xf32>,
      %get3A_246 = arith.constant 2 : i32
      %get3A_247 = arith.index_cast %get3A_246 : i32 to index
      %get3A_248 = arith.index_cast %scan3A_120 : i32 to index
      %get3A_249 = arith.constant 16 : index
      %get3A_250 = tpu.vector_load %arg16[%get3A_247, %get3A_248, %get3A_249] {strides = array<i32>} : memref<3x128x64xf32, #tpu.memory_space<vmem>>, vector<1x1x16xf32>,
      %get3A_251 = vector.shape_cast %get3A_250 : vector<1x1x16xf32> to vector<16xf32>
      %mul3A_252 = arith.mulf %get3A_251, %broadcast_in_dim3A_106 : vector<16xf32>
      %swap3A_253 = arith.constant 2 : i32
      %swap3A_254 = arith.index_cast %swap3A_253 : i32 to index
      %swap3A_255 = arith.index_cast %scan3A_120 : i32 to index
      %swap3A_256 = arith.constant 16 : index
      %swap3A_257 = tpu.vector_load %arg16[%swap3A_254, %swap3A_255, %swap3A_256] {strides = array<i32>} : memref<3x128x64xf32, #tpu.memory_space<vmem>>, vector<1x1x16xf32>,
      %swap3A_258 = vector.shape_cast %swap3A_257 : vector<1x1x16xf32> to vector<16xf32>
      %swap3A_259 = vector.shape_cast %mul3A_252 : vector<16xf32> to vector<1x1x16xf32>
      tpu.vector_store %arg16[%swap3A_254, %swap3A_255, %swap3A_256], %swap3A_259 {strides = array<i32>} : memref<3x128x64xf32, #tpu.memory_space<vmem>>, vector<1x1x16xf32>,
      %get3A_260 = arith.constant 2 : i32
      %get3A_261 = arith.index_cast %get3A_260 : i32 to index
      %get3A_262 = arith.index_cast %scan3A_120 : i32 to index
      %get3A_263 = arith.constant 32 : index
      %get3A_264 = tpu.vector_load %arg16[%get3A_261, %get3A_262, %get3A_263] {strides = array<i32>} : memref<3x128x64xf32, #tpu.memory_space<vmem>>, vector<1x1x16xf32>,
      %get3A_265 = vector.shape_cast %get3A_264 : vector<1x1x16xf32> to vector<16xf32>
      %mul3A_266 = arith.mulf %get3A_265, %broadcast_in_dim3A_106 : vector<16xf32>
      %swap3A_267 = arith.constant 2 : i32
      %swap3A_268 = arith.index_cast %swap3A_267 : i32 to index
      %swap3A_269 = arith.index_cast %scan3A_120 : i32 to index
      %swap3A_270 = arith.constant 32 : index
      %swap3A_271 = tpu.vector_load %arg16[%swap3A_268, %swap3A_269, %swap3A_270] {strides = array<i32>} : memref<3x128x64xf32, #tpu.memory_space<vmem>>, vector<1x1x16xf32>,
      %swap3A_272 = vector.shape_cast %swap3A_271 : vector<1x1x16xf32> to vector<16xf32>
      %swap3A_273 = vector.shape_cast %mul3A_266 : vector<16xf32> to vector<1x1x16xf32>
      tpu.vector_store %arg16[%swap3A_268, %swap3A_269, %swap3A_270], %swap3A_273 {strides = array<i32>} : memref<3x128x64xf32, #tpu.memory_space<vmem>>, vector<1x1x16xf32>,
      %get3A_274 = arith.constant 2 : i32
      %get3A_275 = arith.index_cast %get3A_274 : i32 to index
      %get3A_276 = arith.index_cast %scan3A_120 : i32 to index
      %get3A_277 = arith.constant 48 : index
      %get3A_278 = tpu.vector_load %arg16[%get3A_275, %get3A_276, %get3A_277] {strides = array<i32>} : memref<3x128x64xf32, #tpu.memory_space<vmem>>, vector<1x1x16xf32>,
      %get3A_279 = vector.shape_cast %get3A_278 : vector<1x1x16xf32> to vector<16xf32>
      %mul3A_280 = arith.mulf %get3A_279, %broadcast_in_dim3A_106 : vector<16xf32>
      %swap3A_281 = arith.constant 2 : i32
      %swap3A_282 = arith.index_cast %swap3A_281 : i32 to index
      %swap3A_283 = arith.index_cast %scan3A_120 : i32 to index
      %swap3A_284 = arith.constant 48 : index
      %swap3A_285 = tpu.vector_load %arg16[%swap3A_282, %swap3A_283, %swap3A_284] {strides = array<i32>} : memref<3x128x64xf32, #tpu.memory_space<vmem>>, vector<1x1x16xf32>,
      %swap3A_286 = vector.shape_cast %swap3A_285 : vector<1x1x16xf32> to vector<16xf32>
      %swap3A_287 = vector.shape_cast %mul3A_280 : vector<16xf32> to vector<1x1x16xf32>
      tpu.vector_store %arg16[%swap3A_282, %swap3A_283, %swap3A_284], %swap3A_287 {strides = array<i32>} : memref<3x128x64xf32, #tpu.memory_space<vmem>>, vector<1x1x16xf32>,
      %scan3A_288 = arith.constant 0 : i32
      scf.yield %scan3A_288 : i32
    }
    %scan3A_113 = arith.constant 128 : i32
    %run_scoped3A_114 = arith.constant 0 : i32
    %run_scoped3A_115 = arith.constant 0 : i32
    "tpu.region"() ({
      %run_scoped3A_120 = tpu.sem_alloc : memref<!tpu.dma_semaphore, #tpu.memory_space<semaphore_mem>>
      %dma_start3A_121 = arith.constant 0 : i32
      %dma_start3A_122 = arith.constant 0 : i32
      %dma_start3A_123 = tpu.memref_slice %arg16[%run_scoped3A_114, %dma_start3A_121, %dma_start3A_122] : memref<3x128x64xf32, #tpu.memory_space<vmem>> -> memref<1x128x64xf32, #tpu.memory_space<vmem>>
      %dma_start3A_124 = tpu.memref_squeeze %dma_start3A_123 : memref<1x128x64xf32, #tpu.memory_space<vmem>> -> memref<128x64xf32, #tpu.memory_space<vmem>>
      %dma_start3A_125 = arith.constant 0 : i32
      %dma_start3A_126 = tpu.memref_slice %arg12[%run_scoped3A_115, %mul3A_2, %dma_start3A_125] : memref<6x4096x64xf32, #tpu.memory_space<hbm>> -> memref<1x128x64xf32, #tpu.memory_space<hbm>>
      %dma_start3A_127 = tpu.memref_squeeze %dma_start3A_126 : memref<1x128x64xf32, #tpu.memory_space<hbm>> -> memref<128x64xf32, #tpu.memory_space<hbm>>
      %dma_start3A_128 = arith.constant 0 : i32
      %dma_start3A_129 = tpu.memref_slice %arg12[%run_scoped3A_115, %mul3A_2, %dma_start3A_128] : memref<6x4096x64xf32, #tpu.memory_space<hbm>> -> memref<1x128x64xf32, #tpu.memory_space<hbm>>
      %dma_start3A_130 = tpu.memref_squeeze %dma_start3A_129 : memref<1x128x64xf32, #tpu.memory_space<hbm>> -> memref<128x64xf32, #tpu.memory_space<hbm>>
      %dma_start3A_131 = arith.constant 0 : i32
      %dma_start3A_132 = arith.constant 0 : i32
      %dma_start3A_133 = tpu.memref_slice %arg16[%run_scoped3A_114, %dma_start3A_131, %dma_start3A_132] : memref<3x128x64xf32, #tpu.memory_space<vmem>> -> memref<1x128x64xf32, #tpu.memory_space<vmem>>
      %dma_start3A_134 = tpu.memref_squeeze %dma_start3A_133 : memref<1x128x64xf32, #tpu.memory_space<vmem>> -> memref<128x64xf32, #tpu.memory_space<vmem>>
      tpu.enqueue_dma source(%dma_start3A_134 : memref<128x64xf32, #tpu.memory_space<vmem>>) target(%dma_start3A_130 : memref<128x64xf32, #tpu.memory_space<hbm>>) target_semaphore(%run_scoped3A_120 : memref<!tpu.dma_semaphore, #tpu.memory_space<semaphore_mem>>)
      %dma_wait3A_135 = arith.constant 0 : i32
      %dma_wait3A_136 = arith.constant 0 : i32
      %dma_wait3A_137 = tpu.memref_slice %arg16[%run_scoped3A_114, %dma_wait3A_135, %dma_wait3A_136] : memref<3x128x64xf32, #tpu.memory_space<vmem>> -> memref<1x128x64xf32, #tpu.memory_space<vmem>>
      %dma_wait3A_138 = tpu.memref_squeeze %dma_wait3A_137 : memref<1x128x64xf32, #tpu.memory_space<vmem>> -> memref<128x64xf32, #tpu.memory_space<vmem>>
      %dma_wait3A_139 = arith.constant 0 : i32
      %dma_wait3A_140 = tpu.memref_slice %arg12[%run_scoped3A_115, %mul3A_2, %dma_wait3A_139] : memref<6x4096x64xf32, #tpu.memory_space<hbm>> -> memref<1x128x64xf32, #tpu.memory_space<hbm>>
      %dma_wait3A_141 = tpu.memref_squeeze %dma_wait3A_140 : memref<1x128x64xf32, #tpu.memory_space<hbm>> -> memref<128x64xf32, #tpu.memory_space<hbm>>
      %dma_wait3A_142 = arith.constant 0 : i32
      %dma_wait3A_143 = tpu.memref_slice %arg12[%run_scoped3A_115, %mul3A_2, %dma_wait3A_142] : memref<6x4096x64xf32, #tpu.memory_space<hbm>> -> memref<1x128x64xf32, #tpu.memory_space<hbm>>
      %dma_wait3A_144 = tpu.memref_squeeze %dma_wait3A_143 : memref<1x128x64xf32, #tpu.memory_space<hbm>> -> memref<128x64xf32, #tpu.memory_space<hbm>>
      %dma_wait3A_145 = arith.constant 0 : i32
      %dma_wait3A_146 = arith.constant 0 : i32
      %dma_wait3A_147 = tpu.memref_slice %arg16[%run_scoped3A_114, %dma_wait3A_145, %dma_wait3A_146] : memref<3x128x64xf32, #tpu.memory_space<vmem>> -> memref<1x128x64xf32, #tpu.memory_space<vmem>>
      %dma_wait3A_148 = tpu.memref_squeeze %dma_wait3A_147 : memref<1x128x64xf32, #tpu.memory_space<vmem>> -> memref<128x64xf32, #tpu.memory_space<vmem>>
      tpu.wait_dma2 semaphore(%run_scoped3A_120 : memref<!tpu.dma_semaphore, #tpu.memory_space<semaphore_mem>>) src(%dma_wait3A_148 : memref<128x64xf32, #tpu.memory_space<vmem>>) dst(%dma_wait3A_144 : memref<128x64xf32, #tpu.memory_space<hbm>>)
      tpu.yield
    }) : () -> ()
    %run_scoped3A_116 = arith.constant 1 : i32
    %run_scoped3A_117 = arith.constant 1 : i32
    "tpu.region"() ({
      %run_scoped3A_120 = tpu.sem_alloc : memref<!tpu.dma_semaphore, #tpu.memory_space<semaphore_mem>>
      %dma_start3A_121 = arith.constant 0 : i32
      %dma_start3A_122 = arith.constant 0 : i32
      %dma_start3A_123 = tpu.memref_slice %arg16[%run_scoped3A_116, %dma_start3A_121, %dma_start3A_122] : memref<3x128x64xf32, #tpu.memory_space<vmem>> -> memref<1x128x64xf32, #tpu.memory_space<vmem>>
      %dma_start3A_124 = tpu.memref_squeeze %dma_start3A_123 : memref<1x128x64xf32, #tpu.memory_space<vmem>> -> memref<128x64xf32, #tpu.memory_space<vmem>>
      %dma_start3A_125 = arith.constant 0 : i32
      %dma_start3A_126 = tpu.memref_slice %arg12[%run_scoped3A_117, %mul3A_2, %dma_start3A_125] : memref<6x4096x64xf32, #tpu.memory_space<hbm>> -> memref<1x128x64xf32, #tpu.memory_space<hbm>>
      %dma_start3A_127 = tpu.memref_squeeze %dma_start3A_126 : memref<1x128x64xf32, #tpu.memory_space<hbm>> -> memref<128x64xf32, #tpu.memory_space<hbm>>
      %dma_start3A_128 = arith.constant 0 : i32
      %dma_start3A_129 = tpu.memref_slice %arg12[%run_scoped3A_117, %mul3A_2, %dma_start3A_128] : memref<6x4096x64xf32, #tpu.memory_space<hbm>> -> memref<1x128x64xf32, #tpu.memory_space<hbm>>
      %dma_start3A_130 = tpu.memref_squeeze %dma_start3A_129 : memref<1x128x64xf32, #tpu.memory_space<hbm>> -> memref<128x64xf32, #tpu.memory_space<hbm>>
      %dma_start3A_131 = arith.constant 0 : i32
      %dma_start3A_132 = arith.constant 0 : i32
      %dma_start3A_133 = tpu.memref_slice %arg16[%run_scoped3A_116, %dma_start3A_131, %dma_start3A_132] : memref<3x128x64xf32, #tpu.memory_space<vmem>> -> memref<1x128x64xf32, #tpu.memory_space<vmem>>
      %dma_start3A_134 = tpu.memref_squeeze %dma_start3A_133 : memref<1x128x64xf32, #tpu.memory_space<vmem>> -> memref<128x64xf32, #tpu.memory_space<vmem>>
      tpu.enqueue_dma source(%dma_start3A_134 : memref<128x64xf32, #tpu.memory_space<vmem>>) target(%dma_start3A_130 : memref<128x64xf32, #tpu.memory_space<hbm>>) target_semaphore(%run_scoped3A_120 : memref<!tpu.dma_semaphore, #tpu.memory_space<semaphore_mem>>)
      %dma_wait3A_135 = arith.constant 0 : i32
      %dma_wait3A_136 = arith.constant 0 : i32
      %dma_wait3A_137 = tpu.memref_slice %arg16[%run_scoped3A_116, %dma_wait3A_135, %dma_wait3A_136] : memref<3x128x64xf32, #tpu.memory_space<vmem>> -> memref<1x128x64xf32, #tpu.memory_space<vmem>>
      %dma_wait3A_138 = tpu.memref_squeeze %dma_wait3A_137 : memref<1x128x64xf32, #tpu.memory_space<vmem>> -> memref<128x64xf32, #tpu.memory_space<vmem>>
      %dma_wait3A_139 = arith.constant 0 : i32
      %dma_wait3A_140 = tpu.memref_slice %arg12[%run_scoped3A_117, %mul3A_2, %dma_wait3A_139] : memref<6x4096x64xf32, #tpu.memory_space<hbm>> -> memref<1x128x64xf32, #tpu.memory_space<hbm>>
      %dma_wait3A_141 = tpu.memref_squeeze %dma_wait3A_140 : memref<1x128x64xf32, #tpu.memory_space<hbm>> -> memref<128x64xf32, #tpu.memory_space<hbm>>
      %dma_wait3A_142 = arith.constant 0 : i32
      %dma_wait3A_143 = tpu.memref_slice %arg12[%run_scoped3A_117, %mul3A_2, %dma_wait3A_142] : memref<6x4096x64xf32, #tpu.memory_space<hbm>> -> memref<1x128x64xf32, #tpu.memory_space<hbm>>
      %dma_wait3A_144 = tpu.memref_squeeze %dma_wait3A_143 : memref<1x128x64xf32, #tpu.memory_space<hbm>> -> memref<128x64xf32, #tpu.memory_space<hbm>>
      %dma_wait3A_145 = arith.constant 0 : i32
      %dma_wait3A_146 = arith.constant 0 : i32
      %dma_wait3A_147 = tpu.memref_slice %arg16[%run_scoped3A_116, %dma_wait3A_145, %dma_wait3A_146] : memref<3x128x64xf32, #tpu.memory_space<vmem>> -> memref<1x128x64xf32, #tpu.memory_space<vmem>>
      %dma_wait3A_148 = tpu.memref_squeeze %dma_wait3A_147 : memref<1x128x64xf32, #tpu.memory_space<vmem>> -> memref<128x64xf32, #tpu.memory_space<vmem>>
      tpu.wait_dma2 semaphore(%run_scoped3A_120 : memref<!tpu.dma_semaphore, #tpu.memory_space<semaphore_mem>>) src(%dma_wait3A_148 : memref<128x64xf32, #tpu.memory_space<vmem>>) dst(%dma_wait3A_144 : memref<128x64xf32, #tpu.memory_space<hbm>>)
      tpu.yield
    }) : () -> ()
    %run_scoped3A_118 = arith.constant 2 : i32
    %run_scoped3A_119 = arith.constant 2 : i32
    "tpu.region"() ({
      %run_scoped3A_120 = tpu.sem_alloc : memref<!tpu.dma_semaphore, #tpu.memory_space<semaphore_mem>>
      %dma_start3A_121 = arith.constant 0 : i32
      %dma_start3A_122 = arith.constant 0 : i32
      %dma_start3A_123 = tpu.memref_slice %arg16[%run_scoped3A_118, %dma_start3A_121, %dma_start3A_122] : memref<3x128x64xf32, #tpu.memory_space<vmem>> -> memref<1x128x64xf32, #tpu.memory_space<vmem>>
      %dma_start3A_124 = tpu.memref_squeeze %dma_start3A_123 : memref<1x128x64xf32, #tpu.memory_space<vmem>> -> memref<128x64xf32, #tpu.memory_space<vmem>>
      %dma_start3A_125 = arith.constant 0 : i32
      %dma_start3A_126 = tpu.memref_slice %arg12[%run_scoped3A_119, %mul3A_2, %dma_start3A_125] : memref<6x4096x64xf32, #tpu.memory_space<hbm>> -> memref<1x128x64xf32, #tpu.memory_space<hbm>>
      %dma_start3A_127 = tpu.memref_squeeze %dma_start3A_126 : memref<1x128x64xf32, #tpu.memory_space<hbm>> -> memref<128x64xf32, #tpu.memory_space<hbm>>
      %dma_start3A_128 = arith.constant 0 : i32
      %dma_start3A_129 = tpu.memref_slice %arg12[%run_scoped3A_119, %mul3A_2, %dma_start3A_128] : memref<6x4096x64xf32, #tpu.memory_space<hbm>> -> memref<1x128x64xf32, #tpu.memory_space<hbm>>
      %dma_start3A_130 = tpu.memref_squeeze %dma_start3A_129 : memref<1x128x64xf32, #tpu.memory_space<hbm>> -> memref<128x64xf32, #tpu.memory_space<hbm>>
      %dma_start3A_131 = arith.constant 0 : i32
      %dma_start3A_132 = arith.constant 0 : i32
      %dma_start3A_133 = tpu.memref_slice %arg16[%run_scoped3A_118, %dma_start3A_131, %dma_start3A_132] : memref<3x128x64xf32, #tpu.memory_space<vmem>> -> memref<1x128x64xf32, #tpu.memory_space<vmem>>
      %dma_start3A_134 = tpu.memref_squeeze %dma_start3A_133 : memref<1x128x64xf32, #tpu.memory_space<vmem>> -> memref<128x64xf32, #tpu.memory_space<vmem>>
      tpu.enqueue_dma source(%dma_start3A_134 : memref<128x64xf32, #tpu.memory_space<vmem>>) target(%dma_start3A_130 : memref<128x64xf32, #tpu.memory_space<hbm>>) target_semaphore(%run_scoped3A_120 : memref<!tpu.dma_semaphore, #tpu.memory_space<semaphore_mem>>)
      %dma_wait3A_135 = arith.constant 0 : i32
      %dma_wait3A_136 = arith.constant 0 : i32
      %dma_wait3A_137 = tpu.memref_slice %arg16[%run_scoped3A_118, %dma_wait3A_135, %dma_wait3A_136] : memref<3x128x64xf32, #tpu.memory_space<vmem>> -> memref<1x128x64xf32, #tpu.memory_space<vmem>>
      %dma_wait3A_138 = tpu.memref_squeeze %dma_wait3A_137 : memref<1x128x64xf32, #tpu.memory_space<vmem>> -> memref<128x64xf32, #tpu.memory_space<vmem>>
      %dma_wait3A_139 = arith.constant 0 : i32
      %dma_wait3A_140 = tpu.memref_slice %arg12[%run_scoped3A_119, %mul3A_2, %dma_wait3A_139] : memref<6x4096x64xf32, #tpu.memory_space<hbm>> -> memref<1x128x64xf32, #tpu.memory_space<hbm>>
      %dma_wait3A_141 = tpu.memref_squeeze %dma_wait3A_140 : memref<1x128x64xf32, #tpu.memory_space<hbm>> -> memref<128x64xf32, #tpu.memory_space<hbm>>
      %dma_wait3A_142 = arith.constant 0 : i32
      %dma_wait3A_143 = tpu.memref_slice %arg12[%run_scoped3A_119, %mul3A_2, %dma_wait3A_142] : memref<6x4096x64xf32, #tpu.memory_space<hbm>> -> memref<1x128x64xf32, #tpu.memory_space<hbm>>
      %dma_wait3A_144 = tpu.memref_squeeze %dma_wait3A_143 : memref<1x128x64xf32, #tpu.memory_space<hbm>> -> memref<128x64xf32, #tpu.memory_space<hbm>>
      %dma_wait3A_145 = arith.constant 0 : i32
      %dma_wait3A_146 = arith.constant 0 : i32
      %dma_wait3A_147 = tpu.memref_slice %arg16[%run_scoped3A_118, %dma_wait3A_145, %dma_wait3A_146] : memref<3x128x64xf32, #tpu.memory_space<vmem>> -> memref<1x128x64xf32, #tpu.memory_space<vmem>>
      %dma_wait3A_148 = tpu.memref_squeeze %dma_wait3A_147 : memref<1x128x64xf32, #tpu.memory_space<vmem>> -> memref<128x64xf32, #tpu.memory_space<vmem>>
      tpu.wait_dma2 semaphore(%run_scoped3A_120 : memref<!tpu.dma_semaphore, #tpu.memory_space<semaphore_mem>>) src(%dma_wait3A_148 : memref<128x64xf32, #tpu.memory_space<vmem>>) dst(%dma_wait3A_144 : memref<128x64xf32, #tpu.memory_space<hbm>>)
      tpu.yield
    }) : () -> ()
    return
  }
}

module attributes {stable_mosaic.version = 14 : i64} {
  func.func @body(%arg0: i32, %arg1: memref<64x8192xf32, #tpu.memory_space<vmem>>, %arg2: memref<8192x128xf32, #tpu.memory_space<vmem>>) attributes {dimension_semantics = [#tpu.dimension_semantics<arbitrary>], iteration_bounds = array<i64: 13>, scalar_prefetch = 0 : i64, scratch_operands = 0 : i64, tpu.core_type = #tpu.core_type<tc>, window_params = [{transform_indices = @transform_0, window_bounds = array<i64: 64, 8192>}, {transform_indices = @transform_1, window_bounds = array<i64: 8192, 128>}]} {
    %get3A = arith.constant 0 : index
    %get3A_0 = arith.constant 0 : index
    %get3A_1 = vector.load %arg1[%get3A, %get3A_0] : memref<64x8192xf32, #tpu.memory_space<vmem>>, vector<64x8192xf32>
    %iota3A = tpu.iota {dimensions = array<i32: 0>} : vector<64x128xi32>
    %iota3A_2 = tpu.iota {dimensions = array<i32: 1>} : vector<64x128xi32>
    %eq3A = arith.cmpi eq, %iota3A, %iota3A_2 : vector<64x128xi32>
    %convert_element_type3A = arith.extui %eq3A : vector<64x128xi1> to vector<64x128xi32>
    %convert_element_type3A_3 = arith.sitofp %convert_element_type3A : vector<64x128xi32> to vector<64x128xf32>
    %dot_general3A = arith.constant dense<0.000000e+00> : vector<8192x128xf32>
    %dot_general3A_4 = tpu.matmul %get3A_1, %convert_element_type3A_3, %dot_general3A {dimension_numbers = #tpu.dot_dimension_numbers<[0], [0], [1], [1], [0, 1, 1, 1], [], []>, transpose_lhs_hint = false} : vector<64x8192xf32>, vector<64x128xf32>, vector<8192x128xf32> -> vector<8192x128xf32>
    %swap3A = arith.constant 0 : index
    %swap3A_5 = arith.constant 0 : index
    %swap3A_6 = vector.load %arg2[%swap3A, %swap3A_5] : memref<8192x128xf32, #tpu.memory_space<vmem>>, vector<8192x128xf32>
    tpu.vector_store %arg2[%swap3A, %swap3A_5], %dot_general3A_4 {strides = array<i32>} : memref<8192x128xf32, #tpu.memory_space<vmem>>, vector<8192x128xf32>,
    return
  }
  func.func @transform_0(%arg0: i32) -> (i32, i32) {
    %c0_i32 = arith.constant 0 : i32
    %c0_i32_0 = arith.constant 0 : i32
    return %c0_i32, %arg0 : i32, i32
  }
  func.func @transform_1(%arg0: i32) -> (i32, i32) {
    %c0_i32 = arith.constant 0 : i32
    %c0_i32_0 = arith.constant 0 : i32
    return %arg0, %c0_i32 : i32, i32
  }
}

module attributes {stable_mosaic.version = 14 : i64} {
  func.func @body(%arg0: i32, %arg1: memref<64x8192xf32, #tpu.memory_space<vmem>>, %arg2: memref<8192x128xf32, #tpu.memory_space<vmem>>) attributes {dimension_semantics = [#tpu.dimension_semantics<arbitrary>], iteration_bounds = array<i64: 123>, scalar_prefetch = 0 : i64, scratch_operands = 0 : i64, tpu.core_type = #tpu.core_type<tc>, window_params = [{transform_indices = @transform_0, window_bounds = array<i64: 64, 8192>}, {transform_indices = @transform_1, window_bounds = array<i64: 8192, 128>}]} {
    %get3A = arith.constant 0 : index
    %get3A_0 = arith.constant 0 : index
    %get3A_1 = vector.load %arg1[%get3A, %get3A_0] : memref<64x8192xf32, #tpu.memory_space<vmem>>, vector<64x8192xf32>
    %iota3A = tpu.iota {dimensions = array<i32: 0>} : vector<64x128xi32>
    %iota3A_2 = tpu.iota {dimensions = array<i32: 1>} : vector<64x128xi32>
    %eq3A = arith.cmpi eq, %iota3A, %iota3A_2 : vector<64x128xi32>
    %convert_element_type3A = arith.extui %eq3A : vector<64x128xi1> to vector<64x128xi32>
    %convert_element_type3A_3 = arith.sitofp %convert_element_type3A : vector<64x128xi32> to vector<64x128xf32>
    %dot_general3A = arith.constant dense<0.000000e+00> : vector<8192x128xf32>
    %dot_general3A_4 = tpu.matmul %get3A_1, %convert_element_type3A_3, %dot_general3A {dimension_numbers = #tpu.dot_dimension_numbers<[0], [0], [1], [1], [0, 1, 1, 1], [], []>, transpose_lhs_hint = false} : vector<64x8192xf32>, vector<64x128xf32>, vector<8192x128xf32> -> vector<8192x128xf32>
    %swap3A = arith.constant 0 : index
    %swap3A_5 = arith.constant 0 : index
    %swap3A_6 = vector.load %arg2[%swap3A, %swap3A_5] : memref<8192x128xf32, #tpu.memory_space<vmem>>, vector<8192x128xf32>
    tpu.vector_store %arg2[%swap3A, %swap3A_5], %dot_general3A_4 {strides = array<i32>} : memref<8192x128xf32, #tpu.memory_space<vmem>>, vector<8192x128xf32>,
    return
  }
  func.func @transform_0(%arg0: i32) -> (i32, i32) {
    %c0_i32 = arith.constant 0 : i32
    %c0_i32_0 = arith.constant 0 : i32
    return %c0_i32, %arg0 : i32, i32
  }
  func.func @transform_1(%arg0: i32) -> (i32, i32) {
    %c0_i32 = arith.constant 0 : i32
    %c0_i32_0 = arith.constant 0 : i32
    return %arg0, %c0_i32 : i32, i32
  }
}

module attributes {stable_mosaic.version = 14 : i64} {
  func.func @_mlp_body(%arg0: i32, %arg1: memref<512x64xf32, #tpu.memory_space<vmem>>, %arg2: memref<6x512x64xf32, #tpu.memory_space<vmem>>, %arg3: memref<512x50xf32, #tpu.memory_space<vmem>>, %arg4: memref<512x1xf32, #tpu.memory_space<vmem>>, %arg5: memref<512x1xf32, #tpu.memory_space<vmem>>, %arg6: memref<448x256xf32, #tpu.memory_space<vmem>>, %arg7: memref<3x256xf32, #tpu.memory_space<vmem>>, %arg8: memref<1x256xf32, #tpu.memory_space<vmem>>, %arg9: memref<256x128xf32, #tpu.memory_space<vmem>>, %arg10: memref<1x128xf32, #tpu.memory_space<vmem>>, %arg11: memref<512x128xf32, #tpu.memory_space<vmem>>) attributes {dimension_semantics = [#tpu.dimension_semantics<arbitrary>], iteration_bounds = array<i64: 8>, scalar_prefetch = 0 : i64, scratch_operands = 0 : i64, tpu.core_type = #tpu.core_type<tc>, window_params = [{transform_indices = @transform_0, window_bounds = array<i64: 512, 64>}, {transform_indices = @transform_1, window_bounds = array<i64: 6, 512, 64>}, {transform_indices = @transform_2, window_bounds = array<i64: 512, 50>}, {transform_indices = @transform_3, window_bounds = array<i64: 512, 1>}, {transform_indices = @transform_4, window_bounds = array<i64: 512, 1>}, {pipeline_mode = #tpu.pipeline_mode<synchronous>, transform_indices = @transform_5, window_bounds = array<i64: 448, 256>}, {pipeline_mode = #tpu.pipeline_mode<synchronous>, transform_indices = @transform_6, window_bounds = array<i64: 3, 256>}, {pipeline_mode = #tpu.pipeline_mode<synchronous>, transform_indices = @transform_7, window_bounds = array<i64: 1, 256>}, {pipeline_mode = #tpu.pipeline_mode<synchronous>, transform_indices = @transform_8, window_bounds = array<i64: 256, 128>}, {pipeline_mode = #tpu.pipeline_mode<synchronous>, transform_indices = @transform_9, window_bounds = array<i64: 1, 128>}, {transform_indices = @transform_10, window_bounds = array<i64: 512, 128>}]} {
    %get3A = arith.constant 0 : index
    %get3A_0 = arith.constant 0 : index
    %get3A_1 = vector.load %arg1[%get3A, %get3A_0] : memref<512x64xf32, #tpu.memory_space<vmem>>, vector<512x64xf32>
    %get3A_2 = arith.constant 0 : index
    %get3A_3 = arith.constant 0 : index
    %get3A_4 = arith.constant 0 : index
    %get3A_5 = vector.load %arg2[%get3A_2, %get3A_3, %get3A_4] : memref<6x512x64xf32, #tpu.memory_space<vmem>>, vector<1x512x64xf32>
    %get3A_6 = vector.shape_cast %get3A_5 : vector<1x512x64xf32> to vector<512x64xf32>
    %get3A_7 = arith.constant 1 : index
    %get3A_8 = arith.constant 0 : index
    %get3A_9 = arith.constant 0 : index
    %get3A_10 = vector.load %arg2[%get3A_7, %get3A_8, %get3A_9] : memref<6x512x64xf32, #tpu.memory_space<vmem>>, vector<1x512x64xf32>
    %get3A_11 = vector.shape_cast %get3A_10 : vector<1x512x64xf32> to vector<512x64xf32>
    %get3A_12 = arith.constant 2 : index
    %get3A_13 = arith.constant 0 : index
    %get3A_14 = arith.constant 0 : index
    %get3A_15 = vector.load %arg2[%get3A_12, %get3A_13, %get3A_14] : memref<6x512x64xf32, #tpu.memory_space<vmem>>, vector<1x512x64xf32>
    %get3A_16 = vector.shape_cast %get3A_15 : vector<1x512x64xf32> to vector<512x64xf32>
    %get3A_17 = arith.constant 3 : index
    %get3A_18 = arith.constant 0 : index
    %get3A_19 = arith.constant 0 : index
    %get3A_20 = vector.load %arg2[%get3A_17, %get3A_18, %get3A_19] : memref<6x512x64xf32, #tpu.memory_space<vmem>>, vector<1x512x64xf32>
    %get3A_21 = vector.shape_cast %get3A_20 : vector<1x512x64xf32> to vector<512x64xf32>
    %get3A_22 = arith.constant 4 : index
    %get3A_23 = arith.constant 0 : index
    %get3A_24 = arith.constant 0 : index
    %get3A_25 = vector.load %arg2[%get3A_22, %get3A_23, %get3A_24] : memref<6x512x64xf32, #tpu.memory_space<vmem>>, vector<1x512x64xf32>
    %get3A_26 = vector.shape_cast %get3A_25 : vector<1x512x64xf32> to vector<512x64xf32>
    %get3A_27 = arith.constant 5 : index
    %get3A_28 = arith.constant 0 : index
    %get3A_29 = arith.constant 0 : index
    %get3A_30 = vector.load %arg2[%get3A_27, %get3A_28, %get3A_29] : memref<6x512x64xf32, #tpu.memory_space<vmem>>, vector<1x512x64xf32>
    %get3A_31 = vector.shape_cast %get3A_30 : vector<1x512x64xf32> to vector<512x64xf32>
    %concatenate3A = tpu.concatenate %get3A_1, %get3A_6, %get3A_11, %get3A_16, %get3A_21, %get3A_26, %get3A_31 in 1 : vector<512x64xf32>, vector<512x64xf32>, vector<512x64xf32>, vector<512x64xf32>, vector<512x64xf32>, vector<512x64xf32>, vector<512x64xf32> -> vector<512x448xf32>
    %get3A_32 = arith.constant 0 : index
    %get3A_33 = arith.constant 0 : index
    %get3A_34 = vector.load %arg6[%get3A_32, %get3A_33] : memref<448x256xf32, #tpu.memory_space<vmem>>, vector<448x256xf32>
    %dot_general3A = arith.constant dense<0.000000e+00> : vector<512x256xf32>
    %dot_general3A_35 = tpu.matmul %concatenate3A, %get3A_34, %dot_general3A {dimension_numbers = #tpu.dot_dimension_numbers<[1], [0], [0], [1], [0, 0, 1, 1], [], []>, precision = #tpu.contract_precision<fp32>, transpose_lhs_hint = false} : vector<512x448xf32>, vector<448x256xf32>, vector<512x256xf32> -> vector<512x256xf32>
    %get3A_36 = arith.constant 0 : index
    %get3A_37 = arith.constant 0 : index
    %get3A_38 = vector.load %arg3[%get3A_36, %get3A_37] : memref<512x50xf32, #tpu.memory_space<vmem>>, vector<512x50xf32>
    %reduce_sum3A = arith.constant dense<0.000000e+00> : vector<512xf32>
    %reduce_sum3A_39 = vector.multi_reduction <add>, %get3A_38, %reduce_sum3A [1] : vector<512x50xf32> to vector<512xf32>
    %broadcast_in_dim3A = vector.shape_cast %reduce_sum3A_39 : vector<512xf32> to vector<512x1xf32>
    %mul3A = arith.constant 2.000000e-02 : f32
    %mul3A_40 = vector.broadcast %mul3A : f32 to vector<512x1xf32>
    %mul3A_41 = arith.mulf %broadcast_in_dim3A, %mul3A_40 : vector<512x1xf32>
    %get3A_42 = arith.constant 0 : index
    %get3A_43 = arith.constant 0 : index
    %get3A_44 = vector.load %arg5[%get3A_42, %get3A_43] : memref<512x1xf32, #tpu.memory_space<vmem>>, vector<512x1xf32>
    %log1p3A = math.log1p %get3A_44 : vector<512x1xf32>
    %sub3A = arith.constant 3.000000e+00 : f32
    %sub3A_45 = vector.broadcast %sub3A : f32 to vector<512x1xf32>
    %sub3A_46 = arith.subf %log1p3A, %sub3A_45 : vector<512x1xf32>
    %get3A_47 = arith.constant 0 : index
    %get3A_48 = arith.constant 0 : index
    %get3A_49 = vector.load %arg7[%get3A_47, %get3A_48] : memref<3x256xf32, #tpu.memory_space<vmem>>, vector<1x256xf32>
    %mul3A_50 = vector.broadcast %mul3A_41 : vector<512x1xf32> to vector<512x256xf32>
    %mul3A_51 = vector.broadcast %get3A_49 : vector<1x256xf32> to vector<512x256xf32>
    %mul3A_52 = arith.mulf %mul3A_50, %mul3A_51 : vector<512x256xf32>
    %add3A = arith.addf %dot_general3A_35, %mul3A_52 : vector<512x256xf32>
    %get3A_53 = arith.constant 0 : index
    %get3A_54 = arith.constant 0 : index
    %get3A_55 = vector.load %arg4[%get3A_53, %get3A_54] : memref<512x1xf32, #tpu.memory_space<vmem>>, vector<512x1xf32>
    %get3A_56 = arith.constant 1 : index
    %get3A_57 = arith.constant 0 : index
    %get3A_58 = vector.load %arg7[%get3A_56, %get3A_57] : memref<3x256xf32, #tpu.memory_space<vmem>>, vector<1x256xf32>
    %mul3A_59 = vector.broadcast %get3A_55 : vector<512x1xf32> to vector<512x256xf32>
    %mul3A_60 = vector.broadcast %get3A_58 : vector<1x256xf32> to vector<512x256xf32>
    %mul3A_61 = arith.mulf %mul3A_59, %mul3A_60 : vector<512x256xf32>
    %add3A_62 = arith.addf %add3A, %mul3A_61 : vector<512x256xf32>
    %get3A_63 = arith.constant 2 : index
    %get3A_64 = arith.constant 0 : index
    %get3A_65 = vector.load %arg7[%get3A_63, %get3A_64] : memref<3x256xf32, #tpu.memory_space<vmem>>, vector<1x256xf32>
    %mul3A_66 = vector.broadcast %sub3A_46 : vector<512x1xf32> to vector<512x256xf32>
    %mul3A_67 = vector.broadcast %get3A_65 : vector<1x256xf32> to vector<512x256xf32>
    %mul3A_68 = arith.mulf %mul3A_66, %mul3A_67 : vector<512x256xf32>
    %add3A_69 = arith.addf %add3A_62, %mul3A_68 : vector<512x256xf32>
    %get3A_70 = arith.constant 0 : index
    %get3A_71 = arith.constant 0 : index
    %get3A_72 = vector.load %arg8[%get3A_70, %get3A_71] : memref<1x256xf32, #tpu.memory_space<vmem>>, vector<1x256xf32>
    %add3A_73 = vector.broadcast %get3A_72 : vector<1x256xf32> to vector<512x256xf32>
    %add3A_74 = arith.addf %add3A_69, %add3A_73 : vector<512x256xf32>
    %max3A = arith.constant 0.000000e+00 : f32
    %max3A_75 = vector.broadcast %max3A : f32 to vector<512x256xf32>
    %max3A_76 = arith.maximumf %add3A_74, %max3A_75 : vector<512x256xf32>
    %get3A_77 = arith.constant 0 : index
    %get3A_78 = arith.constant 0 : index
    %get3A_79 = vector.load %arg9[%get3A_77, %get3A_78] : memref<256x128xf32, #tpu.memory_space<vmem>>, vector<256x128xf32>
    %dot_general3A_80 = arith.constant dense<0.000000e+00> : vector<512x128xf32>
    %dot_general3A_81 = tpu.matmul %max3A_76, %get3A_79, %dot_general3A_80 {dimension_numbers = #tpu.dot_dimension_numbers<[1], [0], [0], [1], [0, 0, 1, 1], [], []>, precision = #tpu.contract_precision<fp32>, transpose_lhs_hint = false} : vector<512x256xf32>, vector<256x128xf32>, vector<512x128xf32> -> vector<512x128xf32>
    %get3A_82 = arith.constant 0 : index
    %get3A_83 = arith.constant 0 : index
    %get3A_84 = vector.load %arg10[%get3A_82, %get3A_83] : memref<1x128xf32, #tpu.memory_space<vmem>>, vector<1x128xf32>
    %add3A_85 = vector.broadcast %get3A_84 : vector<1x128xf32> to vector<512x128xf32>
    %add3A_86 = arith.addf %dot_general3A_81, %add3A_85 : vector<512x128xf32>
    %swap3A = arith.constant 0 : index
    %swap3A_87 = arith.constant 0 : index
    %swap3A_88 = vector.load %arg11[%swap3A, %swap3A_87] : memref<512x128xf32, #tpu.memory_space<vmem>>, vector<512x128xf32>
    tpu.vector_store %arg11[%swap3A, %swap3A_87], %add3A_86 {strides = array<i32>} : memref<512x128xf32, #tpu.memory_space<vmem>>, vector<512x128xf32>,
    return
  }
  func.func @transform_0(%arg0: i32) -> (i32, i32) {
    %c0_i32 = arith.constant 0 : i32
    %c0_i32_0 = arith.constant 0 : i32
    return %arg0, %c0_i32 : i32, i32
  }
  func.func @transform_1(%arg0: i32) -> (i32, i32, i32) {
    %c0_i32 = arith.constant 0 : i32
    %c0_i32_0 = arith.constant 0 : i32
    %c0_i32_1 = arith.constant 0 : i32
    return %c0_i32, %arg0, %c0_i32_0 : i32, i32, i32
  }
  func.func @transform_2(%arg0: i32) -> (i32, i32) {
    %c0_i32 = arith.constant 0 : i32
    %c0_i32_0 = arith.constant 0 : i32
    return %arg0, %c0_i32 : i32, i32
  }
  func.func @transform_3(%arg0: i32) -> (i32, i32) {
    %c0_i32 = arith.constant 0 : i32
    %c0_i32_0 = arith.constant 0 : i32
    return %arg0, %c0_i32 : i32, i32
  }
  func.func @transform_4(%arg0: i32) -> (i32, i32) {
    %c0_i32 = arith.constant 0 : i32
    %c0_i32_0 = arith.constant 0 : i32
    return %arg0, %c0_i32 : i32, i32
  }
  func.func @transform_5(%arg0: i32) -> (i32, i32) {
    %c0_i32 = arith.constant 0 : i32
    %c0_i32_0 = arith.constant 0 : i32
    %c0_i32_1 = arith.constant 0 : i32
    return %c0_i32, %c0_i32_0 : i32, i32
  }
  func.func @transform_6(%arg0: i32) -> (i32, i32) {
    %c0_i32 = arith.constant 0 : i32
    %c0_i32_0 = arith.constant 0 : i32
    %c0_i32_1 = arith.constant 0 : i32
    return %c0_i32, %c0_i32_0 : i32, i32
  }
  func.func @transform_7(%arg0: i32) -> (i32, i32) {
    %c0_i32 = arith.constant 0 : i32
    %c0_i32_0 = arith.constant 0 : i32
    %c0_i32_1 = arith.constant 0 : i32
    return %c0_i32, %c0_i32_0 : i32, i32
  }
  func.func @transform_8(%arg0: i32) -> (i32, i32) {
    %c0_i32 = arith.constant 0 : i32
    %c0_i32_0 = arith.constant 0 : i32
    %c0_i32_1 = arith.constant 0 : i32
    return %c0_i32, %c0_i32_0 : i32, i32
  }
  func.func @transform_9(%arg0: i32) -> (i32, i32) {
    %c0_i32 = arith.constant 0 : i32
    %c0_i32_0 = arith.constant 0 : i32
    %c0_i32_1 = arith.constant 0 : i32
    return %c0_i32, %c0_i32_0 : i32, i32
  }
  func.func @transform_10(%arg0: i32) -> (i32, i32) {
    %c0_i32 = arith.constant 0 : i32
    %c0_i32_0 = arith.constant 0 : i32
    return %arg0, %c0_i32 : i32, i32
  }
}

</mosaic_0001>

<sc_bundles>
// kernel: kernel.11.cloned.1.call-start
scs
__scs_entry_jumppad:
0x0: {  	(pc) =	sbr.rel $0x88, $3  }
0x1: {  	(tag) =	ssettag $0x0;
	lr =	simm.s32 $0x1  }
0x2: {  	[smem:$0x3F8F] =	sst lr;
	_ =	strace $0xD0000000  }
0x3: {  	_ = 	snop  }
0x4: {  	_ = 	snop  }
0x5: {  	_ = 	snop  }
0x6: {  	_ = 	snop  }
0x7: {  	_ = 	snop  }
__scs_overlays_trampoline_lowered:
0x8: {  	[smem:$0x3F9E] =	sst s0  }
0x9: {  	[smem:$0x3F9F] =	sst s1  }
0xa: {  	[smem:$0x3FA0] =	sst s2  }
0xb: {  	[smem:$0x3FA1] =	sst s3  }
0xc: {  	[smem:$0x3FA2] =	sst s4  }
0xd: {  	[smem:$0x3FA3] =	sst s5  }
0xe: {  	[smem:$0x3FA4] =	sst s6  }
0xf: {  	[smem:$0x3FA5] =	sst s7  }
0x10: {  	[smem:$0x3FA6] =	sst s8  }
0x11: {  	[smem:$0x3FA7] =	sst s9;
	s0 =	simm.s32 @!p0 $0x0  }
0x12: {  	s1 =	sld [smem:$0x3F8D];
	s0 =	simm.s32 @p0 $0x1  }
0x13: {  	[smem:$0x3FA8] =	sst s0;
	s0 =	simm.s32 @!p1 $0x0  }
0x14: {  	s2 =	sld [smem:$0x3F8C];
	s0 =	simm.s32 @p1 $0x1  }
0x15: {  	[smem:$0x3FA9] =	sst s0;
	s0 =	simm.s32 @!p2 $0x0  }
0x16: {  	s3 =	sld [smem:$0x3FDB];
	s0 =	simm.s32 @p2 $0x1  }
0x17: {  	s4 =	simm.s32 $0x1BF5;
	[smem:$0x3FAB] =	sst s0  }
0x18: {  	s0 =	sld [smem:$0x3F8E];
	_ =	swait.ge [sflag:s4], $0x0  }
0x19: {  	s7 =	sld [smem:$0x3F8F]  }
0x1a: {  	s8 =	sadd.s32 $0xFFFFE003, lr  }
0x1b: {  	s9 =	sadd.s32 $0xFFFFFEF7, lr;
	s5 =	simm.s32 $0xFFFFFFFF;
	p2 =	slt.u32 s8, $0xFFFFF086  }
0x1c: {  	p1 =	slt.u32 s9, $0xF7A;
	s5 =	simm.s32 @!p2 $0x0  }
0x1d: {  	s5 =	simm.s32 @p1 $0x1;
	p0 =	seq.s32 s7, s2  }
0x1e: {  	s7 =	smul.u32 @!p0 $0xF7A, s2;
	p2 =	seq.s32 @!p0 s5, $0x0  }
0x1f: {  	s9 =	smul.u32 $0xF7A, s1;
	s8 =	simm.s32 @!p0 $0x1BF5;
	p2 =	por !p2, p0  }
0x20: {  	[sflag:s8] =	ssyncset.s32 @!p0 $0xFFFFF086;
	s6 =	sadd.s32 @!p0 s3, s7;
	s7 =	simm.s32 @!p0 $0x108  }
0x21: {  	s3 =	sadd.s32 s3, s9;
	s6 =	sadd.s32 @!p0 $0x88, s6;
	s7 =	simm.s32 @p2 $0x1082  }
0x22: {  	[simem:s7], [sflag:s8] =	dma.local @!p0 [hbm:s6], $0xF7A  }
0x23: {  	s9 =	sor.u32 $0xD0000000, s2;
	s6 =	simm.s32 $0x108;
	_ =	swait.ge @!p0 [sflag:s8], $0x0  }
0x24: {  	s3 =	sadd.s32 $0x88, s3;
	s6 =	simm.s32 @!p1 $0x1082;
	[sflag:s4] =	ssyncset.s32 $0xFFFFF086  }
0x25: {  	[simem:s6], [sflag:s4] =	dma.local [hbm:s3], $0xF7A  }
0x26: {  	[smem:$0x3F8F] =	sst s1;
	(tag) =	ssettag s2;
	_ =	strace s9  }
0x27: {  	s1 =	sld [smem:$0x3F9F]  }
0x28: {  	s2 =	sld [smem:$0x3FA0]  }
0x29: {  	s4 =	sld [smem:$0x3FA2]  }
0x2a: {  	p0 =	seq.s32 s5, $0x0;
	s5 =	sld [smem:$0x3FA3]  }
0x2b: {  	s6 =	sld [smem:$0x3FA4]  }
0x2c: {  	s7 =	sld [smem:$0x3FA5]  }
0x2d: {  	s3 =	simm.s32 $0x108;
	s8 =	sld [smem:$0x3FA6]  }
0x2e: {  	s3 =	simm.s32 @!p0 $0x1082;
	s9 =	sld [smem:$0x3FA7]  }
0x2f: {  	lr =	sadd.s32 s0, s3;
	s0 =	sld [smem:$0x3F9E]  }
0x30: {  	s3 =	sld [smem:$0x3FA1]  }
0x31: {  	[smem:$0x3FAA] =	sst s10  }
0x32: {  	s10 =	sld [smem:$0x3FA8];
	_ =	sdelay $0x3  }
0x33: {  	p0 =	seq.s32 s10, $0x1;
	s10 =	sld [smem:$0x3FAA];
	_ =	sdelay $0x3  }
0x34: {  	[smem:$0x3FAA] =	sst s10  }
0x35: {  	s10 =	sld [smem:$0x3FA9];
	_ =	sdelay $0x3  }
0x36: {  	p1 =	seq.s32 s10, $0x1;
	s10 =	sld [smem:$0x3FAA];
	_ =	sdelay $0x3  }
0x37: {  	[smem:$0x3FAA] =	sst s10  }
0x38: {  	s10 =	sld [smem:$0x3FAB]  }
0x39: {  	_ = 	snop;
	(pc) =	sbr.ind lr, $3  }
0x3a: {  	_ = 	snop  }
0x3b: {  	_ = 	snop  }
0x3c: {  	p2 =	seq.s32 s10, $0x1;
	s10 =	sld [smem:$0x3FAA]  }
0x3d: {  	_ =	shalt  }
0x3e: {  	_ =	shalt  }
0x3f: {  	_ =	shalt  }
0x40: {  	_ =	shalt  }
0x41: {  	_ =	shalt  }
0x42: {  	_ =	shalt  }
0x43: {  	_ =	shalt  }
0x44: {  	_ =	shalt  }
0x45: {  	_ =	shalt  }
0x46: {  	_ =	shalt  }
0x47: {  	_ =	shalt  }
0x48: {  	_ =	shalt  }
0x49: {  	_ =	shalt  }
0x4a: {  	_ =	shalt  }
0x4b: {  	_ =	shalt  }
0x4c: {  	_ =	shalt  }
0x4d: {  	_ =	shalt  }
0x4e: {  	_ =	shalt  }
0x4f: {  	_ =	shalt  }
0x50: {  	_ =	shalt  }
0x51: {  	_ =	shalt  }
0x52: {  	_ =	shalt  }
0x53: {  	_ =	shalt  }
0x54: {  	_ =	shalt  }
0x55: {  	_ =	shalt  }
0x56: {  	_ =	shalt  }
0x57: {  	_ =	shalt  }
0x58: {  	_ =	shalt  }
0x59: {  	_ =	shalt  }
0x5a: {  	_ =	shalt  }
0x5b: {  	_ =	shalt  }
0x5c: {  	_ =	shalt  }
0x5d: {  	_ =	shalt  }
0x5e: {  	_ =	shalt  }
0x5f: {  	_ =	shalt  }
0x60: {  	_ =	shalt  }
0x61: {  	_ =	shalt  }
0x62: {  	_ =	shalt  }
0x63: {  	_ =	shalt  }
0x64: {  	_ =	shalt  }
0x65: {  	_ =	shalt  }
0x66: {  	_ =	shalt  }
0x67: {  	_ =	shalt  }
0x68: {  	_ =	shalt  }
0x69: {  	_ =	shalt  }
0x6a: {  	_ =	shalt  }
0x6b: {  	_ =	shalt  }
0x6c: {  	_ =	shalt  }
0x6d: {  	_ =	shalt  }
0x6e: {  	_ =	shalt  }
0x6f: {  	_ =	shalt  }
0x70: {  	_ =	shalt  }
0x71: {  	_ =	shalt  }
0x72: {  	_ =	shalt  }
0x73: {  	_ =	shalt  }
0x74: {  	_ =	shalt  }
0x75: {  	_ =	shalt  }
0x76: {  	_ =	shalt  }
0x77: {  	_ =	shalt  }
0x78: {  	_ =	shalt  }
0x79: {  	_ =	shalt  }
0x7a: {  	_ =	shalt  }
0x7b: {  	_ =	shalt  }
0x7c: {  	_ =	shalt  }
0x7d: {  	_ =	shalt  }
0x7e: {  	_ =	shalt  }
0x7f: {  	_ =	shalt  }
0x80: {  	_ =	shalt  }
0x81: {  	_ =	shalt  }
0x82: {  	_ =	shalt  }
0x83: {  	_ =	shalt  }
0x84: {  	_ =	shalt  }
0x85: {  	_ =	shalt  }
0x86: {  	_ =	shalt  }
0x87: {  	_ =	shalt  }
.Lfunc_end0:
.L_simem_size_0:
called_computation.1_lowered:
.L_overlay_start_0:
0x88: {  	s2 =	sld [smem:$0x3FD9]  }
0x89: {  	s3 =	sld [smem:$0x3FFE];
	_ =	sdelay $0x1  }
0x8a: {  	s1 =	srdreg.scid  }
0x8b: {  	s0 =	sand.u32 $0x1, s1  }
0x8c: {  	s16 =	sshll.u32 s0, $0xA;
	s2 =	sadd.s32 s3, s2  }
0x8d: {  	s2 =	sadd.s32 s2, s16  }
0x8e: {  	[smem:$0x3FB6] =	sst s2  }
0x8f: {  	_ = 	snop  }
0x90: {  	(tm) =	ssettm $0x1  }
0x91: {  	s17 =	sld [smem:$0x3FFB];
	_ =	sdelay $0x3  }
0x92: {  	_ =	strace s17  }
0x93: {  	s2 =	sld [smem:$0x3FFC];
	_ =	sdelay $0x3  }
0x94: {  	_ =	strace s2  }
0x95: {  	s2 =	sld [smem:$0x3FFD];
	_ =	sdelay $0x3  }
0x96: {  	_ =	strace s2  }
0x97: {  	_ =	strace $0x8FFFFFFF  }
0x98: {  	s18 =	sld [smem:$0x3FDB];
	_ =	sdelay $0x1  }
0x99: {  	s19 =	simm.s32 $_scs_section_size  }
0x9a: {  	s4 =	simm.s32 $_size__tile_overlayer_lowered;
	s5 =	simm.s32 $_tile_overlayer_lowered  }
0x9b: {  	s22 =	simm.s32 $0x1BFF;
	s21 =	sshll.u32 s5, $0x1;
	s2 =	sadd.s32 s19, s18  }
0x9c: {  	s6 =	simm.s32 $0x0;
	s20 =	sshll.u32 s4, $0x1;
	s4 =	sadd.s32 s21, s2  }
0x9d: {  	[timem:s6], [sflag:s22] =	dma.local [hbm:s4], s20  }
0x9e: {  	_ =	swait.ge [sflag:s22], s20  }
0x9f: {  	s3 =	ssub.s32 $0x0, s20;
	[sflag:s22] =	ssyncset.done $0x0  }
0xa0: {  	[sflag:s22] =	ssyncadd.s32 s3;
	_ =	sdelay $0x1  }
0xa1: {  	s23 =	simm.s32 $0x1B8B  }
0xa2: {  	_ =	swait.ge [sflag:s23], $0x1  }
0xa3: {  	[sflag:s23] =	ssyncset.done $0x0  }
0xa4: {  	s25 =	simm.s32 $0x1B8E;
	s24 =	sld [smem:$0x3FFE];
	[sflag:s23] =	ssyncadd.s32 $0xFFFFFFFF  }
0xa5: {  	s26 =	simm.s32 $execute0_lowered;
	[smem:$0x3FD2] =	sst s25  }
0xa6: {  	s4 =	sshll.u32 s26, $0x1;
	_ =	strace $0x80000049;
	[dreg:$0x1] =	wrdreg $0xFFFFFFFF  }
0xa7: {  	s28 =	simm.s32 $_size_execute0_lowered;
	s2 =	sadd.s32 s2, s4;
	[dreg:$0x0] =	wrdreg $0x0  }
0xa8: {  	s4 =	sshll.u32 s28, $0x1;
	[dreg:$0x2] =	wrdreg s2  }
0xa9: {  	[dreg:$0x3] =	wrdreg s4  }
0xaa: {  	[dreg:$0x4] =	wrdreg $0xC0  }
0xab: {  	_ =	task [dreg:s6], $0x5FFFF  }
0xac: {  	[dreg:$0x1] =	wrdreg $0xFFFFFFFF  }
0xad: {  	[dreg:$0x0] =	wrdreg $0x60  }
0xae: {  	[dreg:$0x2] =	wrdreg s24  }
0xaf: {  	[dreg:$0x3] =	wrdreg $0x9  }
0xb0: {  	_ =	task.clear_ibuf [dreg:s6], $0x4FFFF;
	_ =	strace $0x90000049  }
0xb1: {  	s29 =	simm.s32 $0x9;
	_ =	strace $0x8000004B  }
0xb2: {  	_ =	swait.ge [sflag:s29], $0x1  }
0xb3: {  	[sflag:s29] =	ssyncadd.s32 $0xFFFFFFFF  }
0xb4: {  	_ =	strace $0x9000004B  }
0xb5: {  	_ =	sfence  }
0xb6: {  	s30 =	sld [smem:$0x0];
	_ =	sdelay $0x2  }
0xb7: {  	s31 =	sshll.u32 s1, $0xD;
	s1 =	sshrl.u32 s1, $0x2  }
0xb8: {  	s3 =	sand.u32 $0x4000, s31;
	s1 =	sadd.s32 s1, s30  }
0xb9: {  	s0 =	sor.u32 s3, s0;
	s1 =	sshll.u32 s1, $0x11  }
0xba: {  	s0 =	sor.u32 s1, s0  }
0xbb: {  	s0 =	sadd.s32 $0x8F2B, s0  }
0xbc: {  	[sflag:s0] =	ssyncadd.remote.s32 $0x1  }
0xbd: {  	_ =	sfence.sel $0xFFFF  }
0xbe: {  	[dreg:$0x0] =	wrdreg $0xFFFFFFFF;
	(pc) =	sbr.abs _section_cstart, $3  }
0xbf: {  	[dreg:$0x1] =	wrdreg $0xFFFFFFFF  }
0xc0: {  	_ =	task.clear_ibuf [dreg:s6], $0x2FFFF;
	_ =	strace $0x9FFFFFFF  }
0xc1: {  	(tm) =	ssettm $0x7FFFFFFF  }
tec
execute0_lowered:
.L_overlay_start_1:
0x0: {  	(tag) =	ssettag $0x1  }
0x1: {  	s0 =	srdreg.scid  }
0x2: {  	s2 =	stileid.u32;
	s1 =	rddreg [dreg:$0x0]  }
0x3: {  	s19 =	simm.s32 $0x3;
	s20 =	simm.s32 $0x80;
	s21 =	simm.s32 $0x100  }
0x4: {  	s22 =	simm.s32 $0x1000;
	s28 =	simm.s32 $0x6C80;
	s29 =	simm.s32 $0x8C80  }
0x5: {  	s30 =	simm.s32 $0xAC80;
	s31 =	simm.s32 $0xCC80;
	s23 =	simm.s32 $0x2  }
0x6: {  	s24 =	simm.s32 $0x0;
	s0 =	sand.u32 $0x1, s0;
	s3 =	sshll.u32 s2, $0x8  }
0x7: {  	s2 =	simm.s32 $0x0;
	s5 =	sadd.s32 $0xF45000, s1;
	s4 =	sshll.u32 s0, $0x7  }
0x8: {  	[smem:$0x7FF] =	sst s2;
	s0 =	ssub.s32 $0x2, s0;
	s6 =	sor.u32 s4, s3  }
0x9: {  	_ =	strace $0x8000004A;
	s26 =	sshrl.u32 s0, $0x1;
	s3 =	sshrl.u32 s6, $0x3  }
0xa: {  	s4 =	sadd.s32 $0x10CBA00, s1;
	s0 =	ssub.s32 s0, s26;
	s11 =	sadd.s32 s3, s1  }
0xb: {  	s26 =	simm.s32 $0x4C80;
	s3 =	sadd.s32 $0x2C00, s1;
	s7 =	sadd.s32 $0x1265000, s11  }
0xc: {  	s6 =	sshll.u32 s6, $0x3;
	s25 =	sadd.s32 $0x1265400, s11;
	s8 =	sadd.s32 $0x1265200, s11  }
0xd: {  	s1 =	sadd.s32 s6, s1;
	s9 =	sadd.s32 $0x125EC00, s11;
	s10 =	sadd.s32 $0x1258800, s11  }
0xe: {  	s18 =	smax.u32 s0, $0x1;
	s11 =	sadd.s32 $0x1252400, s11;
	s12 =	sadd.s32 $0x1285600, s1  }
0xf: {  	s0 =	simm.s32 $0x1;
	s13 =	sadd.s32 $0x128D600, s1;
	s14 =	sadd.s32 $0x1295600, s1  }
0x10: {  	s15 =	sadd.s32 $0x126D600, s1;
	s16 =	sadd.s32 $0x1275600, s1;
	[dreg:$0x2] =	wrdreg s7  }
0x11: {  	v0 =	vimm.f32 $0.0e+00;
	s17 =	sadd.s32 $0x127D600, s1;
	s1 =	simm.s32 $0xEC80;
	[dreg:$0x3] =	wrdreg s25  }
.LBB2_1:
0x12: {  	s6 =	rddreg [dreg:$0x2]  }
0x13: {  	[tilespmem:s2], [sflag:$0x3] =	stream.linear.gather [hbm4b:s6+s2], $0x80, $0x38;
	[tilespmem:$0x10C80] =	vst v63  }
0x14: {  	_ =	swait.ge [sflag:s19], $0x80  }
0x15: {  	[sflag:s19] =	ssyncset.done $0x0  }
0x16: {  	s7 =	rddreg [dreg:$0x3];
	[sflag:s19] =	ssyncadd.s32 $0xFFFFFF80  }
0x17: {  	[tilespmem:s20], [sflag:$0x3] =	stream.linear.gather [hbm4b:s7+s2], $0x80, $0x38;
	[tilespmem:$0x10C80] =	vst v63  }
0x18: {  	_ =	swait.ge [sflag:s19], $0x80  }
0x19: {  	[sflag:s19] =	ssyncset.done $0x0  }
0x1a: {  	[sflag:s19] =	ssyncadd.s32 $0xFFFFFF80  }
0x1b: {  	[tilespmem:s21], [sflag:$0x3] =	stream.linear.gather [hbm4b:s8+s2], $0x80, $0x38;
	[tilespmem:$0x10C80] =	vst v63  }
0x1c: {  	_ =	swait.ge [sflag:s19], $0x80  }
0x1d: {  	[sflag:s19] =	ssyncset.done $0x0  }
0x1e: {  	s25 =	simm.s32 $0x180;
	[sflag:s19] =	ssyncadd.s32 $0xFFFFFF80  }
0x1f: {  	[tilespmem:s25], [sflag:$0x3] =	stream.strided.gather [hbm4b:s9+s20], $0x1900, s22, s20, $0x38;
	[tilespmem:$0x10C80] =	vst v63  }
0x20: {  	_ =	swait.ge [sflag:s19], $0x1900  }
0x21: {  	[sflag:s19] =	ssyncset.done $0x0  }
0x22: {  	s7 =	simm.s32 $0x1A80;
	[sflag:s19] =	ssyncadd.s32 $0xFFFFE700  }
0x23: {  	[tilespmem:s7], [sflag:$0x3] =	stream.strided.gather [hbm4b:s10+s20], $0x1900, s22, s20, $0x38;
	[tilespmem:$0x10C80] =	vst v63  }
0x24: {  	_ =	swait.ge [sflag:s19], $0x1900  }
0x25: {  	[sflag:s19] =	ssyncset.done $0x0  }
0x26: {  	s25 =	simm.s32 $0x3380;
	[sflag:s19] =	ssyncadd.s32 $0xFFFFE700  }
0x27: {  	[tilespmem:s25], [sflag:$0x3] =	stream.strided.gather [hbm4b:s11+s20], $0x1900, s22, s20, $0x38;
	[tilespmem:$0x10C80] =	vst v63  }
0x28: {  	_ =	swait.ge [sflag:s19], $0x1900  }
0x29: {  	[sflag:s19] =	ssyncset.done $0x0  }
0x2a: {  	s6 =	simm.s32 $0x0;
	s25 =	simm.s32 $0x100;
	[sflag:s19] =	ssyncadd.s32 $0xFFFFE700  }
.LBB2_2:
0x2b: {  	p0 =	sne.s32 s25, $0x7F00;
	[tilespmem:s6+$0xECB0] =	vst v0  }
0x2c: {  	[tilespmem:s6+$0xAC80] =	vst v0  }
0x2d: {  	[tilespmem:s6+$0xAC90] =	vst v0  }
0x2e: {  	[tilespmem:s6+$0xACA0] =	vst v0  }
0x2f: {  	[tilespmem:s6+$0xACB0] =	vst v0  }
0x30: {  	[tilespmem:s6+$0xCC80] =	vst v0  }
0x31: {  	[tilespmem:s6+$0xCC90] =	vst v0  }
.Ltmp0:
0x32: {  	[tilespmem:s6+$0xCCA0] =	vst v0;
	(pc) =	sbr.rel @p0 .LBB2_2-.Ltmp0, $4  }
0x33: {  	[tilespmem:s6+$0xCCB0] =	vst v0  }
0x34: {  	[tilespmem:s6+$0xEC80] =	vst v0  }
0x35: {  	[tilespmem:s6+$0xEC90] =	vst v0  }
0x36: {  	[tilespmem:s6+$0xECA0] =	vst v0;
	s6 =	sshra.s32 s25, $0x2;
	s25 =	sadd.s32 $0x100, s25  }
0x37: {  	[tilespmem:s6+$0xECB0] =	vst v0  }
0x38: {  	[tilespmem:s6+$0xAC80] =	vst v0  }
0x39: {  	[tilespmem:s6+$0xAC90] =	vst v0  }
0x3a: {  	[tilespmem:s6+$0xACA0] =	vst v0  }
0x3b: {  	[tilespmem:s6+$0xACB0] =	vst v0  }
0x3c: {  	[tilespmem:s6+$0xCC80] =	vst v0  }
0x3d: {  	[tilespmem:s6+$0xCC90] =	vst v0  }
0x3e: {  	[tilespmem:s6+$0xCCA0] =	vst v0  }
0x3f: {  	[tilespmem:s6+$0xCCB0] =	vst v0  }
0x40: {  	[tilespmem:s6+$0xEC80] =	vst v0  }
0x41: {  	[tilespmem:s6+$0xEC90] =	vst v0  }
0x42: {  	[tilespmem:s6+$0xECA0] =	vst v0;
	s25 =	simm.s32 $0x0  }
0x43: {  	[tilespmem:s26], [sflag:$0x1] =	stream.indirect.gather [hbm4b:s3+s20], $0x40, s25, s20, $0xb8;
	[tilespmem:$0x10C80] =	vst v63  }
0x44: {  	_ = 	snop  }
0x45: {  	[tilespmem:s28], [sflag:$0x1] =	stream.indirect.gather [hbm4b:s4+s20], $0x40, s20, s20, $0xb8;
	[tilespmem:$0x10C80] =	vst v63  }
0x46: {  	_ = 	snop  }
0x47: {  	[tilespmem:s29], [sflag:$0x1] =	stream.indirect.gather [hbm4b:s5+s20], $0x40, s21, s20, $0xb8;
	[tilespmem:$0x10C80] =	vst v63  }
0x48: {  	s7 =	simm.s32 $0x180  }
0x49: {  	[tilespmem:s30], [sflag:$0x2] =	stream.indirect.gather.add.f32 [hbm:s3], $0x40, s7, s20, $0xb8;
	[tilespmem:$0x10C80] =	vst v63  }
0x4a: {  	s25 =	simm.s32 $0x1A80  }
0x4b: {  	[tilespmem:s31], [sflag:$0x2] =	stream.indirect.gather.add.f32 [hbm:s4], $0x40, s25, s20, $0xb8;
	[tilespmem:$0x10C80] =	vst v63  }
0x4c: {  	s6 =	simm.s32 $0x0;
	s25 =	simm.s32 $0x200  }
.LBB2_4:
0x4d: {  	s7 =	sadd.s32 $0x3380, s6;
	s6 =	sshra.s32 s25, $0x2;
	p0 =	sne.s32 s25, $0x6200  }
0x4e: {  	[tilespmem:s1], [sflag:$0x2] =	stream.indirect.gather.add.f32 [hbm:s5], $0x40, s7, s20, $0xb8;
	[tilespmem:$0x10C80] =	vst v63  }
.Ltmp1:
0x4f: {  	_ = 	snop;
	(pc) =	sbr.rel @p0 .LBB2_4-.Ltmp1, $4  }
0x50: {  	s25 =	sadd.s32 $0x200, s25;
	s7 =	sadd.s32 $0x180, s6  }
0x51: {  	[tilespmem:s30], [sflag:$0x2] =	stream.indirect.gather.add.f32 [hbm:s3], $0x40, s7, s20, $0xb8;
	[tilespmem:$0x10C80] =	vst v63  }
0x52: {  	s7 =	sadd.s32 $0x1A80, s6  }
0x53: {  	[tilespmem:s31], [sflag:$0x2] =	stream.indirect.gather.add.f32 [hbm:s4], $0x40, s7, s20, $0xb8;
	[tilespmem:$0x10C80] =	vst v63  }
0x54: {  	s6 =	sadd.s32 $0x3380, s6  }
0x55: {  	[tilespmem:s1], [sflag:$0x2] =	stream.indirect.gather.add.f32 [hbm:s5], $0x40, s6, s20, $0xb8;
	[tilespmem:$0x10C80] =	vst v63  }
0x56: {  	_ =	swait.ge [sflag:s0], $0x2000  }
0x57: {  	[sflag:s0] =	ssyncset.done $0x0  }
0x58: {  	[sflag:s0] =	ssyncadd.s32 $0xFFFFE000  }
0x59: {  	_ =	swait.ge [sflag:s0], $0x2000  }
0x5a: {  	[sflag:s0] =	ssyncset.done $0x0  }
0x5b: {  	[sflag:s0] =	ssyncadd.s32 $0xFFFFE000  }
0x5c: {  	_ =	swait.ge [sflag:s0], $0x2000  }
0x5d: {  	[sflag:s0] =	ssyncset.done $0x0  }
0x5e: {  	[sflag:s0] =	ssyncadd.s32 $0xFFFFE000  }
0x5f: {  	[hbm4b:s12+s2] =	stream.linear.scatter [tilespmem:s26], [sflag:$0x3], $0x2000, $0x38;
	[tilespmem:$0x10C80] =	vst v63  }
0x60: {  	_ =	swait.ge [sflag:s19], $0x2000  }
0x61: {  	[sflag:s19] =	ssyncset.done $0x0  }
0x62: {  	[sflag:s19] =	ssyncadd.s32 $0xFFFFE000  }
0x63: {  	[hbm4b:s13+s2] =	stream.linear.scatter [tilespmem:s28], [sflag:$0x3], $0x2000, $0x38;
	[tilespmem:$0x10C80] =	vst v63  }
0x64: {  	_ =	swait.ge [sflag:s19], $0x2000  }
0x65: {  	[sflag:s19] =	ssyncset.done $0x0  }
0x66: {  	[sflag:s19] =	ssyncadd.s32 $0xFFFFE000  }
0x67: {  	[hbm4b:s14+s2] =	stream.linear.scatter [tilespmem:s29], [sflag:$0x3], $0x2000, $0x38;
	[tilespmem:$0x10C80] =	vst v63  }
0x68: {  	_ =	swait.ge [sflag:s19], $0x2000  }
0x69: {  	[sflag:s19] =	ssyncset.done $0x0  }
0x6a: {  	[sflag:s19] =	ssyncadd.s32 $0xFFFFE000  }
0x6b: {  	_ =	swait.ge [sflag:s23], $0x2000  }
0x6c: {  	[sflag:s23] =	ssyncset.done $0x0  }
0x6d: {  	[sflag:s23] =	ssyncadd.s32 $0xFFFFE000  }
0x6e: {  	_ =	swait.ge [sflag:s23], $0x2000  }
0x6f: {  	[sflag:s23] =	ssyncset.done $0x0  }
0x70: {  	[sflag:s23] =	ssyncadd.s32 $0xFFFFE000  }
0x71: {  	_ =	swait.ge [sflag:s23], $0x2000  }
0x72: {  	s6 =	simm.s32 $0x31;
	[sflag:s23] =	ssyncset.done $0x0  }
.LBB2_6:
0x73: {  	p0 =	sne.s32 s6, $0x1;
	s6 =	sadd.s32 $0xFFFFFFFF, s6;
	[sflag:s23] =	ssyncadd.s32 $0xFFFFE000  }
0x74: {  	_ =	swait.ge [sflag:s23], $0x2000  }
0x75: {  	[sflag:s23] =	ssyncset.done $0x0  }
0x76: {  	[sflag:s23] =	ssyncadd.s32 $0xFFFFE000  }
.Ltmp2:
0x77: {  	_ =	swait.ge [sflag:s23], $0x2000;
	(pc) =	sbr.rel @p0 .LBB2_6-.Ltmp2, $4  }
0x78: {  	[sflag:s23] =	ssyncset.done $0x0  }
0x79: {  	[sflag:s23] =	ssyncadd.s32 $0xFFFFE000  }
0x7a: {  	_ =	swait.ge [sflag:s23], $0x2000  }
0x7b: {  	[sflag:s23] =	ssyncset.done $0x0  }
0x7c: {  	[sflag:s23] =	ssyncadd.s32 $0xFFFFE000;
	s25 =	simm.s32 $0x0  }
0x7d: {  	v2 =	vld [tilespmem:s25+$0xAC90]  }
0x7e: {  	v1 =	vld [tilespmem:s25+$0xAC80]  }
0x7f: {  	v4 =	vld [tilespmem:s25+$0xACB0]  }
0x80: {  	v3 =	vld [tilespmem:s25+$0xACA0]  }
0x81: {  	v5 =	vld [tilespmem:s25+$0xCC80]  }
0x82: {  	v8 =	vld [tilespmem:s25+$0xCC90];
	v7 =	vmul.f32 $1.999999960e-02, v2  }
0x83: {  	v6 =	vmul.f32 $1.999999960e-02, v1;
	v1 =	vld [tilespmem:s25+$0xCCA0]  }
0x84: {  	v2 =	vld [tilespmem:s25+$0xCCB0];
	[tilespmem:s25+$0xAC90] =	vst v7;
	v7 =	vmul.f32 $1.999999960e-02, v4  }
0x85: {  	[tilespmem:s25+$0xAC80] =	vst v6;
	v6 =	vmul.f32 $1.999999960e-02, v3;
	v3 =	vld [tilespmem:s25+$0xEC80]  }
0x86: {  	v4 =	vld [tilespmem:s25+$0xEC90];
	[tilespmem:s25+$0xACB0] =	vst v7;
	v7 =	vmul.f32 $1.999999960e-02, v5  }
0x87: {  	s6 =	simm.s32 $0x100;
	[tilespmem:s25+$0xACA0] =	vst v6;
	v6 =	vmul.f32 $1.999999960e-02, v8;
	v5 =	vld [tilespmem:s25+$0xECA0]  }
.LBB2_8:
0x88: {  	s7 =	sshra.s32 s6, $0x2;
	p0 =	sne.s32 s6, $0x7F00;
	[tilespmem:s25+$0xCC80] =	vst v7;
	v1 =	vmul.f32 $1.999999960e-02, v1;
	v7 =	vld [tilespmem:s25+$0xECB0]  }
0x89: {  	v8 =	vld [tilespmem:s7+$0xAC80];
	[tilespmem:s25+$0xCC90] =	vst v6;
	v2 =	vmul.f32 $1.999999960e-02, v2  }
0x8a: {  	v6 =	vld [tilespmem:s7+$0xAC90];
	[tilespmem:s25+$0xCCA0] =	vst v1;
	v1 =	vmul.f32 $1.999999960e-02, v3  }
0x8b: {  	v3 =	vld [tilespmem:s7+$0xACA0];
	[tilespmem:s25+$0xCCB0] =	vst v2;
	v2 =	vmul.f32 $1.999999960e-02, v4  }
0x8c: {  	v4 =	vld [tilespmem:s7+$0xACB0];
	[tilespmem:s25+$0xEC80] =	vst v1;
	v1 =	vmul.f32 $1.999999960e-02, v5  }
0x8d: {  	v5 =	vld [tilespmem:s7+$0xCC80];
	[tilespmem:s25+$0xEC90] =	vst v2;
	v2 =	vmul.f32 $1.999999960e-02, v7  }
0x8e: {  	v7 =	vmul.f32 $1.999999960e-02, v8;
	v8 =	vld [tilespmem:s7+$0xCC90];
	[tilespmem:s25+$0xECA0] =	vst v1  }
.Ltmp3:
0x8f: {  	v6 =	vmul.f32 $1.999999960e-02, v6;
	v1 =	vld [tilespmem:s7+$0xCCA0];
	[tilespmem:s25+$0xECB0] =	vst v2;
	s25 =	smov.u32 s7;
	(pc) =	sbr.rel @p0 .LBB2_8-.Ltmp3, $4  }
0x90: {  	[tilespmem:s25+$0xAC80] =	vst v7;
	v7 =	vmul.f32 $1.999999960e-02, v3;
	v2 =	vld [tilespmem:s25+$0xCCB0]  }
0x91: {  	[tilespmem:s25+$0xAC90] =	vst v6;
	v6 =	vmul.f32 $1.999999960e-02, v4;
	v3 =	vld [tilespmem:s25+$0xEC80]  }
0x92: {  	[tilespmem:s25+$0xACA0] =	vst v7;
	v7 =	vmul.f32 $1.999999960e-02, v5;
	v4 =	vld [tilespmem:s25+$0xEC90]  }
0x93: {  	s6 =	sadd.s32 $0x100, s6;
	[tilespmem:s25+$0xACB0] =	vst v6;
	v6 =	vmul.f32 $1.999999960e-02, v8;
	v5 =	vld [tilespmem:s25+$0xECA0]  }
0x94: {  	[tilespmem:s25+$0xCC80] =	vst v7;
	v1 =	vmul.f32 $1.999999960e-02, v1;
	v63 =	vld [tilespmem:s25+$0xECB0]  }
0x95: {  	[tilespmem:s25+$0xCC90] =	vst v6;
	v2 =	vmul.f32 $1.999999960e-02, v2  }
0x96: {  	[tilespmem:s25+$0xCCA0] =	vst v1;
	v1 =	vmul.f32 $1.999999960e-02, v3  }
0x97: {  	[tilespmem:s25+$0xCCB0] =	vst v2;
	v2 =	vmul.f32 $1.999999960e-02, v4  }
0x98: {  	[tilespmem:s25+$0xEC80] =	vst v1;
	v1 =	vmul.f32 $1.999999960e-02, v5  }
0x99: {  	[tilespmem:s25+$0xEC90] =	vst v2;
	v2 =	vmul.f32 $1.999999960e-02, v63  }
0x9a: {  	[tilespmem:s25+$0xECA0] =	vst v1  }
0x9b: {  	[tilespmem:s25+$0xECB0] =	vst v2  }
0x9c: {  	[hbm4b:s15+s2] =	stream.linear.scatter [tilespmem:s30], [sflag:$0x3], $0x2000, $0x38;
	[tilespmem:$0x10C80] =	vst v63  }
0x9d: {  	_ =	swait.ge [sflag:s19], $0x2000  }
0x9e: {  	[sflag:s19] =	ssyncset.done $0x0  }
0x9f: {  	[sflag:s19] =	ssyncadd.s32 $0xFFFFE000  }
0xa0: {  	[hbm4b:s16+s2] =	stream.linear.scatter [tilespmem:s31], [sflag:$0x3], $0x2000, $0x38;
	[tilespmem:$0x10C80] =	vst v63  }
0xa1: {  	s24 =	sadd.s32 $0x1, s24;
	_ =	swait.ge [sflag:s19], $0x2000  }
0xa2: {  	p0 =	sne.s32 s24, s18;
	[sflag:s19] =	ssyncset.done $0x0  }
.Ltmp4:
0xa3: {  	[sflag:s19] =	ssyncadd.s32 $0xFFFFE000;
	(pc) =	sbr.rel @p0 .LBB2_1-.Ltmp4, $4  }
0xa4: {  	[hbm4b:s17+s2] =	stream.linear.scatter [tilespmem:s1], [sflag:$0x3], $0x2000, $0x38;
	[tilespmem:$0x10C80] =	vst v63  }
0xa5: {  	_ =	swait.ge [sflag:s19], $0x2000  }
0xa6: {  	[sflag:s19] =	ssyncset.done $0x0  }
0xa7: {  	[sflag:s19] =	ssyncadd.s32 $0xFFFFE000  }
0xa8: {  	_ =	sfence.sel $0x180000  }
0xa9: {  	[bflag:$0x0] =	sbarrier.arrive $0xFFFF  }
0xaa: {  	_ =	strace $0x9000004A  }
0xab: {  	s0 =	stileid.u32;
	[bflag:$0x2] =	sbarrier.arrive $0xFFFF  }
0xac: {  	p0 =	sne.s32 s0, $0x0;
	s0 =	rddreg [dreg:$0x1]  }
0xad: {  	s0 =	sadd.s32 @!p0 $0x100000, s0  }
0xae: {  	[sflag:s0] =	ssyncadd.tile.s32 @!p0 $0x1;
	_ =	shalt  }
.Lfunc_end2:
_tile_overlayer_lowered:
.L_overlay_start_2:
0xaf: {  	(tag) =	ssettag $0x2  }
0xb0: {  	s0 =	rddreg [dreg:$0x0];
	s2 =	stileid.u32  }
0xb1: {  	s1 =	rddreg [dreg:$0x1];
	p0 =	sne.s32 s2, $0x0  }
0xb2: {  	s3 =	rddreg [dreg:$0x2];
	[bflag:$0x3] =	sbarrier.arrive $0xFFFF;
	s2 =	simm.s32 @!p0 $0x1C03  }
0xb3: {  	[timem:s3], [sflag:s2] =	dma.local @!p0 [hbm:s0], s1  }
0xb4: {  	s0 =	simm.s32 @!p0 $0x3  }
0xb5: {  	_ =	swait.ge @!p0 [sflag:s0], s1  }
0xb6: {  	s1 =	ssub.s32 @!p0 $0x0, s1;
	[sflag:s0] =	ssyncset.done @!p0 $0x0  }
0xb7: {  	[sflag:s0] =	ssyncadd.s32 @!p0 s1  }
0xb8: {  	[bflag:$0x3] =	sbarrier.arrive $0xFFFF  }
0xb9: {  	_ =	shalt  }

// kernel: kernel.8.cloned.1.call-start
scs
__scs_entry_jumppad:
0x0: {  	(pc) =	sbr.rel $0x88, $3  }
0x1: {  	(tag) =	ssettag $0x0;
	lr =	simm.s32 $0x1  }
0x2: {  	[smem:$0x3F8F] =	sst lr;
	_ =	strace $0xD0000000  }
0x3: {  	_ = 	snop  }
0x4: {  	_ = 	snop  }
0x5: {  	_ = 	snop  }
0x6: {  	_ = 	snop  }
0x7: {  	_ = 	snop  }
__scs_overlays_trampoline_lowered:
0x8: {  	[smem:$0x3F9E] =	sst s0  }
0x9: {  	[smem:$0x3F9F] =	sst s1  }
0xa: {  	[smem:$0x3FA0] =	sst s2  }
0xb: {  	[smem:$0x3FA1] =	sst s3  }
0xc: {  	[smem:$0x3FA2] =	sst s4  }
0xd: {  	[smem:$0x3FA3] =	sst s5  }
0xe: {  	[smem:$0x3FA4] =	sst s6  }
0xf: {  	[smem:$0x3FA5] =	sst s7  }
0x10: {  	[smem:$0x3FA6] =	sst s8  }
0x11: {  	[smem:$0x3FA7] =	sst s9;
	s0 =	simm.s32 @!p0 $0x0  }
0x12: {  	s1 =	sld [smem:$0x3F8D];
	s0 =	simm.s32 @p0 $0x1  }
0x13: {  	[smem:$0x3FA8] =	sst s0;
	s0 =	simm.s32 @!p1 $0x0  }
0x14: {  	s2 =	sld [smem:$0x3F8C];
	s0 =	simm.s32 @p1 $0x1  }
0x15: {  	[smem:$0x3FA9] =	sst s0;
	s0 =	simm.s32 @!p2 $0x0  }
0x16: {  	s3 =	sld [smem:$0x3FDB];
	s0 =	simm.s32 @p2 $0x1  }
0x17: {  	s4 =	simm.s32 $0x1BF5;
	[smem:$0x3FAB] =	sst s0  }
0x18: {  	s0 =	sld [smem:$0x3F8E];
	_ =	swait.ge [sflag:s4], $0x0  }
0x19: {  	s7 =	sld [smem:$0x3F8F]  }
0x1a: {  	s8 =	sadd.s32 $0xFFFFE003, lr  }
0x1b: {  	s9 =	sadd.s32 $0xFFFFFEF7, lr;
	s5 =	simm.s32 $0xFFFFFFFF;
	p2 =	slt.u32 s8, $0xFFFFF086  }
0x1c: {  	p1 =	slt.u32 s9, $0xF7A;
	s5 =	simm.s32 @!p2 $0x0  }
0x1d: {  	s5 =	simm.s32 @p1 $0x1;
	p0 =	seq.s32 s7, s2  }
0x1e: {  	s7 =	smul.u32 @!p0 $0xF7A, s2;
	p2 =	seq.s32 @!p0 s5, $0x0  }
0x1f: {  	s9 =	smul.u32 $0xF7A, s1;
	s8 =	simm.s32 @!p0 $0x1BF5;
	p2 =	por !p2, p0  }
0x20: {  	[sflag:s8] =	ssyncset.s32 @!p0 $0xFFFFF086;
	s6 =	sadd.s32 @!p0 s3, s7;
	s7 =	simm.s32 @!p0 $0x108  }
0x21: {  	s3 =	sadd.s32 s3, s9;
	s6 =	sadd.s32 @!p0 $0x88, s6;
	s7 =	simm.s32 @p2 $0x1082  }
0x22: {  	[simem:s7], [sflag:s8] =	dma.local @!p0 [hbm:s6], $0xF7A  }
0x23: {  	s9 =	sor.u32 $0xD0000000, s2;
	s6 =	simm.s32 $0x108;
	_ =	swait.ge @!p0 [sflag:s8], $0x0  }
0x24: {  	s3 =	sadd.s32 $0x88, s3;
	s6 =	simm.s32 @!p1 $0x1082;
	[sflag:s4] =	ssyncset.s32 $0xFFFFF086  }
0x25: {  	[simem:s6], [sflag:s4] =	dma.local [hbm:s3], $0xF7A  }
0x26: {  	[smem:$0x3F8F] =	sst s1;
	(tag) =	ssettag s2;
	_ =	strace s9  }
0x27: {  	s1 =	sld [smem:$0x3F9F]  }
0x28: {  	s2 =	sld [smem:$0x3FA0]  }
0x29: {  	s4 =	sld [smem:$0x3FA2]  }
0x2a: {  	p0 =	seq.s32 s5, $0x0;
	s5 =	sld [smem:$0x3FA3]  }
0x2b: {  	s6 =	sld [smem:$0x3FA4]  }
0x2c: {  	s7 =	sld [smem:$0x3FA5]  }
0x2d: {  	s3 =	simm.s32 $0x108;
	s8 =	sld [smem:$0x3FA6]  }
0x2e: {  	s3 =	simm.s32 @!p0 $0x1082;
	s9 =	sld [smem:$0x3FA7]  }
0x2f: {  	lr =	sadd.s32 s0, s3;
	s0 =	sld [smem:$0x3F9E]  }
0x30: {  	s3 =	sld [smem:$0x3FA1]  }
0x31: {  	[smem:$0x3FAA] =	sst s10  }
0x32: {  	s10 =	sld [smem:$0x3FA8];
	_ =	sdelay $0x3  }
0x33: {  	p0 =	seq.s32 s10, $0x1;
	s10 =	sld [smem:$0x3FAA];
	_ =	sdelay $0x3  }
0x34: {  	[smem:$0x3FAA] =	sst s10  }
0x35: {  	s10 =	sld [smem:$0x3FA9];
	_ =	sdelay $0x3  }
0x36: {  	p1 =	seq.s32 s10, $0x1;
	s10 =	sld [smem:$0x3FAA];
	_ =	sdelay $0x3  }
0x37: {  	[smem:$0x3FAA] =	sst s10  }
0x38: {  	s10 =	sld [smem:$0x3FAB]  }
0x39: {  	_ = 	snop;
	(pc) =	sbr.ind lr, $3  }
0x3a: {  	_ = 	snop  }
0x3b: {  	_ = 	snop  }
0x3c: {  	p2 =	seq.s32 s10, $0x1;
	s10 =	sld [smem:$0x3FAA]  }
0x3d: {  	_ =	shalt  }
0x3e: {  	_ =	shalt  }
0x3f: {  	_ =	shalt  }
0x40: {  	_ =	shalt  }
0x41: {  	_ =	shalt  }
0x42: {  	_ =	shalt  }
0x43: {  	_ =	shalt  }
0x44: {  	_ =	shalt  }
0x45: {  	_ =	shalt  }
0x46: {  	_ =	shalt  }
0x47: {  	_ =	shalt  }
0x48: {  	_ =	shalt  }
0x49: {  	_ =	shalt  }
0x4a: {  	_ =	shalt  }
0x4b: {  	_ =	shalt  }
0x4c: {  	_ =	shalt  }
0x4d: {  	_ =	shalt  }
0x4e: {  	_ =	shalt  }
0x4f: {  	_ =	shalt  }
0x50: {  	_ =	shalt  }
0x51: {  	_ =	shalt  }
0x52: {  	_ =	shalt  }
0x53: {  	_ =	shalt  }
0x54: {  	_ =	shalt  }
0x55: {  	_ =	shalt  }
0x56: {  	_ =	shalt  }
0x57: {  	_ =	shalt  }
0x58: {  	_ =	shalt  }
0x59: {  	_ =	shalt  }
0x5a: {  	_ =	shalt  }
0x5b: {  	_ =	shalt  }
0x5c: {  	_ =	shalt  }
0x5d: {  	_ =	shalt  }
0x5e: {  	_ =	shalt  }
0x5f: {  	_ =	shalt  }
0x60: {  	_ =	shalt  }
0x61: {  	_ =	shalt  }
0x62: {  	_ =	shalt  }
0x63: {  	_ =	shalt  }
0x64: {  	_ =	shalt  }
0x65: {  	_ =	shalt  }
0x66: {  	_ =	shalt  }
0x67: {  	_ =	shalt  }
0x68: {  	_ =	shalt  }
0x69: {  	_ =	shalt  }
0x6a: {  	_ =	shalt  }
0x6b: {  	_ =	shalt  }
0x6c: {  	_ =	shalt  }
0x6d: {  	_ =	shalt  }
0x6e: {  	_ =	shalt  }
0x6f: {  	_ =	shalt  }
0x70: {  	_ =	shalt  }
0x71: {  	_ =	shalt  }
0x72: {  	_ =	shalt  }
0x73: {  	_ =	shalt  }
0x74: {  	_ =	shalt  }
0x75: {  	_ =	shalt  }
0x76: {  	_ =	shalt  }
0x77: {  	_ =	shalt  }
0x78: {  	_ =	shalt  }
0x79: {  	_ =	shalt  }
0x7a: {  	_ =	shalt  }
0x7b: {  	_ =	shalt  }
0x7c: {  	_ =	shalt  }
0x7d: {  	_ =	shalt  }
0x7e: {  	_ =	shalt  }
0x7f: {  	_ =	shalt  }
0x80: {  	_ =	shalt  }
0x81: {  	_ =	shalt  }
0x82: {  	_ =	shalt  }
0x83: {  	_ =	shalt  }
0x84: {  	_ =	shalt  }
0x85: {  	_ =	shalt  }
0x86: {  	_ =	shalt  }
0x87: {  	_ =	shalt  }
.Lfunc_end0:
.L_simem_size_0:
called_computation_lowered:
.L_overlay_start_0:
0x88: {  	s2 =	sld [smem:$0x3FD9]  }
0x89: {  	s3 =	sld [smem:$0x3FFE];
	_ =	sdelay $0x1  }
0x8a: {  	s1 =	srdreg.scid  }
0x8b: {  	s0 =	sand.u32 $0x1, s1  }
0x8c: {  	s18 =	sshll.u32 s0, $0xA;
	s2 =	sadd.s32 s3, s2  }
0x8d: {  	s2 =	sadd.s32 s2, s18  }
0x8e: {  	[smem:$0x3FB6] =	sst s2  }
0x8f: {  	_ = 	snop  }
0x90: {  	s2 =	sld [smem:$0x3FC9]  }
0x91: {  	s19 =	sld [smem:$0x3FBF]  }
0x92: {  	s4 =	sld [smem:$0x3FD0];
	(tm) =	ssettm $0x1  }
0x93: {  	s5 =	sld [smem:$0x3FFB];
	_ =	sdelay $0x3  }
0x94: {  	_ =	strace s5  }
0x95: {  	s5 =	sld [smem:$0x3FFC];
	_ =	sdelay $0x3  }
0x96: {  	_ =	strace s5  }
0x97: {  	s5 =	sld [smem:$0x3FFD];
	_ =	sdelay $0x3  }
0x98: {  	_ =	strace s5  }
0x99: {  	_ =	strace $0x8FFFFFFF  }
0x9a: {  	s20 =	sld [smem:$0x3FDB];
	_ =	sdelay $0x1  }
0x9b: {  	s6 =	simm.s32 $_scs_section_size  }
0x9c: {  	s7 =	simm.s32 $_size__tile_overlayer_lowered;
	s8 =	simm.s32 $_tile_overlayer_lowered  }
0x9d: {  	s23 =	simm.s32 $0x1BFF;
	s22 =	sshll.u32 s8, $0x1;
	s5 =	sadd.s32 s6, s20  }
0x9e: {  	s9 =	simm.s32 $0x0;
	s21 =	sshll.u32 s7, $0x1;
	s7 =	sadd.s32 s22, s5  }
0x9f: {  	[timem:s9], [sflag:s23] =	dma.local [hbm:s7], s21  }
0xa0: {  	_ =	swait.ge [sflag:s23], s21  }
0xa1: {  	s6 =	ssub.s32 $0x0, s21;
	[sflag:s23] =	ssyncset.done $0x0  }
0xa2: {  	[sflag:s23] =	ssyncadd.s32 s6;
	_ =	sdelay $0x1  }
0xa3: {  	s24 =	simm.s32 $0x1B8B  }
0xa4: {  	_ =	swait.ge [sflag:s24], $0x1  }
0xa5: {  	[sflag:s24] =	ssyncset.done $0x0  }
0xa6: {  	s25 =	simm.s32 $0x1B8E;
	[sflag:s24] =	ssyncadd.s32 $0xFFFFFFFF  }
0xa7: {  	s26 =	simm.s32 $execute0_lowered;
	[smem:$0x3FD2] =	sst s25  }
0xa8: {  	s6 =	sshll.u32 s26, $0x1;
	_ =	strace $0x80000046;
	[dreg:$0x1] =	wrdreg $0xFFFFFFFF  }
0xa9: {  	s28 =	simm.s32 $_size_execute0_lowered;
	s5 =	sadd.s32 s5, s6;
	[dreg:$0x0] =	wrdreg $0x0  }
0xaa: {  	s6 =	sshll.u32 s28, $0x1;
	[dreg:$0x2] =	wrdreg s5  }
0xab: {  	[dreg:$0x3] =	wrdreg s6  }
0xac: {  	[dreg:$0x4] =	wrdreg $0xC0  }
0xad: {  	_ =	task [dreg:s9], $0x5FFFF  }
0xae: {  	[dreg:$0x1] =	wrdreg $0xFFFFFFFF  }
0xaf: {  	[dreg:$0x0] =	wrdreg $0x60  }
0xb0: {  	[dreg:$0x2] =	wrdreg s19  }
0xb1: {  	[dreg:$0x3] =	wrdreg s2  }
0xb2: {  	[dreg:$0x4] =	wrdreg s4  }
0xb3: {  	[dreg:$0x5] =	wrdreg $0x9  }
0xb4: {  	_ =	task.clear_ibuf [dreg:s9], $0x6FFFF;
	_ =	strace $0x90000046  }
0xb5: {  	s29 =	simm.s32 $0x9;
	_ =	strace $0x80000048  }
0xb6: {  	_ =	swait.ge [sflag:s29], $0x1  }
0xb7: {  	[sflag:s29] =	ssyncadd.s32 $0xFFFFFFFF  }
0xb8: {  	_ =	strace $0x90000048  }
0xb9: {  	_ =	sfence  }
0xba: {  	s30 =	sld [smem:$0x0];
	_ =	sdelay $0x2  }
0xbb: {  	s31 =	sshll.u32 s1, $0xD;
	s1 =	sshrl.u32 s1, $0x2  }
0xbc: {  	s3 =	sand.u32 $0x4000, s31;
	s1 =	sadd.s32 s1, s30  }
0xbd: {  	s0 =	sor.u32 s3, s0;
	s1 =	sshll.u32 s1, $0x11  }
0xbe: {  	s0 =	sor.u32 s1, s0  }
0xbf: {  	s0 =	sadd.s32 $0x8F2B, s0  }
0xc0: {  	[sflag:s0] =	ssyncadd.remote.s32 $0x1  }
0xc1: {  	_ =	sfence.sel $0xFFFF  }
0xc2: {  	[dreg:$0x0] =	wrdreg $0xFFFFFFFF;
	(pc) =	sbr.abs _section_cstart, $3  }
0xc3: {  	[dreg:$0x1] =	wrdreg $0xFFFFFFFF  }
0xc4: {  	_ =	task.clear_ibuf [dreg:s9], $0x2FFFF;
	_ =	strace $0x9FFFFFFF  }
0xc5: {  	(tm) =	ssettm $0x7FFFFFFF  }
tec
execute0_lowered:
.L_overlay_start_1:
0x0: {  	(tag) =	ssettag $0x1  }
0x1: {  	s1 =	rddreg [dreg:$0x0]  }
0x2: {  	s4 =	rddreg [dreg:$0x1]  }
0x3: {  	s5 =	rddreg [dreg:$0x2]  }
0x4: {  	s0 =	rddreg [dreg:$0x3];
	s6 =	srdreg.scid  }
0x5: {  	s3 =	simm.s32 $0x0;
	s2 =	stileid.u32;
	s10 =	simm.s32 $0x100  }
0x6: {  	s11 =	simm.s32 $0x2100;
	s12 =	simm.s32 $0x4100;
	s13 =	simm.s32 $0x6100  }
0x7: {  	s14 =	simm.s32 $0x8100;
	s15 =	simm.s32 $0xA100;
	s16 =	simm.s32 $0xC100  }
0x8: {  	s17 =	simm.s32 $0xE100;
	s18 =	simm.s32 $0x1;
	s19 =	simm.s32 $0x10100  }
0x9: {  	s20 =	simm.s32 $0x0;
	s6 =	sand.u32 $0x1, s6;
	[smem:$0x7FF] =	sst s3  }
0xa: {  	s7 =	sshll.u32 s2, $0x8;
	s8 =	sshll.u32 s6, $0x7;
	s6 =	ssub.s32 $0x2, s6  }
0xb: {  	v0 =	vlaneseq.u32;
	_ =	strace $0x80000047;
	s7 =	sor.u32 s8, s7;
	s31 =	sshrl.u32 s6, $0x1  }
0xc: {  	v0 =	vmul.u32 $0x80, v0;
	s8 =	simm.s32 $0x400;
	s9 =	sshrl.u32 s7, $0x3;
	s7 =	sshll.u32 s7, $0x4  }
0xd: {  	s6 =	ssub.s32 s6, s31;
	s4 =	sadd.s32 s4, s9;
	s5 =	sadd.s32 s5, s7  }
0xe: {  	v1 =	vor.u32 $0x800, v0;
	v2 =	vor.u32 $0x1000, v0;
	v3 =	vor.u32 $0x1800, v0;
	s6 =	smax.u32 s6, $0x1;
	s7 =	simm.s32 $0x2;
	s9 =	simm.s32 $0x7A1400  }
.LBB2_1:
0xf: {  	[tilespmem:s3], [sflag:$0x2] =	stream.linear.gather [hbm4b:s4+s3], $0x80, $0x38;
	[tilespmem:$0x14100] =	vst v63  }
0x10: {  	_ =	swait.ge [sflag:s7], $0x80  }
0x11: {  	[sflag:s7] =	ssyncset.done $0x0  }
0x12: {  	[sflag:s7] =	ssyncadd.s32 $0xFFFFFF80  }
0x13: {  	v4 =	vld [tilespmem:$0x0];
	_ =	sdelay $0x4  }
0x14: {  	(v2sf) =	vpush v4, $0x0  }
0x15: {  	(v2sf) =	vpush v4, $0x1  }
0x16: {  	(v2sf) =	vpush v4, $0x2;
	_ =	sdelay $0x3  }
0x17: {  	(v2sf) =	vpush v4, $0x3;
	_ =	sdelay $0x8  }
0x18: {  	s21 =	spop (v2sf)  }
0x19: {  	s21 =	sand.u32 $0xFFFFF80, s21;
	s22 =	spop (v2sf)  }
0x1a: {  	s21 =	sadd.s32 s1, s21;
	s28 =	sand.u32 $0xFFFFF80, s22;
	s29 =	spop (v2sf)  }
0x1b: {  	[tilespmem:s10], [sflag:$0x1] =	stream.strided.gather [hbm4b:s21+s8], $0x2000, s9, s8, $0x38;
	[tilespmem:$0x14100] =	vst v63  }
0x1c: {  	s21 =	sadd.s32 s1, s28;
	s30 =	sand.u32 $0xFFFFF80, s29  }
0x1d: {  	[tilespmem:s11], [sflag:$0x1] =	stream.strided.gather [hbm4b:s21+s8], $0x2000, s9, s8, $0x38;
	[tilespmem:$0x14100] =	vst v63  }
0x1e: {  	s31 =	spop (v2sf);
	s21 =	sadd.s32 s1, s30  }
0x1f: {  	[tilespmem:s12], [sflag:$0x1] =	stream.strided.gather [hbm4b:s21+s8], $0x2000, s9, s8, $0x38;
	[tilespmem:$0x14100] =	vst v63  }
0x20: {  	s21 =	sand.u32 $0xFFFFF80, s31  }
0x21: {  	s21 =	sadd.s32 s1, s21  }
0x22: {  	[tilespmem:s13], [sflag:$0x1] =	stream.strided.gather [hbm4b:s21+s8], $0x2000, s9, s8, $0x38;
	[tilespmem:$0x14100] =	vst v63  }
0x23: {  	s23 =	simm.s32 $0x10300;
	s22 =	simm.s32 $0x4;
	s21 =	simm.s32 $0xFFFFFFFE  }
.LBB2_2:
0x24: {  	v4 =	vld [tilespmem:s22+$0x0];
	_ =	sdelay $0x4  }
0x25: {  	(v2sf) =	vpush v4, $0x0;
	_ =	sdelay $0x1  }
0x26: {  	(v2sf) =	vpush v4, $0x1;
	_ =	sdelay $0x2  }
0x27: {  	(v2sf) =	vpush v4, $0x2;
	_ =	sdelay $0x2  }
0x28: {  	(v2sf) =	vpush v4, $0x3;
	_ =	sdelay $0x6  }
0x29: {  	s24 =	spop (v2sf)  }
0x2a: {  	s24 =	sand.u32 $0xFFFFF80, s24  }
0x2b: {  	s26 =	spop (v2sf);
	s24 =	sadd.s32 s1, s24  }
0x2c: {  	[tilespmem:s14], [sflag:$0x1] =	stream.strided.gather [hbm4b:s24+s8], $0x2000, s9, s8, $0x38;
	[tilespmem:$0x14100] =	vst v63  }
0x2d: {  	s24 =	sand.u32 $0xFFFFF80, s26  }
0x2e: {  	s28 =	spop (v2sf);
	s24 =	sadd.s32 s1, s24  }
0x2f: {  	[tilespmem:s15], [sflag:$0x1] =	stream.strided.gather [hbm4b:s24+s8], $0x2000, s9, s8, $0x38;
	[tilespmem:$0x14100] =	vst v63  }
0x30: {  	s24 =	sand.u32 $0xFFFFF80, s28  }
0x31: {  	s29 =	spop (v2sf);
	s24 =	sadd.s32 s1, s24  }
0x32: {  	[tilespmem:s16], [sflag:$0x1] =	stream.strided.gather [hbm4b:s24+s8], $0x2000, s9, s8, $0x38;
	[tilespmem:$0x14100] =	vst v63  }
0x33: {  	s24 =	sand.u32 $0xFFFFF80, s29  }
0x34: {  	s24 =	sadd.s32 s1, s24  }
0x35: {  	[tilespmem:s17], [sflag:$0x1] =	stream.strided.gather [hbm4b:s24+s8], $0x2000, s9, s8, $0x38;
	[tilespmem:$0x14100] =	vst v63  }
0x36: {  	v4 =	vld [tilespmem:s22+$0xFFFFFFFC];
	_ =	swait.ge [sflag:s18], $0x2000  }
0x37: {  	[sflag:s18] =	ssyncset.done $0x0  }
0x38: {  	[sflag:s18] =	ssyncadd.s32 $0xFFFFE000  }
0x39: {  	_ =	swait.ge [sflag:s18], $0x2000  }
0x3a: {  	[sflag:s18] =	ssyncset.done $0x0  }
0x3b: {  	[sflag:s18] =	ssyncadd.s32 $0xFFFFE000  }
0x3c: {  	_ =	swait.ge [sflag:s18], $0x2000  }
0x3d: {  	[sflag:s18] =	ssyncset.done $0x0  }
0x3e: {  	[sflag:s18] =	ssyncadd.s32 $0xFFFFE000  }
0x3f: {  	_ =	swait.ge [sflag:s18], $0x2000  }
0x40: {  	(v2sf) =	vpush v4, $0x0;
	_ =	sdelay $0xe  }
0x41: {  	s30 =	spop (v2sf)  }
0x42: {  	s24 =	sand.u32 $0x7F, s30  }
0x43: {  	v5 =	vor.u32 s24, v0;
	_ =	sdelay $0x2  }
0x44: {  	[sflag:s18] =	ssyncset.done $0x0  }
0x45: {  	[sflag:s18] =	ssyncadd.s32 $0xFFFFE000  }
0x46: {  	v5 =	vld.idx.msk [tilespmem:v5+s10+$0x0], $0xffff  }
0x47: {  	v6 =	vor.u32 s24, v1  }
0x48: {  	(v2sf) =	vpush v4, $0x1;
	_ =	sdelay $0x2  }
0x49: {  	[tilespmem:s23+$0xFFFFFE00] =	vst v5  }
0x4a: {  	v5 =	vld.idx.msk [tilespmem:v6+s10+$0x0], $0xffff  }
0x4b: {  	v47 =	vor.u32 s24, v2;
	_ =	sdelay $0x3  }
0x4c: {  	[tilespmem:s23+$0xFFFFFE10] =	vst v5  }
0x4d: {  	v5 =	vld.idx.msk [tilespmem:v47+s10+$0x0], $0xffff  }
0x4e: {  	v48 =	vor.u32 s24, v3;
	_ =	sdelay $0x3  }
0x4f: {  	s31 =	spop (v2sf);
	[tilespmem:s23+$0xFFFFFE20] =	vst v5  }
0x50: {  	s24 =	sand.u32 $0x7F, s31;
	v5 =	vld.idx.msk [tilespmem:v48+s10+$0x0], $0xffff  }
0x51: {  	v49 =	vor.u32 s24, v0;
	_ =	sdelay $0x3  }
0x52: {  	[tilespmem:s23+$0xFFFFFE30] =	vst v5  }
0x53: {  	v5 =	vld.idx.msk [tilespmem:v49+s11+$0x0], $0xffff  }
0x54: {  	v50 =	vor.u32 s24, v1  }
0x55: {  	(v2sf) =	vpush v4, $0x2;
	_ =	sdelay $0x2  }
0x56: {  	[tilespmem:s23+$0xFFFFFE80] =	vst v5  }
0x57: {  	v5 =	vld.idx.msk [tilespmem:v50+s11+$0x0], $0xffff  }
0x58: {  	v51 =	vor.u32 s24, v2;
	_ =	sdelay $0x3  }
0x59: {  	[tilespmem:s23+$0xFFFFFE90] =	vst v5  }
0x5a: {  	v5 =	vld.idx.msk [tilespmem:v51+s11+$0x0], $0xffff  }
0x5b: {  	v52 =	vor.u32 s24, v3;
	_ =	sdelay $0x3  }
0x5c: {  	s25 =	spop (v2sf);
	[tilespmem:s23+$0xFFFFFEA0] =	vst v5  }
0x5d: {  	s24 =	sand.u32 $0x7F, s25;
	v5 =	vld.idx.msk [tilespmem:v52+s11+$0x0], $0xffff  }
0x5e: {  	v53 =	vor.u32 s24, v0;
	_ =	sdelay $0x3  }
0x5f: {  	[tilespmem:s23+$0xFFFFFEB0] =	vst v5  }
0x60: {  	v5 =	vld.idx.msk [tilespmem:v53+s12+$0x0], $0xffff  }
0x61: {  	v54 =	vor.u32 s24, v1  }
0x62: {  	(v2sf) =	vpush v4, $0x3;
	_ =	sdelay $0x2  }
0x63: {  	[tilespmem:s23+$0xFFFFFF00] =	vst v5  }
0x64: {  	v4 =	vld.idx.msk [tilespmem:v54+s12+$0x0], $0xffff  }
0x65: {  	v5 =	vor.u32 s24, v2;
	_ =	sdelay $0x3  }
0x66: {  	[tilespmem:s23+$0xFFFFFF10] =	vst v4  }
0x67: {  	v4 =	vld.idx.msk [tilespmem:v5+s12+$0x0], $0xffff  }
0x68: {  	v5 =	vor.u32 s24, v3;
	_ =	sdelay $0x3  }
0x69: {  	s26 =	spop (v2sf);
	[tilespmem:s23+$0xFFFFFF20] =	vst v4  }
0x6a: {  	s24 =	sand.u32 $0x7F, s26;
	v4 =	vld.idx.msk [tilespmem:v5+s12+$0x0], $0xffff  }
0x6b: {  	v5 =	vor.u32 s24, v0;
	_ =	sdelay $0x3  }
0x6c: {  	[tilespmem:s23+$0xFFFFFF30] =	vst v4  }
0x6d: {  	v4 =	vld.idx.msk [tilespmem:v5+s13+$0x0], $0xffff  }
0x6e: {  	v5 =	vor.u32 s24, v1;
	_ =	sdelay $0x3  }
0x6f: {  	[tilespmem:s23+$0xFFFFFF80] =	vst v4  }
0x70: {  	v4 =	vld.idx.msk [tilespmem:v5+s13+$0x0], $0xffff  }
0x71: {  	v5 =	vor.u32 s24, v2;
	_ =	sdelay $0x3  }
0x72: {  	[tilespmem:s23+$0xFFFFFF90] =	vst v4  }
0x73: {  	v4 =	vld.idx.msk [tilespmem:v5+s13+$0x0], $0xffff  }
0x74: {  	v5 =	vor.u32 s24, v3;
	_ =	sdelay $0x3  }
0x75: {  	[tilespmem:s23+$0xFFFFFFA0] =	vst v4  }
0x76: {  	v4 =	vld.idx.msk [tilespmem:v5+s13+$0x0], $0xffff;
	_ =	sdelay $0x3  }
0x77: {  	s21 =	sadd.s32 $0x2, s21  }
0x78: {  	p0 =	sgt.u32 s21, $0x1D;
	[tilespmem:s23+$0xFFFFFFB0] =	vst v4  }
0x79: {  	v4 =	vld @!p0 [tilespmem:s22+$0x4];
	_ =	sdelay $0x4  }
0x7a: {  	(v2sf) =	vpush @!p0 v4, $0x0;
	_ =	sdelay $0x3  }
0x7b: {  	(v2sf) =	vpush @!p0 v4, $0x1;
	_ =	sdelay $0x3  }
0x7c: {  	(v2sf) =	vpush @!p0 v4, $0x2;
	_ =	sdelay $0x3  }
0x7d: {  	(v2sf) =	vpush @!p0 v4, $0x3;
	_ =	sdelay $0x2  }
0x7e: {  	s24 =	spop @!p0 (v2sf)  }
0x7f: {  	s28 =	simm.s32 @!p0 $0x100;
	s24 =	sand.u32 @!p0 $0xFFFFF80, s24  }
0x80: {  	s25 =	simm.s32 @!p0 $0x400;
	s26 =	simm.s32 @!p0 $0x7A1400;
	s24 =	sadd.s32 @!p0 s1, s24  }
0x81: {  	[tilespmem:s28], [sflag:$0x1] =	stream.strided.gather @!p0 [hbm4b:s24+s25], $0x2000, s26, s25, $0x38;
	[tilespmem:$0x14100] =	vst v63  }
0x82: {  	s24 =	spop @!p0 (v2sf)  }
0x83: {  	s24 =	sand.u32 @!p0 $0xFFFFF80, s24  }
0x84: {  	s28 =	simm.s32 @!p0 $0x2100;
	s24 =	sadd.s32 @!p0 s1, s24  }
0x85: {  	[tilespmem:s28], [sflag:$0x1] =	stream.strided.gather @!p0 [hbm4b:s24+s25], $0x2000, s26, s25, $0x38;
	[tilespmem:$0x14100] =	vst v63  }
0x86: {  	s24 =	spop @!p0 (v2sf)  }
0x87: {  	s24 =	sand.u32 @!p0 $0xFFFFF80, s24  }
0x88: {  	s28 =	simm.s32 @!p0 $0x4100;
	s24 =	sadd.s32 @!p0 s1, s24  }
0x89: {  	[tilespmem:s28], [sflag:$0x1] =	stream.strided.gather @!p0 [hbm4b:s24+s25], $0x2000, s26, s25, $0x38;
	[tilespmem:$0x14100] =	vst v63  }
0x8a: {  	s24 =	spop @!p0 (v2sf)  }
0x8b: {  	s24 =	sand.u32 @!p0 $0xFFFFF80, s24  }
0x8c: {  	s28 =	simm.s32 @!p0 $0x6100;
	s24 =	sadd.s32 @!p0 s1, s24  }
0x8d: {  	[tilespmem:s28], [sflag:$0x1] =	stream.strided.gather @!p0 [hbm4b:s24+s25], $0x2000, s26, s25, $0x38;
	[tilespmem:$0x14100] =	vst v63  }
0x8e: {  	v4 =	vld [tilespmem:s22+$0x0];
	_ =	swait.ge [sflag:s18], $0x2000  }
0x8f: {  	[sflag:s18] =	ssyncset.done $0x0  }
0x90: {  	[sflag:s18] =	ssyncadd.s32 $0xFFFFE000  }
0x91: {  	_ =	swait.ge [sflag:s18], $0x2000  }
0x92: {  	[sflag:s18] =	ssyncset.done $0x0  }
0x93: {  	[sflag:s18] =	ssyncadd.s32 $0xFFFFE000  }
0x94: {  	_ =	swait.ge [sflag:s18], $0x2000  }
0x95: {  	[sflag:s18] =	ssyncset.done $0x0  }
0x96: {  	[sflag:s18] =	ssyncadd.s32 $0xFFFFE000  }
0x97: {  	_ =	swait.ge [sflag:s18], $0x2000  }
0x98: {  	(v2sf) =	vpush v4, $0x0;
	_ =	sdelay $0xe  }
0x99: {  	s28 =	spop (v2sf)  }
0x9a: {  	s24 =	sand.u32 $0x7F, s28  }
0x9b: {  	v5 =	vor.u32 s24, v0;
	_ =	sdelay $0x2  }
0x9c: {  	[sflag:s18] =	ssyncset.done $0x0  }
0x9d: {  	[sflag:s18] =	ssyncadd.s32 $0xFFFFE000  }
0x9e: {  	v5 =	vld.idx.msk [tilespmem:v5+s14+$0x0], $0xffff  }
0x9f: {  	v55 =	vor.u32 s24, v1  }
0xa0: {  	(v2sf) =	vpush v4, $0x1;
	_ =	sdelay $0x2  }
0xa1: {  	[tilespmem:s23+$0x0] =	vst v5  }
0xa2: {  	v5 =	vld.idx.msk [tilespmem:v55+s14+$0x0], $0xffff  }
0xa3: {  	v56 =	vor.u32 s24, v2;
	_ =	sdelay $0x3  }
0xa4: {  	[tilespmem:s23+$0x10] =	vst v5  }
0xa5: {  	v5 =	vld.idx.msk [tilespmem:v56+s14+$0x0], $0xffff  }
0xa6: {  	v57 =	vor.u32 s24, v3;
	_ =	sdelay $0x3  }
0xa7: {  	s29 =	spop (v2sf);
	[tilespmem:s23+$0x20] =	vst v5  }
0xa8: {  	s24 =	sand.u32 $0x7F, s29;
	v5 =	vld.idx.msk [tilespmem:v57+s14+$0x0], $0xffff  }
0xa9: {  	v58 =	vor.u32 s24, v0;
	_ =	sdelay $0x3  }
0xaa: {  	[tilespmem:s23+$0x30] =	vst v5  }
0xab: {  	v5 =	vld.idx.msk [tilespmem:v58+s15+$0x0], $0xffff  }
0xac: {  	v59 =	vor.u32 s24, v1  }
0xad: {  	(v2sf) =	vpush v4, $0x2;
	_ =	sdelay $0x2  }
0xae: {  	[tilespmem:s23+$0x80] =	vst v5  }
0xaf: {  	v5 =	vld.idx.msk [tilespmem:v59+s15+$0x0], $0xffff  }
0xb0: {  	v60 =	vor.u32 s24, v2;
	_ =	sdelay $0x3  }
0xb1: {  	[tilespmem:s23+$0x90] =	vst v5  }
0xb2: {  	v5 =	vld.idx.msk [tilespmem:v60+s15+$0x0], $0xffff  }
0xb3: {  	v61 =	vor.u32 s24, v3;
	_ =	sdelay $0x3  }
0xb4: {  	s30 =	spop (v2sf);
	[tilespmem:s23+$0xA0] =	vst v5  }
0xb5: {  	s24 =	sand.u32 $0x7F, s30;
	v5 =	vld.idx.msk [tilespmem:v61+s15+$0x0], $0xffff  }
0xb6: {  	v62 =	vor.u32 s24, v0;
	_ =	sdelay $0x3  }
0xb7: {  	[tilespmem:s23+$0xB0] =	vst v5  }
0xb8: {  	v5 =	vld.idx.msk [tilespmem:v62+s16+$0x0], $0xffff  }
0xb9: {  	v63 =	vor.u32 s24, v1  }
0xba: {  	(v2sf) =	vpush v4, $0x3;
	_ =	sdelay $0x2  }
0xbb: {  	[tilespmem:s23+$0x100] =	vst v5  }
0xbc: {  	v4 =	vld.idx.msk [tilespmem:v63+s16+$0x0], $0xffff  }
0xbd: {  	v5 =	vor.u32 s24, v2;
	_ =	sdelay $0x3  }
0xbe: {  	[tilespmem:s23+$0x110] =	vst v4  }
0xbf: {  	v4 =	vld.idx.msk [tilespmem:v5+s16+$0x0], $0xffff  }
0xc0: {  	v5 =	vor.u32 s24, v3;
	_ =	sdelay $0x3  }
0xc1: {  	s31 =	spop (v2sf);
	[tilespmem:s23+$0x120] =	vst v4  }
0xc2: {  	s24 =	sand.u32 $0x7F, s31;
	v4 =	vld.idx.msk [tilespmem:v5+s16+$0x0], $0xffff  }
0xc3: {  	v5 =	vor.u32 s24, v0;
	_ =	sdelay $0x3  }
0xc4: {  	[tilespmem:s23+$0x130] =	vst v4  }
0xc5: {  	v4 =	vld.idx.msk [tilespmem:v5+s17+$0x0], $0xffff  }
0xc6: {  	v5 =	vor.u32 s24, v1;
	_ =	sdelay $0x3  }
0xc7: {  	[tilespmem:s23+$0x180] =	vst v4  }
0xc8: {  	v4 =	vld.idx.msk [tilespmem:v5+s17+$0x0], $0xffff  }
0xc9: {  	v5 =	vor.u32 s24, v2;
	_ =	sdelay $0x3  }
0xca: {  	[tilespmem:s23+$0x190] =	vst v4  }
0xcb: {  	v4 =	vld.idx.msk [tilespmem:v5+s17+$0x0], $0xffff  }
0xcc: {  	v5 =	vor.u32 s24, v3;
	_ =	sdelay $0x3  }
0xcd: {  	[tilespmem:s23+$0x1A0] =	vst v4  }
0xce: {  	p0 =	slt.u32 s21, $0x1E;
	v4 =	vld.idx.msk [tilespmem:v5+s17+$0x0], $0xffff  }
.Ltmp0:
0xcf: {  	_ = 	snop;
	(pc) =	sbr.rel @p0 .LBB2_2-.Ltmp0, $2  }
0xd0: {  	_ =	sdelay $0x2  }
0xd1: {  	s22 =	sadd.s32 $0x8, s22;
	[tilespmem:s23+$0x1B0] =	vst v4;
	s23 =	sadd.s32 $0x400, s23  }
0xd2: {  	s20 =	sadd.s32 $0x1, s20  }
0xd3: {  	p0 =	sne.s32 s20, s6  }
.Ltmp1:
0xd4: {  	_ = 	snop;
	(pc) =	sbr.rel @p0 .LBB2_1-.Ltmp1, $4  }
0xd5: {  	[hbm4b:s5+s3] =	stream.linear.scatter [tilespmem:s19], [sflag:$0x2], $0x4000, $0x38;
	[tilespmem:$0x14100] =	vst v63  }
0xd6: {  	_ =	swait.ge [sflag:s7], $0x4000  }
0xd7: {  	[sflag:s7] =	ssyncset.done $0x0  }
0xd8: {  	[sflag:s7] =	ssyncadd.s32 $0xFFFFC000  }
0xd9: {  	_ =	sfence.sel $0x180000  }
0xda: {  	[bflag:$0x0] =	sbarrier.arrive $0xFFFF  }
0xdb: {  	p0 =	sne.s32 s2, $0x0;
	_ =	strace $0x90000047  }
0xdc: {  	s0 =	sadd.s32 @!p0 $0x100000, s0;
	[bflag:$0x2] =	sbarrier.arrive $0xFFFF  }
0xdd: {  	[sflag:s0] =	ssyncadd.tile.s32 @!p0 $0x1;
	_ =	shalt  }
.Lfunc_end2:
_tile_overlayer_lowered:
.L_overlay_start_2:
0xde: {  	(tag) =	ssettag $0x2  }
0xdf: {  	s0 =	rddreg [dreg:$0x0];
	s2 =	stileid.u32  }
0xe0: {  	s1 =	rddreg [dreg:$0x1];
	p0 =	sne.s32 s2, $0x0  }
0xe1: {  	s3 =	rddreg [dreg:$0x2];
	[bflag:$0x3] =	sbarrier.arrive $0xFFFF;
	s2 =	simm.s32 @!p0 $0x1C02  }
0xe2: {  	[timem:s3], [sflag:s2] =	dma.local @!p0 [hbm:s0], s1  }
0xe3: {  	s0 =	simm.s32 @!p0 $0x2  }
0xe4: {  	_ =	swait.ge @!p0 [sflag:s0], s1  }
0xe5: {  	s1 =	ssub.s32 @!p0 $0x0, s1;
	[sflag:s0] =	ssyncset.done @!p0 $0x0  }
0xe6: {  	[sflag:s0] =	ssyncadd.s32 @!p0 s1  }
0xe7: {  	[bflag:$0x3] =	sbarrier.arrive $0xFFFF  }
0xe8: {  	_ =	shalt  }

</sc_bundles>
